<compile_context>
chip_gen: v7x
topology: tpu7x:2x2x1
jax: 0.10.2.dev20260603
libtpu: 0.0.44.dev20260713+nightly
codegen_flags: <defaults>
</compile_context>

<pallas_src>
import jax
import jax.numpy as jnp
from jax import lax
from jax.experimental import pallas as pl
from jax.experimental.pallas import tpu as pltpu
from jax.experimental.pallas import tpu_sc as plsc

_B, _C, _H, _W = 4, 96, 512, 512
_HW = _H * _W
_C_SC = 40
_C_TC = _C - _C_SC
_NC, _NS = 2, 16
_NW = _NC * _NS
_ROWS = _H // _NW
_CHUNK = _ROWS * _W
_LANES = 16
_G = 4
_NG = _C_SC // _G
_HROWS = _ROWS // 2
_HCHUNK = _HROWS * _W
_UNROLL = 2
_STEPS = _HCHUNK // (_LANES * _UNROLL)
_VPR = _W // _LANES

_CGRP = 8
_NCG = _C_TC // _CGRP


def _sc_partials_body(img, mask, out_s, out_ss, out_n,
                      mask_v, buf, s_v, ss_v, n_v, sem0, sem1):
    wid = lax.axis_index("s") * _NC + lax.axis_index("c")
    off = wid * _CHUNK
    row0 = wid * _ROWS
    sems = (sem0, sem1)
    zero = jnp.zeros((_LANES,), jnp.float32)

    for b in range(_B):
        pltpu.sync_copy(mask.at[b, 0, pl.ds(row0, _ROWS), :],
                        mask_v.at[b])

    def issue(b, h, c0, slot):
        pltpu.async_copy(
            img.at[b, pl.ds(c0, _G), pl.ds(row0 + h * _HROWS, _HROWS), :],
            buf.at[slot], sems[slot])

    issue(0, 0, 0, 0)
    issue(0, 1, 0, 1)

    def n_body(i, acc):
        rr = lax.div(i, _VPR)
        cc = lax.rem(i, _VPR) * _LANES
        acc0, acc1, acc2, acc3 = acc
        return (acc0 + mask_v[0, rr, pl.ds(cc, _LANES)],
                acc1 + mask_v[1, rr, pl.ds(cc, _LANES)],
                acc2 + mask_v[2, rr, pl.ds(cc, _LANES)],
                acc3 + mask_v[3, rr, pl.ds(cc, _LANES)])
    nacc = lax.fori_loop(0, _CHUNK // _LANES, n_body, (zero,) * _B)
    n_v[...] = nacc[0] + nacc[1] + nacc[2] + nacc[3]

    def group(gi, carry):
        del carry
        c0 = gi * _G
        acc = [zero] * (2 * _G)
        for b in range(_B):
            for h in range(2):
                slot = h
                pltpu.make_async_copy(
                    img.at[0, pl.ds(0, _G), pl.ds(0, _HROWS), :],
                    buf.at[slot], sems[slot]).wait()
                def step(i, a):
                    a = list(a)
                    r = lax.div(i * _UNROLL, _VPR)
                    cb = lax.rem(i * _UNROLL, _VPR) * _LANES
                    for u in range(_UNROLL):
                        m = mask_v[b, h * _HROWS + r,
                                   pl.ds(cb + u * _LANES, _LANES)]
                        for g in range(_G):
                            x = buf[slot, g, r,
                                    pl.ds(cb + u * _LANES, _LANES)]
                            xm = x * m
                            a[2 * g] = a[2 * g] + xm
                            a[2 * g + 1] = a[2 * g + 1] + xm * xm
                    return tuple(a)

                acc = list(lax.fori_loop(0, _STEPS, step, tuple(acc)))

                if b < _B - 1:
                    issue(b + 1, h, c0, slot)
                else:
                    @pl.when(gi + 1 < _NG)
                    def _():
                        issue(0, h, c0 + _G, slot)

        for g in range(_G):
            s_v[c0 + g] = acc[2 * g]
            ss_v[c0 + g] = acc[2 * g + 1]
        return 0

    lax.fori_loop(0, _NG, group, 0)

    pltpu.sync_copy(s_v, out_s.at[wid])
    pltpu.sync_copy(ss_v, out_ss.at[wid])
    pltpu.sync_copy(n_v, out_n.at[wid])


def _tc_partials_body(img_ref, mask_ref, out_ref):
    b = pl.program_id(0)
    cg = pl.program_id(1)

    @pl.when((b == 0) & (cg == 0))
    def _():
        out_ref[...] = jnp.zeros_like(out_ref)

    x = img_ref[0]
    m = mask_ref[0].astype(jnp.float32)
    xm = x * m
    s4 = jnp.sum(xm.reshape(_CGRP, _H // 8, 8, _W), axis=1)
    ss4 = jnp.sum((xm * xm).reshape(_CGRP, _H // 8, 8, _W), axis=1)
    s2 = jnp.sum(s4.reshape(_CGRP, 8, _W // 128, 128), axis=2)
    ss2 = jnp.sum(ss4.reshape(_CGRP, 8, _W // 128, 128), axis=2)
    out_ref[0, cg] += s2
    out_ref[1, cg] += ss2


def _finalize_body(s_ref, ss_ref, n_ref, tc_ref, out_ref):
    n = jnp.sum(n_ref[...])
    s_sc = jnp.sum(s_ref[...], axis=(0, 2))
    ss_sc = jnp.sum(ss_ref[...], axis=(0, 2))
    var_sc = (ss_sc - s_sc * s_sc / n) / (n - 1.0)
    s_tc = jnp.sum(jnp.sum(tc_ref[0], axis=3), axis=2)
    ss_tc = jnp.sum(jnp.sum(tc_ref[1], axis=3), axis=2)
    var_tc = (ss_tc - s_tc * s_tc / n) / (n - 1.0)
    total = jnp.sum(jnp.sqrt(var_sc)) + jnp.sum(jnp.sqrt(var_tc))
    out_ref[...] = (total / _C).reshape(1, 1)


@jax.jit
def kernel(img, mask):
    mask_f4 = mask.astype(jnp.float32)

    mesh = plsc.VectorSubcoreMesh(core_axis_name="c", subcore_axis_name="s")
    sc_partials = pl.kernel(
        _sc_partials_body,
        out_type=(
            jax.ShapeDtypeStruct((_NW, _C_SC, _LANES), jnp.float32),
            jax.ShapeDtypeStruct((_NW, _C_SC, _LANES), jnp.float32),
            jax.ShapeDtypeStruct((_NW, _LANES), jnp.float32),
        ),
        mesh=mesh,
        scratch_types=[
            pltpu.VMEM((_B, _ROWS, _W), jnp.float32),
            pltpu.VMEM((2, _G, _HROWS, _W), jnp.float32),
            pltpu.VMEM((_C_SC, _LANES), jnp.float32),
            pltpu.VMEM((_C_SC, _LANES), jnp.float32),
            pltpu.VMEM((_LANES,), jnp.float32),
            pltpu.SemaphoreType.DMA,
            pltpu.SemaphoreType.DMA,
        ],
    )
    part_s, part_ss, part_n = sc_partials(img, mask_f4)

    tc_part = pl.pallas_call(
        _tc_partials_body,
        grid=(_B, _NCG),
        in_specs=[
            pl.BlockSpec((1, _CGRP, _H, _W),
                         lambda b, cg: (b, cg + _C_SC // _CGRP, 0, 0)),
            pl.BlockSpec((1, 1, _H, _W),
                         lambda b, cg: (b, 0, 0, 0)),
        ],
        out_specs=pl.BlockSpec((2, _NCG, _CGRP, 8, 128),
                               lambda b, cg: (0, 0, 0, 0, 0)),
        out_shape=jax.ShapeDtypeStruct((2, _NCG, _CGRP, 8, 128), jnp.float32),
        compiler_params=pltpu.CompilerParams(
            dimension_semantics=("arbitrary", "arbitrary"),
        ),
    )(img, mask)

    loss = pl.pallas_call(
        _finalize_body,
        out_shape=jax.ShapeDtypeStruct((1, 1), jnp.float32),
    )(part_s, part_ss, part_n, tc_part)
    return loss[0, 0]

# --- scband reference (transcript-rebuilt; emitter-appended) ---
"""Pipeline reference for scband-mask-std-loss-53884659695758 (READ-ONLY COPY).

The authoritative reference and input builder live on the scoring server;
editing this copy changes nothing except your own understanding.
"""

import jax, jax.numpy as jnp
import numpy as np


def setup_inputs(seed: int = 0) -> dict:
    key = jax.random.key(seed)
    k1, k2 = jax.random.split(key)
    img = jax.random.normal(k1, (4, 96, 512, 512), dtype=jnp.float32)
    mask = jax.random.randint(k2, (4, 1, 512, 512), 0, 2).astype(jnp.bool_)
    return {"img": img, "mask": mask}


def reference(img, mask):
    # Faithful translation of MaskStdLoss.forward:
    #   for each channel ch of img, elements = masked_select(ch, mask);
    #   loss += std(elements) / C   (torch.std is unbiased, ddof=1)
    # masked_select broadcasts mask [B,1,H,W] against ch [B,1,H,W]; the set of
    # selected positions (and their count n) is identical for every channel, so
    # we vectorize the per-channel std over axis 1.
    B, C, H, W = img.shape
    m = mask.astype(img.dtype)  # [B,1,H,W]
    n = jnp.sum(m)  # number of masked elements per channel
    s = jnp.sum(img * m, axis=(0, 2, 3))  # [C]
    mean = s / n  # [C]
    diff = (img - mean[None, :, None, None]) * m
    var = jnp.sum(diff * diff, axis=(0, 2, 3)) / (n - 1.0)  # unbiased, ddof=1
    std = jnp.sqrt(var)  # [C]
    loss = jnp.sum(std) / C
    return loss

if __name__ == "__main__":
    import jax
    _d = setup_inputs()
    print(jax.jit(kernel)(*tuple(_d.values())))

</pallas_src>

<mosaic_0001>
#map = affine_map<(d0, d1) -> (0, 0, 0, 0)>
#map1 = affine_map<(d0, d1) -> (0, 0, 0)>
#map2 = affine_map<(d0, d1) -> (0, 0)>
module attributes {stable_mosaic.version = 14 : i64} {
  func.func @_sc_partials_body(%arg0: i32, %arg1: i32, %arg2: memref<4x96x512x512xf32, #tpu.memory_space<hbm>>, %arg3: memref<4x1x512x512xf32, #tpu.memory_space<hbm>>, %arg4: memref<32x40x16xf32, #tpu.memory_space<hbm>>, %arg5: memref<32x40x16xf32, #tpu.memory_space<hbm>>, %arg6: memref<32x16xf32, #tpu.memory_space<hbm>>, %arg7: memref<4x16x512xf32, #tpu.memory_space<vmem>>, %arg8: memref<2x4x8x512xf32, #tpu.memory_space<vmem>>, %arg9: memref<40x16xf32, #tpu.memory_space<vmem>>, %arg10: memref<40x16xf32, #tpu.memory_space<vmem>>, %arg11: memref<16xf32, #tpu.memory_space<vmem>>, %arg12: memref<!tpu.dma_semaphore, #tpu.memory_space<semaphore_mem>>, %arg13: memref<!tpu.dma_semaphore, #tpu.memory_space<semaphore_mem>>) attributes {dimension_semantics = [#tpu.dimension_semantics<core_parallel>, #tpu.dimension_semantics<subcore_parallel>], iteration_bounds = array<i64: 2, 16>, scalar_prefetch = 0 : i64, scratch_operands = 7 : i64, tpu.core_type = #tpu.core_type<sc_vector_subcore>, window_params = [{transform_indices = #map}, {transform_indices = #map}, {transform_indices = #map1}, {transform_indices = #map1}, {transform_indices = #map2}]} {
    %mul3A = arith.constant 2 : i32
    %mul3A_0 = arith.muli %arg1, %mul3A : i32
    %add3A = arith.addi %mul3A_0, %arg0 : i32
    %mul3A_1 = arith.constant 8192 : i32
    %mul3A_2 = arith.muli %add3A, %mul3A_1 : i32
    %mul3A_3 = arith.constant 16 : i32
    %mul3A_4 = arith.muli %add3A, %mul3A_3 : i32
    %broadcast_in_dim3A = arith.constant 0.000000e+00 : f32
    %broadcast_in_dim3A_5 = vector.broadcast %broadcast_in_dim3A : f32 to vector<16xf32>
    %run_scoped3A = arith.constant 0 : i32
    %run_scoped3A_6 = arith.constant 0 : i32
    %run_scoped3A_7 = arith.constant 0 : i32
    "tpu.region"() ({
      %run_scoped3A_78 = tpu.sem_alloc : memref<!tpu.dma_semaphore, #tpu.memory_space<semaphore_mem>>
      %dma_start3A_79 = arith.constant 0 : i32
      %dma_start3A_80 = arith.constant 0 : i32
      %dma_start3A_81 = tpu.memref_slice %arg7[%run_scoped3A_7, %dma_start3A_79, %dma_start3A_80] : memref<4x16x512xf32, #tpu.memory_space<vmem>> -> memref<1x16x512xf32, #tpu.memory_space<vmem>>
      %dma_start3A_82 = tpu.memref_squeeze %dma_start3A_81 : memref<1x16x512xf32, #tpu.memory_space<vmem>> -> memref<16x512xf32, #tpu.memory_space<vmem>>
      %dma_start3A_83 = arith.constant 0 : i32
      %dma_start3A_84 = tpu.memref_slice %arg3[%run_scoped3A, %run_scoped3A_6, %mul3A_4, %dma_start3A_83] : memref<4x1x512x512xf32, #tpu.memory_space<hbm>> -> memref<1x1x16x512xf32, #tpu.memory_space<hbm>>
      %dma_start3A_85 = tpu.memref_squeeze %dma_start3A_84 : memref<1x1x16x512xf32, #tpu.memory_space<hbm>> -> memref<16x512xf32, #tpu.memory_space<hbm>>
      %dma_start3A_86 = arith.constant 0 : i32
      %dma_start3A_87 = arith.constant 0 : i32
      %dma_start3A_88 = tpu.memref_slice %arg7[%run_scoped3A_7, %dma_start3A_86, %dma_start3A_87] : memref<4x16x512xf32, #tpu.memory_space<vmem>> -> memref<1x16x512xf32, #tpu.memory_space<vmem>>
      %dma_start3A_89 = tpu.memref_squeeze %dma_start3A_88 : memref<1x16x512xf32, #tpu.memory_space<vmem>> -> memref<16x512xf32, #tpu.memory_space<vmem>>
      %dma_start3A_90 = arith.constant 0 : i32
      %dma_start3A_91 = tpu.memref_slice %arg3[%run_scoped3A, %run_scoped3A_6, %mul3A_4, %dma_start3A_90] : memref<4x1x512x512xf32, #tpu.memory_space<hbm>> -> memref<1x1x16x512xf32, #tpu.memory_space<hbm>>
      %dma_start3A_92 = tpu.memref_squeeze %dma_start3A_91 : memref<1x1x16x512xf32, #tpu.memory_space<hbm>> -> memref<16x512xf32, #tpu.memory_space<hbm>>
      tpu.enqueue_dma source(%dma_start3A_92 : memref<16x512xf32, #tpu.memory_space<hbm>>) target(%dma_start3A_89 : memref<16x512xf32, #tpu.memory_space<vmem>>) target_semaphore(%run_scoped3A_78 : memref<!tpu.dma_semaphore, #tpu.memory_space<semaphore_mem>>)
      %dma_wait3A = arith.constant 0 : i32
      %dma_wait3A_93 = arith.constant 0 : i32
      %dma_wait3A_94 = tpu.memref_slice %arg7[%run_scoped3A_7, %dma_wait3A, %dma_wait3A_93] : memref<4x16x512xf32, #tpu.memory_space<vmem>> -> memref<1x16x512xf32, #tpu.memory_space<vmem>>
      %dma_wait3A_95 = tpu.memref_squeeze %dma_wait3A_94 : memref<1x16x512xf32, #tpu.memory_space<vmem>> -> memref<16x512xf32, #tpu.memory_space<vmem>>
      %dma_wait3A_96 = arith.constant 0 : i32
      %dma_wait3A_97 = tpu.memref_slice %arg3[%run_scoped3A, %run_scoped3A_6, %mul3A_4, %dma_wait3A_96] : memref<4x1x512x512xf32, #tpu.memory_space<hbm>> -> memref<1x1x16x512xf32, #tpu.memory_space<hbm>>
      %dma_wait3A_98 = tpu.memref_squeeze %dma_wait3A_97 : memref<1x1x16x512xf32, #tpu.memory_space<hbm>> -> memref<16x512xf32, #tpu.memory_space<hbm>>
      %dma_wait3A_99 = arith.constant 0 : i32
      %dma_wait3A_100 = arith.constant 0 : i32
      %dma_wait3A_101 = tpu.memref_slice %arg7[%run_scoped3A_7, %dma_wait3A_99, %dma_wait3A_100] : memref<4x16x512xf32, #tpu.memory_space<vmem>> -> memref<1x16x512xf32, #tpu.memory_space<vmem>>
      %dma_wait3A_102 = tpu.memref_squeeze %dma_wait3A_101 : memref<1x16x512xf32, #tpu.memory_space<vmem>> -> memref<16x512xf32, #tpu.memory_space<vmem>>
      %dma_wait3A_103 = arith.constant 0 : i32
      %dma_wait3A_104 = tpu.memref_slice %arg3[%run_scoped3A, %run_scoped3A_6, %mul3A_4, %dma_wait3A_103] : memref<4x1x512x512xf32, #tpu.memory_space<hbm>> -> memref<1x1x16x512xf32, #tpu.memory_space<hbm>>
      %dma_wait3A_105 = tpu.memref_squeeze %dma_wait3A_104 : memref<1x1x16x512xf32, #tpu.memory_space<hbm>> -> memref<16x512xf32, #tpu.memory_space<hbm>>
      tpu.wait_dma2 semaphore(%run_scoped3A_78 : memref<!tpu.dma_semaphore, #tpu.memory_space<semaphore_mem>>) src(%dma_wait3A_105 : memref<16x512xf32, #tpu.memory_space<hbm>>) dst(%dma_wait3A_102 : memref<16x512xf32, #tpu.memory_space<vmem>>)
      tpu.yield
    }) : () -> ()
    %run_scoped3A_8 = arith.constant 1 : i32
    %run_scoped3A_9 = arith.constant 0 : i32
    %run_scoped3A_10 = arith.constant 1 : i32
    "tpu.region"() ({
      %run_scoped3A_78 = tpu.sem_alloc : memref<!tpu.dma_semaphore, #tpu.memory_space<semaphore_mem>>
      %dma_start3A_79 = arith.constant 0 : i32
      %dma_start3A_80 = arith.constant 0 : i32
      %dma_start3A_81 = tpu.memref_slice %arg7[%run_scoped3A_10, %dma_start3A_79, %dma_start3A_80] : memref<4x16x512xf32, #tpu.memory_space<vmem>> -> memref<1x16x512xf32, #tpu.memory_space<vmem>>
      %dma_start3A_82 = tpu.memref_squeeze %dma_start3A_81 : memref<1x16x512xf32, #tpu.memory_space<vmem>> -> memref<16x512xf32, #tpu.memory_space<vmem>>
      %dma_start3A_83 = arith.constant 0 : i32
      %dma_start3A_84 = tpu.memref_slice %arg3[%run_scoped3A_8, %run_scoped3A_9, %mul3A_4, %dma_start3A_83] : memref<4x1x512x512xf32, #tpu.memory_space<hbm>> -> memref<1x1x16x512xf32, #tpu.memory_space<hbm>>
      %dma_start3A_85 = tpu.memref_squeeze %dma_start3A_84 : memref<1x1x16x512xf32, #tpu.memory_space<hbm>> -> memref<16x512xf32, #tpu.memory_space<hbm>>
      %dma_start3A_86 = arith.constant 0 : i32
      %dma_start3A_87 = arith.constant 0 : i32
      %dma_start3A_88 = tpu.memref_slice %arg7[%run_scoped3A_10, %dma_start3A_86, %dma_start3A_87] : memref<4x16x512xf32, #tpu.memory_space<vmem>> -> memref<1x16x512xf32, #tpu.memory_space<vmem>>
      %dma_start3A_89 = tpu.memref_squeeze %dma_start3A_88 : memref<1x16x512xf32, #tpu.memory_space<vmem>> -> memref<16x512xf32, #tpu.memory_space<vmem>>
      %dma_start3A_90 = arith.constant 0 : i32
      %dma_start3A_91 = tpu.memref_slice %arg3[%run_scoped3A_8, %run_scoped3A_9, %mul3A_4, %dma_start3A_90] : memref<4x1x512x512xf32, #tpu.memory_space<hbm>> -> memref<1x1x16x512xf32, #tpu.memory_space<hbm>>
      %dma_start3A_92 = tpu.memref_squeeze %dma_start3A_91 : memref<1x1x16x512xf32, #tpu.memory_space<hbm>> -> memref<16x512xf32, #tpu.memory_space<hbm>>
      tpu.enqueue_dma source(%dma_start3A_92 : memref<16x512xf32, #tpu.memory_space<hbm>>) target(%dma_start3A_89 : memref<16x512xf32, #tpu.memory_space<vmem>>) target_semaphore(%run_scoped3A_78 : memref<!tpu.dma_semaphore, #tpu.memory_space<semaphore_mem>>)
      %dma_wait3A = arith.constant 0 : i32
      %dma_wait3A_93 = arith.constant 0 : i32
      %dma_wait3A_94 = tpu.memref_slice %arg7[%run_scoped3A_10, %dma_wait3A, %dma_wait3A_93] : memref<4x16x512xf32, #tpu.memory_space<vmem>> -> memref<1x16x512xf32, #tpu.memory_space<vmem>>
      %dma_wait3A_95 = tpu.memref_squeeze %dma_wait3A_94 : memref<1x16x512xf32, #tpu.memory_space<vmem>> -> memref<16x512xf32, #tpu.memory_space<vmem>>
      %dma_wait3A_96 = arith.constant 0 : i32
      %dma_wait3A_97 = tpu.memref_slice %arg3[%run_scoped3A_8, %run_scoped3A_9, %mul3A_4, %dma_wait3A_96] : memref<4x1x512x512xf32, #tpu.memory_space<hbm>> -> memref<1x1x16x512xf32, #tpu.memory_space<hbm>>
      %dma_wait3A_98 = tpu.memref_squeeze %dma_wait3A_97 : memref<1x1x16x512xf32, #tpu.memory_space<hbm>> -> memref<16x512xf32, #tpu.memory_space<hbm>>
      %dma_wait3A_99 = arith.constant 0 : i32
      %dma_wait3A_100 = arith.constant 0 : i32
      %dma_wait3A_101 = tpu.memref_slice %arg7[%run_scoped3A_10, %dma_wait3A_99, %dma_wait3A_100] : memref<4x16x512xf32, #tpu.memory_space<vmem>> -> memref<1x16x512xf32, #tpu.memory_space<vmem>>
      %dma_wait3A_102 = tpu.memref_squeeze %dma_wait3A_101 : memref<1x16x512xf32, #tpu.memory_space<vmem>> -> memref<16x512xf32, #tpu.memory_space<vmem>>
      %dma_wait3A_103 = arith.constant 0 : i32
      %dma_wait3A_104 = tpu.memref_slice %arg3[%run_scoped3A_8, %run_scoped3A_9, %mul3A_4, %dma_wait3A_103] : memref<4x1x512x512xf32, #tpu.memory_space<hbm>> -> memref<1x1x16x512xf32, #tpu.memory_space<hbm>>
      %dma_wait3A_105 = tpu.memref_squeeze %dma_wait3A_104 : memref<1x1x16x512xf32, #tpu.memory_space<hbm>> -> memref<16x512xf32, #tpu.memory_space<hbm>>
      tpu.wait_dma2 semaphore(%run_scoped3A_78 : memref<!tpu.dma_semaphore, #tpu.memory_space<semaphore_mem>>) src(%dma_wait3A_105 : memref<16x512xf32, #tpu.memory_space<hbm>>) dst(%dma_wait3A_102 : memref<16x512xf32, #tpu.memory_space<vmem>>)
      tpu.yield
    }) : () -> ()
    %run_scoped3A_11 = arith.constant 2 : i32
    %run_scoped3A_12 = arith.constant 0 : i32
    %run_scoped3A_13 = arith.constant 2 : i32
    "tpu.region"() ({
      %run_scoped3A_78 = tpu.sem_alloc : memref<!tpu.dma_semaphore, #tpu.memory_space<semaphore_mem>>
      %dma_start3A_79 = arith.constant 0 : i32
      %dma_start3A_80 = arith.constant 0 : i32
      %dma_start3A_81 = tpu.memref_slice %arg7[%run_scoped3A_13, %dma_start3A_79, %dma_start3A_80] : memref<4x16x512xf32, #tpu.memory_space<vmem>> -> memref<1x16x512xf32, #tpu.memory_space<vmem>>
      %dma_start3A_82 = tpu.memref_squeeze %dma_start3A_81 : memref<1x16x512xf32, #tpu.memory_space<vmem>> -> memref<16x512xf32, #tpu.memory_space<vmem>>
      %dma_start3A_83 = arith.constant 0 : i32
      %dma_start3A_84 = tpu.memref_slice %arg3[%run_scoped3A_11, %run_scoped3A_12, %mul3A_4, %dma_start3A_83] : memref<4x1x512x512xf32, #tpu.memory_space<hbm>> -> memref<1x1x16x512xf32, #tpu.memory_space<hbm>>
      %dma_start3A_85 = tpu.memref_squeeze %dma_start3A_84 : memref<1x1x16x512xf32, #tpu.memory_space<hbm>> -> memref<16x512xf32, #tpu.memory_space<hbm>>
      %dma_start3A_86 = arith.constant 0 : i32
      %dma_start3A_87 = arith.constant 0 : i32
      %dma_start3A_88 = tpu.memref_slice %arg7[%run_scoped3A_13, %dma_start3A_86, %dma_start3A_87] : memref<4x16x512xf32, #tpu.memory_space<vmem>> -> memref<1x16x512xf32, #tpu.memory_space<vmem>>
      %dma_start3A_89 = tpu.memref_squeeze %dma_start3A_88 : memref<1x16x512xf32, #tpu.memory_space<vmem>> -> memref<16x512xf32, #tpu.memory_space<vmem>>
      %dma_start3A_90 = arith.constant 0 : i32
      %dma_start3A_91 = tpu.memref_slice %arg3[%run_scoped3A_11, %run_scoped3A_12, %mul3A_4, %dma_start3A_90] : memref<4x1x512x512xf32, #tpu.memory_space<hbm>> -> memref<1x1x16x512xf32, #tpu.memory_space<hbm>>
      %dma_start3A_92 = tpu.memref_squeeze %dma_start3A_91 : memref<1x1x16x512xf32, #tpu.memory_space<hbm>> -> memref<16x512xf32, #tpu.memory_space<hbm>>
      tpu.enqueue_dma source(%dma_start3A_92 : memref<16x512xf32, #tpu.memory_space<hbm>>) target(%dma_start3A_89 : memref<16x512xf32, #tpu.memory_space<vmem>>) target_semaphore(%run_scoped3A_78 : memref<!tpu.dma_semaphore, #tpu.memory_space<semaphore_mem>>)
      %dma_wait3A = arith.constant 0 : i32
      %dma_wait3A_93 = arith.constant 0 : i32
      %dma_wait3A_94 = tpu.memref_slice %arg7[%run_scoped3A_13, %dma_wait3A, %dma_wait3A_93] : memref<4x16x512xf32, #tpu.memory_space<vmem>> -> memref<1x16x512xf32, #tpu.memory_space<vmem>>
      %dma_wait3A_95 = tpu.memref_squeeze %dma_wait3A_94 : memref<1x16x512xf32, #tpu.memory_space<vmem>> -> memref<16x512xf32, #tpu.memory_space<vmem>>
      %dma_wait3A_96 = arith.constant 0 : i32
      %dma_wait3A_97 = tpu.memref_slice %arg3[%run_scoped3A_11, %run_scoped3A_12, %mul3A_4, %dma_wait3A_96] : memref<4x1x512x512xf32, #tpu.memory_space<hbm>> -> memref<1x1x16x512xf32, #tpu.memory_space<hbm>>
      %dma_wait3A_98 = tpu.memref_squeeze %dma_wait3A_97 : memref<1x1x16x512xf32, #tpu.memory_space<hbm>> -> memref<16x512xf32, #tpu.memory_space<hbm>>
      %dma_wait3A_99 = arith.constant 0 : i32
      %dma_wait3A_100 = arith.constant 0 : i32
      %dma_wait3A_101 = tpu.memref_slice %arg7[%run_scoped3A_13, %dma_wait3A_99, %dma_wait3A_100] : memref<4x16x512xf32, #tpu.memory_space<vmem>> -> memref<1x16x512xf32, #tpu.memory_space<vmem>>
      %dma_wait3A_102 = tpu.memref_squeeze %dma_wait3A_101 : memref<1x16x512xf32, #tpu.memory_space<vmem>> -> memref<16x512xf32, #tpu.memory_space<vmem>>
      %dma_wait3A_103 = arith.constant 0 : i32
      %dma_wait3A_104 = tpu.memref_slice %arg3[%run_scoped3A_11, %run_scoped3A_12, %mul3A_4, %dma_wait3A_103] : memref<4x1x512x512xf32, #tpu.memory_space<hbm>> -> memref<1x1x16x512xf32, #tpu.memory_space<hbm>>
      %dma_wait3A_105 = tpu.memref_squeeze %dma_wait3A_104 : memref<1x1x16x512xf32, #tpu.memory_space<hbm>> -> memref<16x512xf32, #tpu.memory_space<hbm>>
      tpu.wait_dma2 semaphore(%run_scoped3A_78 : memref<!tpu.dma_semaphore, #tpu.memory_space<semaphore_mem>>) src(%dma_wait3A_105 : memref<16x512xf32, #tpu.memory_space<hbm>>) dst(%dma_wait3A_102 : memref<16x512xf32, #tpu.memory_space<vmem>>)
      tpu.yield
    }) : () -> ()
    %run_scoped3A_14 = arith.constant 3 : i32
    %run_scoped3A_15 = arith.constant 0 : i32
    %run_scoped3A_16 = arith.constant 3 : i32
    "tpu.region"() ({
      %run_scoped3A_78 = tpu.sem_alloc : memref<!tpu.dma_semaphore, #tpu.memory_space<semaphore_mem>>
      %dma_start3A_79 = arith.constant 0 : i32
      %dma_start3A_80 = arith.constant 0 : i32
      %dma_start3A_81 = tpu.memref_slice %arg7[%run_scoped3A_16, %dma_start3A_79, %dma_start3A_80] : memref<4x16x512xf32, #tpu.memory_space<vmem>> -> memref<1x16x512xf32, #tpu.memory_space<vmem>>
      %dma_start3A_82 = tpu.memref_squeeze %dma_start3A_81 : memref<1x16x512xf32, #tpu.memory_space<vmem>> -> memref<16x512xf32, #tpu.memory_space<vmem>>
      %dma_start3A_83 = arith.constant 0 : i32
      %dma_start3A_84 = tpu.memref_slice %arg3[%run_scoped3A_14, %run_scoped3A_15, %mul3A_4, %dma_start3A_83] : memref<4x1x512x512xf32, #tpu.memory_space<hbm>> -> memref<1x1x16x512xf32, #tpu.memory_space<hbm>>
      %dma_start3A_85 = tpu.memref_squeeze %dma_start3A_84 : memref<1x1x16x512xf32, #tpu.memory_space<hbm>> -> memref<16x512xf32, #tpu.memory_space<hbm>>
      %dma_start3A_86 = arith.constant 0 : i32
      %dma_start3A_87 = arith.constant 0 : i32
      %dma_start3A_88 = tpu.memref_slice %arg7[%run_scoped3A_16, %dma_start3A_86, %dma_start3A_87] : memref<4x16x512xf32, #tpu.memory_space<vmem>> -> memref<1x16x512xf32, #tpu.memory_space<vmem>>
      %dma_start3A_89 = tpu.memref_squeeze %dma_start3A_88 : memref<1x16x512xf32, #tpu.memory_space<vmem>> -> memref<16x512xf32, #tpu.memory_space<vmem>>
      %dma_start3A_90 = arith.constant 0 : i32
      %dma_start3A_91 = tpu.memref_slice %arg3[%run_scoped3A_14, %run_scoped3A_15, %mul3A_4, %dma_start3A_90] : memref<4x1x512x512xf32, #tpu.memory_space<hbm>> -> memref<1x1x16x512xf32, #tpu.memory_space<hbm>>
      %dma_start3A_92 = tpu.memref_squeeze %dma_start3A_91 : memref<1x1x16x512xf32, #tpu.memory_space<hbm>> -> memref<16x512xf32, #tpu.memory_space<hbm>>
      tpu.enqueue_dma source(%dma_start3A_92 : memref<16x512xf32, #tpu.memory_space<hbm>>) target(%dma_start3A_89 : memref<16x512xf32, #tpu.memory_space<vmem>>) target_semaphore(%run_scoped3A_78 : memref<!tpu.dma_semaphore, #tpu.memory_space<semaphore_mem>>)
      %dma_wait3A = arith.constant 0 : i32
      %dma_wait3A_93 = arith.constant 0 : i32
      %dma_wait3A_94 = tpu.memref_slice %arg7[%run_scoped3A_16, %dma_wait3A, %dma_wait3A_93] : memref<4x16x512xf32, #tpu.memory_space<vmem>> -> memref<1x16x512xf32, #tpu.memory_space<vmem>>
      %dma_wait3A_95 = tpu.memref_squeeze %dma_wait3A_94 : memref<1x16x512xf32, #tpu.memory_space<vmem>> -> memref<16x512xf32, #tpu.memory_space<vmem>>
      %dma_wait3A_96 = arith.constant 0 : i32
      %dma_wait3A_97 = tpu.memref_slice %arg3[%run_scoped3A_14, %run_scoped3A_15, %mul3A_4, %dma_wait3A_96] : memref<4x1x512x512xf32, #tpu.memory_space<hbm>> -> memref<1x1x16x512xf32, #tpu.memory_space<hbm>>
      %dma_wait3A_98 = tpu.memref_squeeze %dma_wait3A_97 : memref<1x1x16x512xf32, #tpu.memory_space<hbm>> -> memref<16x512xf32, #tpu.memory_space<hbm>>
      %dma_wait3A_99 = arith.constant 0 : i32
      %dma_wait3A_100 = arith.constant 0 : i32
      %dma_wait3A_101 = tpu.memref_slice %arg7[%run_scoped3A_16, %dma_wait3A_99, %dma_wait3A_100] : memref<4x16x512xf32, #tpu.memory_space<vmem>> -> memref<1x16x512xf32, #tpu.memory_space<vmem>>
      %dma_wait3A_102 = tpu.memref_squeeze %dma_wait3A_101 : memref<1x16x512xf32, #tpu.memory_space<vmem>> -> memref<16x512xf32, #tpu.memory_space<vmem>>
      %dma_wait3A_103 = arith.constant 0 : i32
      %dma_wait3A_104 = tpu.memref_slice %arg3[%run_scoped3A_14, %run_scoped3A_15, %mul3A_4, %dma_wait3A_103] : memref<4x1x512x512xf32, #tpu.memory_space<hbm>> -> memref<1x1x16x512xf32, #tpu.memory_space<hbm>>
      %dma_wait3A_105 = tpu.memref_squeeze %dma_wait3A_104 : memref<1x1x16x512xf32, #tpu.memory_space<hbm>> -> memref<16x512xf32, #tpu.memory_space<hbm>>
      tpu.wait_dma2 semaphore(%run_scoped3A_78 : memref<!tpu.dma_semaphore, #tpu.memory_space<semaphore_mem>>) src(%dma_wait3A_105 : memref<16x512xf32, #tpu.memory_space<hbm>>) dst(%dma_wait3A_102 : memref<16x512xf32, #tpu.memory_space<vmem>>)
      tpu.yield
    }) : () -> ()
    %add3A_17 = arith.constant 0 : i32
    %add3A_18 = arith.addi %mul3A_4, %add3A_17 : i32
    %dma_start3A = arith.constant 0 : i32
    %dma_start3A_19 = arith.constant 0 : i32
    %dma_start3A_20 = arith.constant 0 : i32
    %dma_start3A_21 = arith.constant 0 : i32
    %dma_start3A_22 = arith.constant 0 : i32
    %dma_start3A_23 = tpu.memref_slice %arg8[%dma_start3A_19, %dma_start3A_20, %dma_start3A_21, %dma_start3A_22] : memref<2x4x8x512xf32, #tpu.memory_space<vmem>> -> memref<1x4x8x512xf32, #tpu.memory_space<vmem>>
    %dma_start3A_24 = tpu.memref_squeeze %dma_start3A_23 : memref<1x4x8x512xf32, #tpu.memory_space<vmem>> -> memref<4x8x512xf32, #tpu.memory_space<vmem>>
    %dma_start3A_25 = arith.constant 0 : i32
    %dma_start3A_26 = arith.constant 0 : i32
    %dma_start3A_27 = tpu.memref_slice %arg2[%dma_start3A, %dma_start3A_25, %add3A_18, %dma_start3A_26] : memref<4x96x512x512xf32, #tpu.memory_space<hbm>> -> memref<1x4x8x512xf32, #tpu.memory_space<hbm>>
    %dma_start3A_28 = tpu.memref_squeeze %dma_start3A_27 : memref<1x4x8x512xf32, #tpu.memory_space<hbm>> -> memref<4x8x512xf32, #tpu.memory_space<hbm>>
    %dma_start3A_29 = arith.constant 0 : i32
    %dma_start3A_30 = arith.constant 0 : i32
    %dma_start3A_31 = arith.constant 0 : i32
    %dma_start3A_32 = tpu.memref_slice %arg8[%dma_start3A_19, %dma_start3A_29, %dma_start3A_30, %dma_start3A_31] : memref<2x4x8x512xf32, #tpu.memory_space<vmem>> -> memref<1x4x8x512xf32, #tpu.memory_space<vmem>>
    %dma_start3A_33 = tpu.memref_squeeze %dma_start3A_32 : memref<1x4x8x512xf32, #tpu.memory_space<vmem>> -> memref<4x8x512xf32, #tpu.memory_space<vmem>>
    %dma_start3A_34 = arith.constant 0 : i32
    %dma_start3A_35 = arith.constant 0 : i32
    %dma_start3A_36 = tpu.memref_slice %arg2[%dma_start3A, %dma_start3A_34, %add3A_18, %dma_start3A_35] : memref<4x96x512x512xf32, #tpu.memory_space<hbm>> -> memref<1x4x8x512xf32, #tpu.memory_space<hbm>>
    %dma_start3A_37 = tpu.memref_squeeze %dma_start3A_36 : memref<1x4x8x512xf32, #tpu.memory_space<hbm>> -> memref<4x8x512xf32, #tpu.memory_space<hbm>>
    tpu.enqueue_dma source(%dma_start3A_37 : memref<4x8x512xf32, #tpu.memory_space<hbm>>) target(%dma_start3A_33 : memref<4x8x512xf32, #tpu.memory_space<vmem>>) target_semaphore(%arg12 : memref<!tpu.dma_semaphore, #tpu.memory_space<semaphore_mem>>)
    %add3A_38 = arith.constant 8 : i32
    %add3A_39 = arith.addi %mul3A_4, %add3A_38 : i32
    %dma_start3A_40 = arith.constant 0 : i32
    %dma_start3A_41 = arith.constant 1 : i32
    %dma_start3A_42 = arith.constant 0 : i32
    %dma_start3A_43 = arith.constant 0 : i32
    %dma_start3A_44 = arith.constant 0 : i32
    %dma_start3A_45 = tpu.memref_slice %arg8[%dma_start3A_41, %dma_start3A_42, %dma_start3A_43, %dma_start3A_44] : memref<2x4x8x512xf32, #tpu.memory_space<vmem>> -> memref<1x4x8x512xf32, #tpu.memory_space<vmem>>
    %dma_start3A_46 = tpu.memref_squeeze %dma_start3A_45 : memref<1x4x8x512xf32, #tpu.memory_space<vmem>> -> memref<4x8x512xf32, #tpu.memory_space<vmem>>
    %dma_start3A_47 = arith.constant 0 : i32
    %dma_start3A_48 = arith.constant 0 : i32
    %dma_start3A_49 = tpu.memref_slice %arg2[%dma_start3A_40, %dma_start3A_47, %add3A_39, %dma_start3A_48] : memref<4x96x512x512xf32, #tpu.memory_space<hbm>> -> memref<1x4x8x512xf32, #tpu.memory_space<hbm>>
    %dma_start3A_50 = tpu.memref_squeeze %dma_start3A_49 : memref<1x4x8x512xf32, #tpu.memory_space<hbm>> -> memref<4x8x512xf32, #tpu.memory_space<hbm>>
    %dma_start3A_51 = arith.constant 0 : i32
    %dma_start3A_52 = arith.constant 0 : i32
    %dma_start3A_53 = arith.constant 0 : i32
    %dma_start3A_54 = tpu.memref_slice %arg8[%dma_start3A_41, %dma_start3A_51, %dma_start3A_52, %dma_start3A_53] : memref<2x4x8x512xf32, #tpu.memory_space<vmem>> -> memref<1x4x8x512xf32, #tpu.memory_space<vmem>>
    %dma_start3A_55 = tpu.memref_squeeze %dma_start3A_54 : memref<1x4x8x512xf32, #tpu.memory_space<vmem>> -> memref<4x8x512xf32, #tpu.memory_space<vmem>>
    %dma_start3A_56 = arith.constant 0 : i32
    %dma_start3A_57 = arith.constant 0 : i32
    %dma_start3A_58 = tpu.memref_slice %arg2[%dma_start3A_40, %dma_start3A_56, %add3A_39, %dma_start3A_57] : memref<4x96x512x512xf32, #tpu.memory_space<hbm>> -> memref<1x4x8x512xf32, #tpu.memory_space<hbm>>
    %dma_start3A_59 = tpu.memref_squeeze %dma_start3A_58 : memref<1x4x8x512xf32, #tpu.memory_space<hbm>> -> memref<4x8x512xf32, #tpu.memory_space<hbm>>
    tpu.enqueue_dma source(%dma_start3A_59 : memref<4x8x512xf32, #tpu.memory_space<hbm>>) target(%dma_start3A_55 : memref<4x8x512xf32, #tpu.memory_space<vmem>>) target_semaphore(%arg13 : memref<!tpu.dma_semaphore, #tpu.memory_space<semaphore_mem>>)
    %scan3A = arith.constant 0 : i32
    %scan3A_60 = arith.constant 512 : i32
    %scan3A_61 = arith.addi %scan3A, %scan3A_60 : i32
    %scan3A_62 = arith.constant 1 : i32
    %scan3A_63:4 = scf.for %scan3A_78 = %scan3A to %scan3A_61 step %scan3A_62 iter_args(%scan3A_79 = %broadcast_in_dim3A_5, %scan3A_80 = %broadcast_in_dim3A_5, %scan3A_81 = %broadcast_in_dim3A_5, %scan3A_82 = %broadcast_in_dim3A_5) -> (vector<16xf32>, vector<16xf32>, vector<16xf32>, vector<16xf32>)  : i32 {
      %div3A = arith.constant 32 : i32
      %div3A_83 = arith.divsi %scan3A_78, %div3A : i32
      %rem3A = arith.constant 32 : i32
      %rem3A_84 = arith.remsi %scan3A_78, %rem3A : i32
      %mul3A_85 = arith.constant 16 : i32
      %mul3A_86 = arith.muli %rem3A_84, %mul3A_85 : i32
      %get3A = arith.constant 0 : i32
      %get3A_87 = arith.index_cast %get3A : i32 to index
      %get3A_88 = arith.index_cast %div3A_83 : i32 to index
      %get3A_89 = arith.index_cast %mul3A_86 : i32 to index
      %get3A_90 = tpu.vector_load %arg7[%get3A_87, %get3A_88, %get3A_89] {strides = array<i32>} : memref<4x16x512xf32, #tpu.memory_space<vmem>>, vector<1x1x16xf32>,
      %get3A_91 = vector.shape_cast %get3A_90 : vector<1x1x16xf32> to vector<16xf32>
      %add3A_92 = arith.addf %scan3A_79, %get3A_91 : vector<16xf32>
      %get3A_93 = arith.constant 1 : i32
      %get3A_94 = arith.index_cast %get3A_93 : i32 to index
      %get3A_95 = arith.index_cast %div3A_83 : i32 to index
      %get3A_96 = arith.index_cast %mul3A_86 : i32 to index
      %get3A_97 = tpu.vector_load %arg7[%get3A_94, %get3A_95, %get3A_96] {strides = array<i32>} : memref<4x16x512xf32, #tpu.memory_space<vmem>>, vector<1x1x16xf32>,
      %get3A_98 = vector.shape_cast %get3A_97 : vector<1x1x16xf32> to vector<16xf32>
      %add3A_99 = arith.addf %scan3A_80, %get3A_98 : vector<16xf32>
      %get3A_100 = arith.constant 2 : i32
      %get3A_101 = arith.index_cast %get3A_100 : i32 to index
      %get3A_102 = arith.index_cast %div3A_83 : i32 to index
      %get3A_103 = arith.index_cast %mul3A_86 : i32 to index
      %get3A_104 = tpu.vector_load %arg7[%get3A_101, %get3A_102, %get3A_103] {strides = array<i32>} : memref<4x16x512xf32, #tpu.memory_space<vmem>>, vector<1x1x16xf32>,
      %get3A_105 = vector.shape_cast %get3A_104 : vector<1x1x16xf32> to vector<16xf32>
      %add3A_106 = arith.addf %scan3A_81, %get3A_105 : vector<16xf32>
      %get3A_107 = arith.constant 3 : i32
      %get3A_108 = arith.index_cast %get3A_107 : i32 to index
      %get3A_109 = arith.index_cast %div3A_83 : i32 to index
      %get3A_110 = arith.index_cast %mul3A_86 : i32 to index
      %get3A_111 = tpu.vector_load %arg7[%get3A_108, %get3A_109, %get3A_110] {strides = array<i32>} : memref<4x16x512xf32, #tpu.memory_space<vmem>>, vector<1x1x16xf32>,
      %get3A_112 = vector.shape_cast %get3A_111 : vector<1x1x16xf32> to vector<16xf32>
      %add3A_113 = arith.addf %scan3A_82, %get3A_112 : vector<16xf32>
      scf.yield %add3A_92, %add3A_99, %add3A_106, %add3A_113 : vector<16xf32>, vector<16xf32>, vector<16xf32>, vector<16xf32>
    }
    %scan3A_64 = arith.constant 512 : i32
    %add3A_65 = arith.addf %scan3A_63#0, %scan3A_63#1 : vector<16xf32>
    %add3A_66 = arith.addf %add3A_65, %scan3A_63#2 : vector<16xf32>
    %add3A_67 = arith.addf %add3A_66, %scan3A_63#3 : vector<16xf32>
    %swap3A = arith.constant 0 : index
    %swap3A_68 = tpu.vector_load %arg11[%swap3A] {strides = array<i32>} : memref<16xf32, #tpu.memory_space<vmem>>, vector<16xf32>,
    %swap3A_69 = vector.shape_cast %swap3A_68 : vector<16xf32> to vector<16xf32>
    %swap3A_70 = vector.shape_cast %add3A_67 : vector<16xf32> to vector<16xf32>
    tpu.vector_store %arg11[%swap3A], %swap3A_70 {strides = array<i32>} : memref<16xf32, #tpu.memory_space<vmem>>, vector<16xf32>,
    %scan3A_71 = arith.constant 0 : i32
    %scan3A_72 = arith.constant 0 : i32
    %scan3A_73 = arith.constant 10 : i32
    %scan3A_74 = arith.addi %scan3A_72, %scan3A_73 : i32
    %scan3A_75 = arith.constant 1 : i32
    %scan3A_76 = scf.for %scan3A_78 = %scan3A_72 to %scan3A_74 step %scan3A_75 iter_args(%scan3A_79 = %scan3A_71) -> (i32)  : i32 {
      %mul3A_80 = arith.constant 4 : i32
      %mul3A_81 = arith.muli %scan3A_78, %mul3A_80 : i32
      %dma_wait3A = arith.constant 0 : i32
      %dma_wait3A_82 = arith.constant 0 : i32
      %dma_wait3A_83 = arith.constant 0 : i32
      %dma_wait3A_84 = arith.constant 0 : i32
      %dma_wait3A_85 = arith.constant 0 : i32
      %dma_wait3A_86 = tpu.memref_slice %arg8[%dma_wait3A_82, %dma_wait3A_83, %dma_wait3A_84, %dma_wait3A_85] : memref<2x4x8x512xf32, #tpu.memory_space<vmem>> -> memref<1x4x8x512xf32, #tpu.memory_space<vmem>>
      %dma_wait3A_87 = tpu.memref_squeeze %dma_wait3A_86 : memref<1x4x8x512xf32, #tpu.memory_space<vmem>> -> memref<4x8x512xf32, #tpu.memory_space<vmem>>
      %dma_wait3A_88 = arith.constant 0 : i32
      %dma_wait3A_89 = arith.constant 0 : i32
      %dma_wait3A_90 = arith.constant 0 : i32
      %dma_wait3A_91 = tpu.memref_slice %arg2[%dma_wait3A, %dma_wait3A_88, %dma_wait3A_89, %dma_wait3A_90] : memref<4x96x512x512xf32, #tpu.memory_space<hbm>> -> memref<1x4x8x512xf32, #tpu.memory_space<hbm>>
      %dma_wait3A_92 = tpu.memref_squeeze %dma_wait3A_91 : memref<1x4x8x512xf32, #tpu.memory_space<hbm>> -> memref<4x8x512xf32, #tpu.memory_space<hbm>>
      %dma_wait3A_93 = arith.constant 0 : i32
      %dma_wait3A_94 = arith.constant 0 : i32
      %dma_wait3A_95 = arith.constant 0 : i32
      %dma_wait3A_96 = tpu.memref_slice %arg8[%dma_wait3A_82, %dma_wait3A_93, %dma_wait3A_94, %dma_wait3A_95] : memref<2x4x8x512xf32, #tpu.memory_space<vmem>> -> memref<1x4x8x512xf32, #tpu.memory_space<vmem>>
      %dma_wait3A_97 = tpu.memref_squeeze %dma_wait3A_96 : memref<1x4x8x512xf32, #tpu.memory_space<vmem>> -> memref<4x8x512xf32, #tpu.memory_space<vmem>>
      %dma_wait3A_98 = arith.constant 0 : i32
      %dma_wait3A_99 = arith.constant 0 : i32
      %dma_wait3A_100 = arith.constant 0 : i32
      %dma_wait3A_101 = tpu.memref_slice %arg2[%dma_wait3A, %dma_wait3A_98, %dma_wait3A_99, %dma_wait3A_100] : memref<4x96x512x512xf32, #tpu.memory_space<hbm>> -> memref<1x4x8x512xf32, #tpu.memory_space<hbm>>
      %dma_wait3A_102 = tpu.memref_squeeze %dma_wait3A_101 : memref<1x4x8x512xf32, #tpu.memory_space<hbm>> -> memref<4x8x512xf32, #tpu.memory_space<hbm>>
      tpu.wait_dma2 semaphore(%arg12 : memref<!tpu.dma_semaphore, #tpu.memory_space<semaphore_mem>>) src(%dma_wait3A_102 : memref<4x8x512xf32, #tpu.memory_space<hbm>>) dst(%dma_wait3A_97 : memref<4x8x512xf32, #tpu.memory_space<vmem>>)
      %scan3A_103 = arith.constant 0 : i32
      %scan3A_104 = arith.constant 128 : i32
      %scan3A_105 = arith.addi %scan3A_103, %scan3A_104 : i32
      %scan3A_106 = arith.constant 1 : i32
      %scan3A_107:8 = scf.for %scan3A_493 = %scan3A_103 to %scan3A_105 step %scan3A_106 iter_args(%scan3A_494 = %broadcast_in_dim3A_5, %scan3A_495 = %broadcast_in_dim3A_5, %scan3A_496 = %broadcast_in_dim3A_5, %scan3A_497 = %broadcast_in_dim3A_5, %scan3A_498 = %broadcast_in_dim3A_5, %scan3A_499 = %broadcast_in_dim3A_5, %scan3A_500 = %broadcast_in_dim3A_5, %scan3A_501 = %broadcast_in_dim3A_5) -> (vector<16xf32>, vector<16xf32>, vector<16xf32>, vector<16xf32>, vector<16xf32>, vector<16xf32>, vector<16xf32>, vector<16xf32>)  : i32 {
        %mul3A_502 = arith.constant 2 : i32
        %mul3A_503 = arith.muli %scan3A_493, %mul3A_502 : i32
        %div3A = arith.constant 32 : i32
        %div3A_504 = arith.divsi %mul3A_503, %div3A : i32
        %mul3A_505 = arith.constant 2 : i32
        %mul3A_506 = arith.muli %scan3A_493, %mul3A_505 : i32
        %rem3A = arith.constant 32 : i32
        %rem3A_507 = arith.remsi %mul3A_506, %rem3A : i32
        %mul3A_508 = arith.constant 16 : i32
        %mul3A_509 = arith.muli %rem3A_507, %mul3A_508 : i32
        %add3A_510 = arith.constant 0 : i32
        %add3A_511 = arith.addi %add3A_510, %div3A_504 : i32
        %add3A_512 = arith.constant 0 : i32
        %add3A_513 = arith.addi %mul3A_509, %add3A_512 : i32
        %get3A = arith.constant 0 : i32
        %get3A_514 = arith.index_cast %get3A : i32 to index
        %get3A_515 = arith.index_cast %add3A_511 : i32 to index
        %get3A_516 = arith.index_cast %add3A_513 : i32 to index
        %get3A_517 = tpu.vector_load %arg7[%get3A_514, %get3A_515, %get3A_516] {strides = array<i32>} : memref<4x16x512xf32, #tpu.memory_space<vmem>>, vector<1x1x16xf32>,
        %get3A_518 = vector.shape_cast %get3A_517 : vector<1x1x16xf32> to vector<16xf32>
        %add3A_519 = arith.constant 0 : i32
        %add3A_520 = arith.addi %mul3A_509, %add3A_519 : i32
        %get3A_521 = arith.constant 0 : i32
        %get3A_522 = arith.constant 0 : i32
        %get3A_523 = arith.index_cast %get3A_521 : i32 to index
        %get3A_524 = arith.index_cast %get3A_522 : i32 to index
        %get3A_525 = arith.index_cast %div3A_504 : i32 to index
        %get3A_526 = arith.index_cast %add3A_520 : i32 to index
        %get3A_527 = tpu.vector_load %arg8[%get3A_523, %get3A_524, %get3A_525, %get3A_526] {strides = array<i32>} : memref<2x4x8x512xf32, #tpu.memory_space<vmem>>, vector<1x1x1x16xf32>,
        %get3A_528 = vector.shape_cast %get3A_527 : vector<1x1x1x16xf32> to vector<16xf32>
        %mul3A_529 = arith.mulf %get3A_528, %get3A_518 : vector<16xf32>
        %add3A_530 = arith.addf %scan3A_494, %mul3A_529 : vector<16xf32>
        %mul3A_531 = arith.mulf %mul3A_529, %mul3A_529 : vector<16xf32>
        %add3A_532 = arith.addf %scan3A_495, %mul3A_531 : vector<16xf32>
        %add3A_533 = arith.constant 0 : i32
        %add3A_534 = arith.addi %mul3A_509, %add3A_533 : i32
        %get3A_535 = arith.constant 0 : i32
        %get3A_536 = arith.constant 1 : i32
        %get3A_537 = arith.index_cast %get3A_535 : i32 to index
        %get3A_538 = arith.index_cast %get3A_536 : i32 to index
        %get3A_539 = arith.index_cast %div3A_504 : i32 to index
        %get3A_540 = arith.index_cast %add3A_534 : i32 to index
        %get3A_541 = tpu.vector_load %arg8[%get3A_537, %get3A_538, %get3A_539, %get3A_540] {strides = array<i32>} : memref<2x4x8x512xf32, #tpu.memory_space<vmem>>, vector<1x1x1x16xf32>,
        %get3A_542 = vector.shape_cast %get3A_541 : vector<1x1x1x16xf32> to vector<16xf32>
        %mul3A_543 = arith.mulf %get3A_542, %get3A_518 : vector<16xf32>
        %add3A_544 = arith.addf %scan3A_496, %mul3A_543 : vector<16xf32>
        %mul3A_545 = arith.mulf %mul3A_543, %mul3A_543 : vector<16xf32>
        %add3A_546 = arith.addf %scan3A_497, %mul3A_545 : vector<16xf32>
        %add3A_547 = arith.constant 0 : i32
        %add3A_548 = arith.addi %mul3A_509, %add3A_547 : i32
        %get3A_549 = arith.constant 0 : i32
        %get3A_550 = arith.constant 2 : i32
        %get3A_551 = arith.index_cast %get3A_549 : i32 to index
        %get3A_552 = arith.index_cast %get3A_550 : i32 to index
        %get3A_553 = arith.index_cast %div3A_504 : i32 to index
        %get3A_554 = arith.index_cast %add3A_548 : i32 to index
        %get3A_555 = tpu.vector_load %arg8[%get3A_551, %get3A_552, %get3A_553, %get3A_554] {strides = array<i32>} : memref<2x4x8x512xf32, #tpu.memory_space<vmem>>, vector<1x1x1x16xf32>,
        %get3A_556 = vector.shape_cast %get3A_555 : vector<1x1x1x16xf32> to vector<16xf32>
        %mul3A_557 = arith.mulf %get3A_556, %get3A_518 : vector<16xf32>
        %add3A_558 = arith.addf %scan3A_498, %mul3A_557 : vector<16xf32>
        %mul3A_559 = arith.mulf %mul3A_557, %mul3A_557 : vector<16xf32>
        %add3A_560 = arith.addf %scan3A_499, %mul3A_559 : vector<16xf32>
        %add3A_561 = arith.constant 0 : i32
        %add3A_562 = arith.addi %mul3A_509, %add3A_561 : i32
        %get3A_563 = arith.constant 0 : i32
        %get3A_564 = arith.constant 3 : i32
        %get3A_565 = arith.index_cast %get3A_563 : i32 to index
        %get3A_566 = arith.index_cast %get3A_564 : i32 to index
        %get3A_567 = arith.index_cast %div3A_504 : i32 to index
        %get3A_568 = arith.index_cast %add3A_562 : i32 to index
        %get3A_569 = tpu.vector_load %arg8[%get3A_565, %get3A_566, %get3A_567, %get3A_568] {strides = array<i32>} : memref<2x4x8x512xf32, #tpu.memory_space<vmem>>, vector<1x1x1x16xf32>,
        %get3A_570 = vector.shape_cast %get3A_569 : vector<1x1x1x16xf32> to vector<16xf32>
        %mul3A_571 = arith.mulf %get3A_570, %get3A_518 : vector<16xf32>
        %add3A_572 = arith.addf %scan3A_500, %mul3A_571 : vector<16xf32>
        %mul3A_573 = arith.mulf %mul3A_571, %mul3A_571 : vector<16xf32>
        %add3A_574 = arith.addf %scan3A_501, %mul3A_573 : vector<16xf32>
        %add3A_575 = arith.constant 0 : i32
        %add3A_576 = arith.addi %add3A_575, %div3A_504 : i32
        %add3A_577 = arith.constant 16 : i32
        %add3A_578 = arith.addi %mul3A_509, %add3A_577 : i32
        %get3A_579 = arith.constant 0 : i32
        %get3A_580 = arith.index_cast %get3A_579 : i32 to index
        %get3A_581 = arith.index_cast %add3A_576 : i32 to index
        %get3A_582 = arith.index_cast %add3A_578 : i32 to index
        %get3A_583 = tpu.vector_load %arg7[%get3A_580, %get3A_581, %get3A_582] {strides = array<i32>} : memref<4x16x512xf32, #tpu.memory_space<vmem>>, vector<1x1x16xf32>,
        %get3A_584 = vector.shape_cast %get3A_583 : vector<1x1x16xf32> to vector<16xf32>
        %add3A_585 = arith.constant 16 : i32
        %add3A_586 = arith.addi %mul3A_509, %add3A_585 : i32
        %get3A_587 = arith.constant 0 : i32
        %get3A_588 = arith.constant 0 : i32
        %get3A_589 = arith.index_cast %get3A_587 : i32 to index
        %get3A_590 = arith.index_cast %get3A_588 : i32 to index
        %get3A_591 = arith.index_cast %div3A_504 : i32 to index
        %get3A_592 = arith.index_cast %add3A_586 : i32 to index
        %get3A_593 = tpu.vector_load %arg8[%get3A_589, %get3A_590, %get3A_591, %get3A_592] {strides = array<i32>} : memref<2x4x8x512xf32, #tpu.memory_space<vmem>>, vector<1x1x1x16xf32>,
        %get3A_594 = vector.shape_cast %get3A_593 : vector<1x1x1x16xf32> to vector<16xf32>
        %mul3A_595 = arith.mulf %get3A_594, %get3A_584 : vector<16xf32>
        %add3A_596 = arith.addf %add3A_530, %mul3A_595 : vector<16xf32>
        %mul3A_597 = arith.mulf %mul3A_595, %mul3A_595 : vector<16xf32>
        %add3A_598 = arith.addf %add3A_532, %mul3A_597 : vector<16xf32>
        %add3A_599 = arith.constant 16 : i32
        %add3A_600 = arith.addi %mul3A_509, %add3A_599 : i32
        %get3A_601 = arith.constant 0 : i32
        %get3A_602 = arith.constant 1 : i32
        %get3A_603 = arith.index_cast %get3A_601 : i32 to index
        %get3A_604 = arith.index_cast %get3A_602 : i32 to index
        %get3A_605 = arith.index_cast %div3A_504 : i32 to index
        %get3A_606 = arith.index_cast %add3A_600 : i32 to index
        %get3A_607 = tpu.vector_load %arg8[%get3A_603, %get3A_604, %get3A_605, %get3A_606] {strides = array<i32>} : memref<2x4x8x512xf32, #tpu.memory_space<vmem>>, vector<1x1x1x16xf32>,
        %get3A_608 = vector.shape_cast %get3A_607 : vector<1x1x1x16xf32> to vector<16xf32>
        %mul3A_609 = arith.mulf %get3A_608, %get3A_584 : vector<16xf32>
        %add3A_610 = arith.addf %add3A_544, %mul3A_609 : vector<16xf32>
        %mul3A_611 = arith.mulf %mul3A_609, %mul3A_609 : vector<16xf32>
        %add3A_612 = arith.addf %add3A_546, %mul3A_611 : vector<16xf32>
        %add3A_613 = arith.constant 16 : i32
        %add3A_614 = arith.addi %mul3A_509, %add3A_613 : i32
        %get3A_615 = arith.constant 0 : i32
        %get3A_616 = arith.constant 2 : i32
        %get3A_617 = arith.index_cast %get3A_615 : i32 to index
        %get3A_618 = arith.index_cast %get3A_616 : i32 to index
        %get3A_619 = arith.index_cast %div3A_504 : i32 to index
        %get3A_620 = arith.index_cast %add3A_614 : i32 to index
        %get3A_621 = tpu.vector_load %arg8[%get3A_617, %get3A_618, %get3A_619, %get3A_620] {strides = array<i32>} : memref<2x4x8x512xf32, #tpu.memory_space<vmem>>, vector<1x1x1x16xf32>,
        %get3A_622 = vector.shape_cast %get3A_621 : vector<1x1x1x16xf32> to vector<16xf32>
        %mul3A_623 = arith.mulf %get3A_622, %get3A_584 : vector<16xf32>
        %add3A_624 = arith.addf %add3A_558, %mul3A_623 : vector<16xf32>
        %mul3A_625 = arith.mulf %mul3A_623, %mul3A_623 : vector<16xf32>
        %add3A_626 = arith.addf %add3A_560, %mul3A_625 : vector<16xf32>
        %add3A_627 = arith.constant 16 : i32
        %add3A_628 = arith.addi %mul3A_509, %add3A_627 : i32
        %get3A_629 = arith.constant 0 : i32
        %get3A_630 = arith.constant 3 : i32
        %get3A_631 = arith.index_cast %get3A_629 : i32 to index
        %get3A_632 = arith.index_cast %get3A_630 : i32 to index
        %get3A_633 = arith.index_cast %div3A_504 : i32 to index
        %get3A_634 = arith.index_cast %add3A_628 : i32 to index
        %get3A_635 = tpu.vector_load %arg8[%get3A_631, %get3A_632, %get3A_633, %get3A_634] {strides = array<i32>} : memref<2x4x8x512xf32, #tpu.memory_space<vmem>>, vector<1x1x1x16xf32>,
        %get3A_636 = vector.shape_cast %get3A_635 : vector<1x1x1x16xf32> to vector<16xf32>
        %mul3A_637 = arith.mulf %get3A_636, %get3A_584 : vector<16xf32>
        %add3A_638 = arith.addf %add3A_572, %mul3A_637 : vector<16xf32>
        %mul3A_639 = arith.mulf %mul3A_637, %mul3A_637 : vector<16xf32>
        %add3A_640 = arith.addf %add3A_574, %mul3A_639 : vector<16xf32>
        scf.yield %add3A_596, %add3A_598, %add3A_610, %add3A_612, %add3A_624, %add3A_626, %add3A_638, %add3A_640 : vector<16xf32>, vector<16xf32>, vector<16xf32>, vector<16xf32>, vector<16xf32>, vector<16xf32>, vector<16xf32>, vector<16xf32>
      }
      %scan3A_108 = arith.constant 128 : i32
      %add3A_109 = arith.constant 0 : i32
      %add3A_110 = arith.addi %mul3A_4, %add3A_109 : i32
      %dma_start3A_111 = arith.constant 1 : i32
      %dma_start3A_112 = arith.constant 0 : i32
      %dma_start3A_113 = arith.constant 0 : i32
      %dma_start3A_114 = arith.constant 0 : i32
      %dma_start3A_115 = arith.constant 0 : i32
      %dma_start3A_116 = tpu.memref_slice %arg8[%dma_start3A_112, %dma_start3A_113, %dma_start3A_114, %dma_start3A_115] : memref<2x4x8x512xf32, #tpu.memory_space<vmem>> -> memref<1x4x8x512xf32, #tpu.memory_space<vmem>>
      %dma_start3A_117 = tpu.memref_squeeze %dma_start3A_116 : memref<1x4x8x512xf32, #tpu.memory_space<vmem>> -> memref<4x8x512xf32, #tpu.memory_space<vmem>>
      %dma_start3A_118 = arith.constant 0 : i32
      %dma_start3A_119 = tpu.memref_slice %arg2[%dma_start3A_111, %mul3A_81, %add3A_110, %dma_start3A_118] : memref<4x96x512x512xf32, #tpu.memory_space<hbm>> -> memref<1x4x8x512xf32, #tpu.memory_space<hbm>>
      %dma_start3A_120 = tpu.memref_squeeze %dma_start3A_119 : memref<1x4x8x512xf32, #tpu.memory_space<hbm>> -> memref<4x8x512xf32, #tpu.memory_space<hbm>>
      %dma_start3A_121 = arith.constant 0 : i32
      %dma_start3A_122 = arith.constant 0 : i32
      %dma_start3A_123 = arith.constant 0 : i32
      %dma_start3A_124 = tpu.memref_slice %arg8[%dma_start3A_112, %dma_start3A_121, %dma_start3A_122, %dma_start3A_123] : memref<2x4x8x512xf32, #tpu.memory_space<vmem>> -> memref<1x4x8x512xf32, #tpu.memory_space<vmem>>
      %dma_start3A_125 = tpu.memref_squeeze %dma_start3A_124 : memref<1x4x8x512xf32, #tpu.memory_space<vmem>> -> memref<4x8x512xf32, #tpu.memory_space<vmem>>
      %dma_start3A_126 = arith.constant 0 : i32
      %dma_start3A_127 = tpu.memref_slice %arg2[%dma_start3A_111, %mul3A_81, %add3A_110, %dma_start3A_126] : memref<4x96x512x512xf32, #tpu.memory_space<hbm>> -> memref<1x4x8x512xf32, #tpu.memory_space<hbm>>
      %dma_start3A_128 = tpu.memref_squeeze %dma_start3A_127 : memref<1x4x8x512xf32, #tpu.memory_space<hbm>> -> memref<4x8x512xf32, #tpu.memory_space<hbm>>
      tpu.enqueue_dma source(%dma_start3A_128 : memref<4x8x512xf32, #tpu.memory_space<hbm>>) target(%dma_start3A_125 : memref<4x8x512xf32, #tpu.memory_space<vmem>>) target_semaphore(%arg12 : memref<!tpu.dma_semaphore, #tpu.memory_space<semaphore_mem>>)
      %dma_wait3A_129 = arith.constant 0 : i32
      %dma_wait3A_130 = arith.constant 1 : i32
      %dma_wait3A_131 = arith.constant 0 : i32
      %dma_wait3A_132 = arith.constant 0 : i32
      %dma_wait3A_133 = arith.constant 0 : i32
      %dma_wait3A_134 = tpu.memref_slice %arg8[%dma_wait3A_130, %dma_wait3A_131, %dma_wait3A_132, %dma_wait3A_133] : memref<2x4x8x512xf32, #tpu.memory_space<vmem>> -> memref<1x4x8x512xf32, #tpu.memory_space<vmem>>
      %dma_wait3A_135 = tpu.memref_squeeze %dma_wait3A_134 : memref<1x4x8x512xf32, #tpu.memory_space<vmem>> -> memref<4x8x512xf32, #tpu.memory_space<vmem>>
      %dma_wait3A_136 = arith.constant 0 : i32
      %dma_wait3A_137 = arith.constant 0 : i32
      %dma_wait3A_138 = arith.constant 0 : i32
      %dma_wait3A_139 = tpu.memref_slice %arg2[%dma_wait3A_129, %dma_wait3A_136, %dma_wait3A_137, %dma_wait3A_138] : memref<4x96x512x512xf32, #tpu.memory_space<hbm>> -> memref<1x4x8x512xf32, #tpu.memory_space<hbm>>
      %dma_wait3A_140 = tpu.memref_squeeze %dma_wait3A_139 : memref<1x4x8x512xf32, #tpu.memory_space<hbm>> -> memref<4x8x512xf32, #tpu.memory_space<hbm>>
      %dma_wait3A_141 = arith.constant 0 : i32
      %dma_wait3A_142 = arith.constant 0 : i32
      %dma_wait3A_143 = arith.constant 0 : i32
      %dma_wait3A_144 = tpu.memref_slice %arg8[%dma_wait3A_130, %dma_wait3A_141, %dma_wait3A_142, %dma_wait3A_143] : memref<2x4x8x512xf32, #tpu.memory_space<vmem>> -> memref<1x4x8x512xf32, #tpu.memory_space<vmem>>
      %dma_wait3A_145 = tpu.memref_squeeze %dma_wait3A_144 : memref<1x4x8x512xf32, #tpu.memory_space<vmem>> -> memref<4x8x512xf32, #tpu.memory_space<vmem>>
      %dma_wait3A_146 = arith.constant 0 : i32
      %dma_wait3A_147 = arith.constant 0 : i32
      %dma_wait3A_148 = arith.constant 0 : i32
      %dma_wait3A_149 = tpu.memref_slice %arg2[%dma_wait3A_129, %dma_wait3A_146, %dma_wait3A_147, %dma_wait3A_148] : memref<4x96x512x512xf32, #tpu.memory_space<hbm>> -> memref<1x4x8x512xf32, #tpu.memory_space<hbm>>
      %dma_wait3A_150 = tpu.memref_squeeze %dma_wait3A_149 : memref<1x4x8x512xf32, #tpu.memory_space<hbm>> -> memref<4x8x512xf32, #tpu.memory_space<hbm>>
      tpu.wait_dma2 semaphore(%arg13 : memref<!tpu.dma_semaphore, #tpu.memory_space<semaphore_mem>>) src(%dma_wait3A_150 : memref<4x8x512xf32, #tpu.memory_space<hbm>>) dst(%dma_wait3A_145 : memref<4x8x512xf32, #tpu.memory_space<vmem>>)
      %scan3A_151 = arith.constant 0 : i32
      %scan3A_152 = arith.constant 128 : i32
      %scan3A_153 = arith.addi %scan3A_151, %scan3A_152 : i32
      %scan3A_154 = arith.constant 1 : i32
      %scan3A_155:8 = scf.for %scan3A_493 = %scan3A_151 to %scan3A_153 step %scan3A_154 iter_args(%scan3A_494 = %scan3A_107#0, %scan3A_495 = %scan3A_107#1, %scan3A_496 = %scan3A_107#2, %scan3A_497 = %scan3A_107#3, %scan3A_498 = %scan3A_107#4, %scan3A_499 = %scan3A_107#5, %scan3A_500 = %scan3A_107#6, %scan3A_501 = %scan3A_107#7) -> (vector<16xf32>, vector<16xf32>, vector<16xf32>, vector<16xf32>, vector<16xf32>, vector<16xf32>, vector<16xf32>, vector<16xf32>)  : i32 {
        %mul3A_502 = arith.constant 2 : i32
        %mul3A_503 = arith.muli %scan3A_493, %mul3A_502 : i32
        %div3A = arith.constant 32 : i32
        %div3A_504 = arith.divsi %mul3A_503, %div3A : i32
        %mul3A_505 = arith.constant 2 : i32
        %mul3A_506 = arith.muli %scan3A_493, %mul3A_505 : i32
        %rem3A = arith.constant 32 : i32
        %rem3A_507 = arith.remsi %mul3A_506, %rem3A : i32
        %mul3A_508 = arith.constant 16 : i32
        %mul3A_509 = arith.muli %rem3A_507, %mul3A_508 : i32
        %add3A_510 = arith.constant 8 : i32
        %add3A_511 = arith.addi %add3A_510, %div3A_504 : i32
        %add3A_512 = arith.constant 0 : i32
        %add3A_513 = arith.addi %mul3A_509, %add3A_512 : i32
        %get3A = arith.constant 0 : i32
        %get3A_514 = arith.index_cast %get3A : i32 to index
        %get3A_515 = arith.index_cast %add3A_511 : i32 to index
        %get3A_516 = arith.index_cast %add3A_513 : i32 to index
        %get3A_517 = tpu.vector_load %arg7[%get3A_514, %get3A_515, %get3A_516] {strides = array<i32>} : memref<4x16x512xf32, #tpu.memory_space<vmem>>, vector<1x1x16xf32>,
        %get3A_518 = vector.shape_cast %get3A_517 : vector<1x1x16xf32> to vector<16xf32>
        %add3A_519 = arith.constant 0 : i32
        %add3A_520 = arith.addi %mul3A_509, %add3A_519 : i32
        %get3A_521 = arith.constant 1 : i32
        %get3A_522 = arith.constant 0 : i32
        %get3A_523 = arith.index_cast %get3A_521 : i32 to index
        %get3A_524 = arith.index_cast %get3A_522 : i32 to index
        %get3A_525 = arith.index_cast %div3A_504 : i32 to index
        %get3A_526 = arith.index_cast %add3A_520 : i32 to index
        %get3A_527 = tpu.vector_load %arg8[%get3A_523, %get3A_524, %get3A_525, %get3A_526] {strides = array<i32>} : memref<2x4x8x512xf32, #tpu.memory_space<vmem>>, vector<1x1x1x16xf32>,
        %get3A_528 = vector.shape_cast %get3A_527 : vector<1x1x1x16xf32> to vector<16xf32>
        %mul3A_529 = arith.mulf %get3A_528, %get3A_518 : vector<16xf32>
        %add3A_530 = arith.addf %scan3A_494, %mul3A_529 : vector<16xf32>
        %mul3A_531 = arith.mulf %mul3A_529, %mul3A_529 : vector<16xf32>
        %add3A_532 = arith.addf %scan3A_495, %mul3A_531 : vector<16xf32>
        %add3A_533 = arith.constant 0 : i32
        %add3A_534 = arith.addi %mul3A_509, %add3A_533 : i32
        %get3A_535 = arith.constant 1 : i32
        %get3A_536 = arith.constant 1 : i32
        %get3A_537 = arith.index_cast %get3A_535 : i32 to index
        %get3A_538 = arith.index_cast %get3A_536 : i32 to index
        %get3A_539 = arith.index_cast %div3A_504 : i32 to index
        %get3A_540 = arith.index_cast %add3A_534 : i32 to index
        %get3A_541 = tpu.vector_load %arg8[%get3A_537, %get3A_538, %get3A_539, %get3A_540] {strides = array<i32>} : memref<2x4x8x512xf32, #tpu.memory_space<vmem>>, vector<1x1x1x16xf32>,
        %get3A_542 = vector.shape_cast %get3A_541 : vector<1x1x1x16xf32> to vector<16xf32>
        %mul3A_543 = arith.mulf %get3A_542, %get3A_518 : vector<16xf32>
        %add3A_544 = arith.addf %scan3A_496, %mul3A_543 : vector<16xf32>
        %mul3A_545 = arith.mulf %mul3A_543, %mul3A_543 : vector<16xf32>
        %add3A_546 = arith.addf %scan3A_497, %mul3A_545 : vector<16xf32>
        %add3A_547 = arith.constant 0 : i32
        %add3A_548 = arith.addi %mul3A_509, %add3A_547 : i32
        %get3A_549 = arith.constant 1 : i32
        %get3A_550 = arith.constant 2 : i32
        %get3A_551 = arith.index_cast %get3A_549 : i32 to index
        %get3A_552 = arith.index_cast %get3A_550 : i32 to index
        %get3A_553 = arith.index_cast %div3A_504 : i32 to index
        %get3A_554 = arith.index_cast %add3A_548 : i32 to index
        %get3A_555 = tpu.vector_load %arg8[%get3A_551, %get3A_552, %get3A_553, %get3A_554] {strides = array<i32>} : memref<2x4x8x512xf32, #tpu.memory_space<vmem>>, vector<1x1x1x16xf32>,
        %get3A_556 = vector.shape_cast %get3A_555 : vector<1x1x1x16xf32> to vector<16xf32>
        %mul3A_557 = arith.mulf %get3A_556, %get3A_518 : vector<16xf32>
        %add3A_558 = arith.addf %scan3A_498, %mul3A_557 : vector<16xf32>
        %mul3A_559 = arith.mulf %mul3A_557, %mul3A_557 : vector<16xf32>
        %add3A_560 = arith.addf %scan3A_499, %mul3A_559 : vector<16xf32>
        %add3A_561 = arith.constant 0 : i32
        %add3A_562 = arith.addi %mul3A_509, %add3A_561 : i32
        %get3A_563 = arith.constant 1 : i32
        %get3A_564 = arith.constant 3 : i32
        %get3A_565 = arith.index_cast %get3A_563 : i32 to index
        %get3A_566 = arith.index_cast %get3A_564 : i32 to index
        %get3A_567 = arith.index_cast %div3A_504 : i32 to index
        %get3A_568 = arith.index_cast %add3A_562 : i32 to index
        %get3A_569 = tpu.vector_load %arg8[%get3A_565, %get3A_566, %get3A_567, %get3A_568] {strides = array<i32>} : memref<2x4x8x512xf32, #tpu.memory_space<vmem>>, vector<1x1x1x16xf32>,
        %get3A_570 = vector.shape_cast %get3A_569 : vector<1x1x1x16xf32> to vector<16xf32>
        %mul3A_571 = arith.mulf %get3A_570, %get3A_518 : vector<16xf32>
        %add3A_572 = arith.addf %scan3A_500, %mul3A_571 : vector<16xf32>
        %mul3A_573 = arith.mulf %mul3A_571, %mul3A_571 : vector<16xf32>
        %add3A_574 = arith.addf %scan3A_501, %mul3A_573 : vector<16xf32>
        %add3A_575 = arith.constant 8 : i32
        %add3A_576 = arith.addi %add3A_575, %div3A_504 : i32
        %add3A_577 = arith.constant 16 : i32
        %add3A_578 = arith.addi %mul3A_509, %add3A_577 : i32
        %get3A_579 = arith.constant 0 : i32
        %get3A_580 = arith.index_cast %get3A_579 : i32 to index
        %get3A_581 = arith.index_cast %add3A_576 : i32 to index
        %get3A_582 = arith.index_cast %add3A_578 : i32 to index
        %get3A_583 = tpu.vector_load %arg7[%get3A_580, %get3A_581, %get3A_582] {strides = array<i32>} : memref<4x16x512xf32, #tpu.memory_space<vmem>>, vector<1x1x16xf32>,
        %get3A_584 = vector.shape_cast %get3A_583 : vector<1x1x16xf32> to vector<16xf32>
        %add3A_585 = arith.constant 16 : i32
        %add3A_586 = arith.addi %mul3A_509, %add3A_585 : i32
        %get3A_587 = arith.constant 1 : i32
        %get3A_588 = arith.constant 0 : i32
        %get3A_589 = arith.index_cast %get3A_587 : i32 to index
        %get3A_590 = arith.index_cast %get3A_588 : i32 to index
        %get3A_591 = arith.index_cast %div3A_504 : i32 to index
        %get3A_592 = arith.index_cast %add3A_586 : i32 to index
        %get3A_593 = tpu.vector_load %arg8[%get3A_589, %get3A_590, %get3A_591, %get3A_592] {strides = array<i32>} : memref<2x4x8x512xf32, #tpu.memory_space<vmem>>, vector<1x1x1x16xf32>,
        %get3A_594 = vector.shape_cast %get3A_593 : vector<1x1x1x16xf32> to vector<16xf32>
        %mul3A_595 = arith.mulf %get3A_594, %get3A_584 : vector<16xf32>
        %add3A_596 = arith.addf %add3A_530, %mul3A_595 : vector<16xf32>
        %mul3A_597 = arith.mulf %mul3A_595, %mul3A_595 : vector<16xf32>
        %add3A_598 = arith.addf %add3A_532, %mul3A_597 : vector<16xf32>
        %add3A_599 = arith.constant 16 : i32
        %add3A_600 = arith.addi %mul3A_509, %add3A_599 : i32
        %get3A_601 = arith.constant 1 : i32
        %get3A_602 = arith.constant 1 : i32
        %get3A_603 = arith.index_cast %get3A_601 : i32 to index
        %get3A_604 = arith.index_cast %get3A_602 : i32 to index
        %get3A_605 = arith.index_cast %div3A_504 : i32 to index
        %get3A_606 = arith.index_cast %add3A_600 : i32 to index
        %get3A_607 = tpu.vector_load %arg8[%get3A_603, %get3A_604, %get3A_605, %get3A_606] {strides = array<i32>} : memref<2x4x8x512xf32, #tpu.memory_space<vmem>>, vector<1x1x1x16xf32>,
        %get3A_608 = vector.shape_cast %get3A_607 : vector<1x1x1x16xf32> to vector<16xf32>
        %mul3A_609 = arith.mulf %get3A_608, %get3A_584 : vector<16xf32>
        %add3A_610 = arith.addf %add3A_544, %mul3A_609 : vector<16xf32>
        %mul3A_611 = arith.mulf %mul3A_609, %mul3A_609 : vector<16xf32>
        %add3A_612 = arith.addf %add3A_546, %mul3A_611 : vector<16xf32>
        %add3A_613 = arith.constant 16 : i32
        %add3A_614 = arith.addi %mul3A_509, %add3A_613 : i32
        %get3A_615 = arith.constant 1 : i32
        %get3A_616 = arith.constant 2 : i32
        %get3A_617 = arith.index_cast %get3A_615 : i32 to index
        %get3A_618 = arith.index_cast %get3A_616 : i32 to index
        %get3A_619 = arith.index_cast %div3A_504 : i32 to index
        %get3A_620 = arith.index_cast %add3A_614 : i32 to index
        %get3A_621 = tpu.vector_load %arg8[%get3A_617, %get3A_618, %get3A_619, %get3A_620] {strides = array<i32>} : memref<2x4x8x512xf32, #tpu.memory_space<vmem>>, vector<1x1x1x16xf32>,
        %get3A_622 = vector.shape_cast %get3A_621 : vector<1x1x1x16xf32> to vector<16xf32>
        %mul3A_623 = arith.mulf %get3A_622, %get3A_584 : vector<16xf32>
        %add3A_624 = arith.addf %add3A_558, %mul3A_623 : vector<16xf32>
        %mul3A_625 = arith.mulf %mul3A_623, %mul3A_623 : vector<16xf32>
        %add3A_626 = arith.addf %add3A_560, %mul3A_625 : vector<16xf32>
        %add3A_627 = arith.constant 16 : i32
        %add3A_628 = arith.addi %mul3A_509, %add3A_627 : i32
        %get3A_629 = arith.constant 1 : i32
        %get3A_630 = arith.constant 3 : i32
        %get3A_631 = arith.index_cast %get3A_629 : i32 to index
        %get3A_632 = arith.index_cast %get3A_630 : i32 to index
        %get3A_633 = arith.index_cast %div3A_504 : i32 to index
        %get3A_634 = arith.index_cast %add3A_628 : i32 to index
        %get3A_635 = tpu.vector_load %arg8[%get3A_631, %get3A_632, %get3A_633, %get3A_634] {strides = array<i32>} : memref<2x4x8x512xf32, #tpu.memory_space<vmem>>, vector<1x1x1x16xf32>,
        %get3A_636 = vector.shape_cast %get3A_635 : vector<1x1x1x16xf32> to vector<16xf32>
        %mul3A_637 = arith.mulf %get3A_636, %get3A_584 : vector<16xf32>
        %add3A_638 = arith.addf %add3A_572, %mul3A_637 : vector<16xf32>
        %mul3A_639 = arith.mulf %mul3A_637, %mul3A_637 : vector<16xf32>
        %add3A_640 = arith.addf %add3A_574, %mul3A_639 : vector<16xf32>
        scf.yield %add3A_596, %add3A_598, %add3A_610, %add3A_612, %add3A_624, %add3A_626, %add3A_638, %add3A_640 : vector<16xf32>, vector<16xf32>, vector<16xf32>, vector<16xf32>, vector<16xf32>, vector<16xf32>, vector<16xf32>, vector<16xf32>
      }
      %scan3A_156 = arith.constant 128 : i32
      %add3A_157 = arith.constant 8 : i32
      %add3A_158 = arith.addi %mul3A_4, %add3A_157 : i32
      %dma_start3A_159 = arith.constant 1 : i32
      %dma_start3A_160 = arith.constant 1 : i32
      %dma_start3A_161 = arith.constant 0 : i32
      %dma_start3A_162 = arith.constant 0 : i32
      %dma_start3A_163 = arith.constant 0 : i32
      %dma_start3A_164 = tpu.memref_slice %arg8[%dma_start3A_160, %dma_start3A_161, %dma_start3A_162, %dma_start3A_163] : memref<2x4x8x512xf32, #tpu.memory_space<vmem>> -> memref<1x4x8x512xf32, #tpu.memory_space<vmem>>
      %dma_start3A_165 = tpu.memref_squeeze %dma_start3A_164 : memref<1x4x8x512xf32, #tpu.memory_space<vmem>> -> memref<4x8x512xf32, #tpu.memory_space<vmem>>
      %dma_start3A_166 = arith.constant 0 : i32
      %dma_start3A_167 = tpu.memref_slice %arg2[%dma_start3A_159, %mul3A_81, %add3A_158, %dma_start3A_166] : memref<4x96x512x512xf32, #tpu.memory_space<hbm>> -> memref<1x4x8x512xf32, #tpu.memory_space<hbm>>
      %dma_start3A_168 = tpu.memref_squeeze %dma_start3A_167 : memref<1x4x8x512xf32, #tpu.memory_space<hbm>> -> memref<4x8x512xf32, #tpu.memory_space<hbm>>
      %dma_start3A_169 = arith.constant 0 : i32
      %dma_start3A_170 = arith.constant 0 : i32
      %dma_start3A_171 = arith.constant 0 : i32
      %dma_start3A_172 = tpu.memref_slice %arg8[%dma_start3A_160, %dma_start3A_169, %dma_start3A_170, %dma_start3A_171] : memref<2x4x8x512xf32, #tpu.memory_space<vmem>> -> memref<1x4x8x512xf32, #tpu.memory_space<vmem>>
      %dma_start3A_173 = tpu.memref_squeeze %dma_start3A_172 : memref<1x4x8x512xf32, #tpu.memory_space<vmem>> -> memref<4x8x512xf32, #tpu.memory_space<vmem>>
      %dma_start3A_174 = arith.constant 0 : i32
      %dma_start3A_175 = tpu.memref_slice %arg2[%dma_start3A_159, %mul3A_81, %add3A_158, %dma_start3A_174] : memref<4x96x512x512xf32, #tpu.memory_space<hbm>> -> memref<1x4x8x512xf32, #tpu.memory_space<hbm>>
      %dma_start3A_176 = tpu.memref_squeeze %dma_start3A_175 : memref<1x4x8x512xf32, #tpu.memory_space<hbm>> -> memref<4x8x512xf32, #tpu.memory_space<hbm>>
      tpu.enqueue_dma source(%dma_start3A_176 : memref<4x8x512xf32, #tpu.memory_space<hbm>>) target(%dma_start3A_173 : memref<4x8x512xf32, #tpu.memory_space<vmem>>) target_semaphore(%arg13 : memref<!tpu.dma_semaphore, #tpu.memory_space<semaphore_mem>>)
      %dma_wait3A_177 = arith.constant 0 : i32
      %dma_wait3A_178 = arith.constant 0 : i32
      %dma_wait3A_179 = arith.constant 0 : i32
      %dma_wait3A_180 = arith.constant 0 : i32
      %dma_wait3A_181 = arith.constant 0 : i32
      %dma_wait3A_182 = tpu.memref_slice %arg8[%dma_wait3A_178, %dma_wait3A_179, %dma_wait3A_180, %dma_wait3A_181] : memref<2x4x8x512xf32, #tpu.memory_space<vmem>> -> memref<1x4x8x512xf32, #tpu.memory_space<vmem>>
      %dma_wait3A_183 = tpu.memref_squeeze %dma_wait3A_182 : memref<1x4x8x512xf32, #tpu.memory_space<vmem>> -> memref<4x8x512xf32, #tpu.memory_space<vmem>>
      %dma_wait3A_184 = arith.constant 0 : i32
      %dma_wait3A_185 = arith.constant 0 : i32
      %dma_wait3A_186 = arith.constant 0 : i32
      %dma_wait3A_187 = tpu.memref_slice %arg2[%dma_wait3A_177, %dma_wait3A_184, %dma_wait3A_185, %dma_wait3A_186] : memref<4x96x512x512xf32, #tpu.memory_space<hbm>> -> memref<1x4x8x512xf32, #tpu.memory_space<hbm>>
      %dma_wait3A_188 = tpu.memref_squeeze %dma_wait3A_187 : memref<1x4x8x512xf32, #tpu.memory_space<hbm>> -> memref<4x8x512xf32, #tpu.memory_space<hbm>>
      %dma_wait3A_189 = arith.constant 0 : i32
      %dma_wait3A_190 = arith.constant 0 : i32
      %dma_wait3A_191 = arith.constant 0 : i32
      %dma_wait3A_192 = tpu.memref_slice %arg8[%dma_wait3A_178, %dma_wait3A_189, %dma_wait3A_190, %dma_wait3A_191] : memref<2x4x8x512xf32, #tpu.memory_space<vmem>> -> memref<1x4x8x512xf32, #tpu.memory_space<vmem>>
      %dma_wait3A_193 = tpu.memref_squeeze %dma_wait3A_192 : memref<1x4x8x512xf32, #tpu.memory_space<vmem>> -> memref<4x8x512xf32, #tpu.memory_space<vmem>>
      %dma_wait3A_194 = arith.constant 0 : i32
      %dma_wait3A_195 = arith.constant 0 : i32
      %dma_wait3A_196 = arith.constant 0 : i32
      %dma_wait3A_197 = tpu.memref_slice %arg2[%dma_wait3A_177, %dma_wait3A_194, %dma_wait3A_195, %dma_wait3A_196] : memref<4x96x512x512xf32, #tpu.memory_space<hbm>> -> memref<1x4x8x512xf32, #tpu.memory_space<hbm>>
      %dma_wait3A_198 = tpu.memref_squeeze %dma_wait3A_197 : memref<1x4x8x512xf32, #tpu.memory_space<hbm>> -> memref<4x8x512xf32, #tpu.memory_space<hbm>>
      tpu.wait_dma2 semaphore(%arg12 : memref<!tpu.dma_semaphore, #tpu.memory_space<semaphore_mem>>) src(%dma_wait3A_198 : memref<4x8x512xf32, #tpu.memory_space<hbm>>) dst(%dma_wait3A_193 : memref<4x8x512xf32, #tpu.memory_space<vmem>>)
      %scan3A_199 = arith.constant 0 : i32
      %scan3A_200 = arith.constant 128 : i32
      %scan3A_201 = arith.addi %scan3A_199, %scan3A_200 : i32
      %scan3A_202 = arith.constant 1 : i32
      %scan3A_203:8 = scf.for %scan3A_493 = %scan3A_199 to %scan3A_201 step %scan3A_202 iter_args(%scan3A_494 = %scan3A_155#0, %scan3A_495 = %scan3A_155#1, %scan3A_496 = %scan3A_155#2, %scan3A_497 = %scan3A_155#3, %scan3A_498 = %scan3A_155#4, %scan3A_499 = %scan3A_155#5, %scan3A_500 = %scan3A_155#6, %scan3A_501 = %scan3A_155#7) -> (vector<16xf32>, vector<16xf32>, vector<16xf32>, vector<16xf32>, vector<16xf32>, vector<16xf32>, vector<16xf32>, vector<16xf32>)  : i32 {
        %mul3A_502 = arith.constant 2 : i32
        %mul3A_503 = arith.muli %scan3A_493, %mul3A_502 : i32
        %div3A = arith.constant 32 : i32
        %div3A_504 = arith.divsi %mul3A_503, %div3A : i32
        %mul3A_505 = arith.constant 2 : i32
        %mul3A_506 = arith.muli %scan3A_493, %mul3A_505 : i32
        %rem3A = arith.constant 32 : i32
        %rem3A_507 = arith.remsi %mul3A_506, %rem3A : i32
        %mul3A_508 = arith.constant 16 : i32
        %mul3A_509 = arith.muli %rem3A_507, %mul3A_508 : i32
        %add3A_510 = arith.constant 0 : i32
        %add3A_511 = arith.addi %add3A_510, %div3A_504 : i32
        %add3A_512 = arith.constant 0 : i32
        %add3A_513 = arith.addi %mul3A_509, %add3A_512 : i32
        %get3A = arith.constant 1 : i32
        %get3A_514 = arith.index_cast %get3A : i32 to index
        %get3A_515 = arith.index_cast %add3A_511 : i32 to index
        %get3A_516 = arith.index_cast %add3A_513 : i32 to index
        %get3A_517 = tpu.vector_load %arg7[%get3A_514, %get3A_515, %get3A_516] {strides = array<i32>} : memref<4x16x512xf32, #tpu.memory_space<vmem>>, vector<1x1x16xf32>,
        %get3A_518 = vector.shape_cast %get3A_517 : vector<1x1x16xf32> to vector<16xf32>
        %add3A_519 = arith.constant 0 : i32
        %add3A_520 = arith.addi %mul3A_509, %add3A_519 : i32
        %get3A_521 = arith.constant 0 : i32
        %get3A_522 = arith.constant 0 : i32
        %get3A_523 = arith.index_cast %get3A_521 : i32 to index
        %get3A_524 = arith.index_cast %get3A_522 : i32 to index
        %get3A_525 = arith.index_cast %div3A_504 : i32 to index
        %get3A_526 = arith.index_cast %add3A_520 : i32 to index
        %get3A_527 = tpu.vector_load %arg8[%get3A_523, %get3A_524, %get3A_525, %get3A_526] {strides = array<i32>} : memref<2x4x8x512xf32, #tpu.memory_space<vmem>>, vector<1x1x1x16xf32>,
        %get3A_528 = vector.shape_cast %get3A_527 : vector<1x1x1x16xf32> to vector<16xf32>
        %mul3A_529 = arith.mulf %get3A_528, %get3A_518 : vector<16xf32>
        %add3A_530 = arith.addf %scan3A_494, %mul3A_529 : vector<16xf32>
        %mul3A_531 = arith.mulf %mul3A_529, %mul3A_529 : vector<16xf32>
        %add3A_532 = arith.addf %scan3A_495, %mul3A_531 : vector<16xf32>
        %add3A_533 = arith.constant 0 : i32
        %add3A_534 = arith.addi %mul3A_509, %add3A_533 : i32
        %get3A_535 = arith.constant 0 : i32
        %get3A_536 = arith.constant 1 : i32
        %get3A_537 = arith.index_cast %get3A_535 : i32 to index
        %get3A_538 = arith.index_cast %get3A_536 : i32 to index
        %get3A_539 = arith.index_cast %div3A_504 : i32 to index
        %get3A_540 = arith.index_cast %add3A_534 : i32 to index
        %get3A_541 = tpu.vector_load %arg8[%get3A_537, %get3A_538, %get3A_539, %get3A_540] {strides = array<i32>} : memref<2x4x8x512xf32, #tpu.memory_space<vmem>>, vector<1x1x1x16xf32>,
        %get3A_542 = vector.shape_cast %get3A_541 : vector<1x1x1x16xf32> to vector<16xf32>
        %mul3A_543 = arith.mulf %get3A_542, %get3A_518 : vector<16xf32>
        %add3A_544 = arith.addf %scan3A_496, %mul3A_543 : vector<16xf32>
        %mul3A_545 = arith.mulf %mul3A_543, %mul3A_543 : vector<16xf32>
        %add3A_546 = arith.addf %scan3A_497, %mul3A_545 : vector<16xf32>
        %add3A_547 = arith.constant 0 : i32
        %add3A_548 = arith.addi %mul3A_509, %add3A_547 : i32
        %get3A_549 = arith.constant 0 : i32
        %get3A_550 = arith.constant 2 : i32
        %get3A_551 = arith.index_cast %get3A_549 : i32 to index
        %get3A_552 = arith.index_cast %get3A_550 : i32 to index
        %get3A_553 = arith.index_cast %div3A_504 : i32 to index
        %get3A_554 = arith.index_cast %add3A_548 : i32 to index
        %get3A_555 = tpu.vector_load %arg8[%get3A_551, %get3A_552, %get3A_553, %get3A_554] {strides = array<i32>} : memref<2x4x8x512xf32, #tpu.memory_space<vmem>>, vector<1x1x1x16xf32>,
        %get3A_556 = vector.shape_cast %get3A_555 : vector<1x1x1x16xf32> to vector<16xf32>
        %mul3A_557 = arith.mulf %get3A_556, %get3A_518 : vector<16xf32>
        %add3A_558 = arith.addf %scan3A_498, %mul3A_557 : vector<16xf32>
        %mul3A_559 = arith.mulf %mul3A_557, %mul3A_557 : vector<16xf32>
        %add3A_560 = arith.addf %scan3A_499, %mul3A_559 : vector<16xf32>
        %add3A_561 = arith.constant 0 : i32
        %add3A_562 = arith.addi %mul3A_509, %add3A_561 : i32
        %get3A_563 = arith.constant 0 : i32
        %get3A_564 = arith.constant 3 : i32
        %get3A_565 = arith.index_cast %get3A_563 : i32 to index
        %get3A_566 = arith.index_cast %get3A_564 : i32 to index
        %get3A_567 = arith.index_cast %div3A_504 : i32 to index
        %get3A_568 = arith.index_cast %add3A_562 : i32 to index
        %get3A_569 = tpu.vector_load %arg8[%get3A_565, %get3A_566, %get3A_567, %get3A_568] {strides = array<i32>} : memref<2x4x8x512xf32, #tpu.memory_space<vmem>>, vector<1x1x1x16xf32>,
        %get3A_570 = vector.shape_cast %get3A_569 : vector<1x1x1x16xf32> to vector<16xf32>
        %mul3A_571 = arith.mulf %get3A_570, %get3A_518 : vector<16xf32>
        %add3A_572 = arith.addf %scan3A_500, %mul3A_571 : vector<16xf32>
        %mul3A_573 = arith.mulf %mul3A_571, %mul3A_571 : vector<16xf32>
        %add3A_574 = arith.addf %scan3A_501, %mul3A_573 : vector<16xf32>
        %add3A_575 = arith.constant 0 : i32
        %add3A_576 = arith.addi %add3A_575, %div3A_504 : i32
        %add3A_577 = arith.constant 16 : i32
        %add3A_578 = arith.addi %mul3A_509, %add3A_577 : i32
        %get3A_579 = arith.constant 1 : i32
        %get3A_580 = arith.index_cast %get3A_579 : i32 to index
        %get3A_581 = arith.index_cast %add3A_576 : i32 to index
        %get3A_582 = arith.index_cast %add3A_578 : i32 to index
        %get3A_583 = tpu.vector_load %arg7[%get3A_580, %get3A_581, %get3A_582] {strides = array<i32>} : memref<4x16x512xf32, #tpu.memory_space<vmem>>, vector<1x1x16xf32>,
        %get3A_584 = vector.shape_cast %get3A_583 : vector<1x1x16xf32> to vector<16xf32>
        %add3A_585 = arith.constant 16 : i32
        %add3A_586 = arith.addi %mul3A_509, %add3A_585 : i32
        %get3A_587 = arith.constant 0 : i32
        %get3A_588 = arith.constant 0 : i32
        %get3A_589 = arith.index_cast %get3A_587 : i32 to index
        %get3A_590 = arith.index_cast %get3A_588 : i32 to index
        %get3A_591 = arith.index_cast %div3A_504 : i32 to index
        %get3A_592 = arith.index_cast %add3A_586 : i32 to index
        %get3A_593 = tpu.vector_load %arg8[%get3A_589, %get3A_590, %get3A_591, %get3A_592] {strides = array<i32>} : memref<2x4x8x512xf32, #tpu.memory_space<vmem>>, vector<1x1x1x16xf32>,
        %get3A_594 = vector.shape_cast %get3A_593 : vector<1x1x1x16xf32> to vector<16xf32>
        %mul3A_595 = arith.mulf %get3A_594, %get3A_584 : vector<16xf32>
        %add3A_596 = arith.addf %add3A_530, %mul3A_595 : vector<16xf32>
        %mul3A_597 = arith.mulf %mul3A_595, %mul3A_595 : vector<16xf32>
        %add3A_598 = arith.addf %add3A_532, %mul3A_597 : vector<16xf32>
        %add3A_599 = arith.constant 16 : i32
        %add3A_600 = arith.addi %mul3A_509, %add3A_599 : i32
        %get3A_601 = arith.constant 0 : i32
        %get3A_602 = arith.constant 1 : i32
        %get3A_603 = arith.index_cast %get3A_601 : i32 to index
        %get3A_604 = arith.index_cast %get3A_602 : i32 to index
        %get3A_605 = arith.index_cast %div3A_504 : i32 to index
        %get3A_606 = arith.index_cast %add3A_600 : i32 to index
        %get3A_607 = tpu.vector_load %arg8[%get3A_603, %get3A_604, %get3A_605, %get3A_606] {strides = array<i32>} : memref<2x4x8x512xf32, #tpu.memory_space<vmem>>, vector<1x1x1x16xf32>,
        %get3A_608 = vector.shape_cast %get3A_607 : vector<1x1x1x16xf32> to vector<16xf32>
        %mul3A_609 = arith.mulf %get3A_608, %get3A_584 : vector<16xf32>
        %add3A_610 = arith.addf %add3A_544, %mul3A_609 : vector<16xf32>
        %mul3A_611 = arith.mulf %mul3A_609, %mul3A_609 : vector<16xf32>
        %add3A_612 = arith.addf %add3A_546, %mul3A_611 : vector<16xf32>
        %add3A_613 = arith.constant 16 : i32
        %add3A_614 = arith.addi %mul3A_509, %add3A_613 : i32
        %get3A_615 = arith.constant 0 : i32
        %get3A_616 = arith.constant 2 : i32
        %get3A_617 = arith.index_cast %get3A_615 : i32 to index
        %get3A_618 = arith.index_cast %get3A_616 : i32 to index
        %get3A_619 = arith.index_cast %div3A_504 : i32 to index
        %get3A_620 = arith.index_cast %add3A_614 : i32 to index
        %get3A_621 = tpu.vector_load %arg8[%get3A_617, %get3A_618, %get3A_619, %get3A_620] {strides = array<i32>} : memref<2x4x8x512xf32, #tpu.memory_space<vmem>>, vector<1x1x1x16xf32>,
        %get3A_622 = vector.shape_cast %get3A_621 : vector<1x1x1x16xf32> to vector<16xf32>
        %mul3A_623 = arith.mulf %get3A_622, %get3A_584 : vector<16xf32>
        %add3A_624 = arith.addf %add3A_558, %mul3A_623 : vector<16xf32>
        %mul3A_625 = arith.mulf %mul3A_623, %mul3A_623 : vector<16xf32>
        %add3A_626 = arith.addf %add3A_560, %mul3A_625 : vector<16xf32>
        %add3A_627 = arith.constant 16 : i32
        %add3A_628 = arith.addi %mul3A_509, %add3A_627 : i32
        %get3A_629 = arith.constant 0 : i32
        %get3A_630 = arith.constant 3 : i32
        %get3A_631 = arith.index_cast %get3A_629 : i32 to index
        %get3A_632 = arith.index_cast %get3A_630 : i32 to index
        %get3A_633 = arith.index_cast %div3A_504 : i32 to index
        %get3A_634 = arith.index_cast %add3A_628 : i32 to index
        %get3A_635 = tpu.vector_load %arg8[%get3A_631, %get3A_632, %get3A_633, %get3A_634] {strides = array<i32>} : memref<2x4x8x512xf32, #tpu.memory_space<vmem>>, vector<1x1x1x16xf32>,
        %get3A_636 = vector.shape_cast %get3A_635 : vector<1x1x1x16xf32> to vector<16xf32>
        %mul3A_637 = arith.mulf %get3A_636, %get3A_584 : vector<16xf32>
        %add3A_638 = arith.addf %add3A_572, %mul3A_637 : vector<16xf32>
        %mul3A_639 = arith.mulf %mul3A_637, %mul3A_637 : vector<16xf32>
        %add3A_640 = arith.addf %add3A_574, %mul3A_639 : vector<16xf32>
        scf.yield %add3A_596, %add3A_598, %add3A_610, %add3A_612, %add3A_624, %add3A_626, %add3A_638, %add3A_640 : vector<16xf32>, vector<16xf32>, vector<16xf32>, vector<16xf32>, vector<16xf32>, vector<16xf32>, vector<16xf32>, vector<16xf32>
      }
      %scan3A_204 = arith.constant 128 : i32
      %add3A_205 = arith.constant 0 : i32
      %add3A_206 = arith.addi %mul3A_4, %add3A_205 : i32
      %dma_start3A_207 = arith.constant 2 : i32
      %dma_start3A_208 = arith.constant 0 : i32
      %dma_start3A_209 = arith.constant 0 : i32
      %dma_start3A_210 = arith.constant 0 : i32
      %dma_start3A_211 = arith.constant 0 : i32
      %dma_start3A_212 = tpu.memref_slice %arg8[%dma_start3A_208, %dma_start3A_209, %dma_start3A_210, %dma_start3A_211] : memref<2x4x8x512xf32, #tpu.memory_space<vmem>> -> memref<1x4x8x512xf32, #tpu.memory_space<vmem>>
      %dma_start3A_213 = tpu.memref_squeeze %dma_start3A_212 : memref<1x4x8x512xf32, #tpu.memory_space<vmem>> -> memref<4x8x512xf32, #tpu.memory_space<vmem>>
      %dma_start3A_214 = arith.constant 0 : i32
      %dma_start3A_215 = tpu.memref_slice %arg2[%dma_start3A_207, %mul3A_81, %add3A_206, %dma_start3A_214] : memref<4x96x512x512xf32, #tpu.memory_space<hbm>> -> memref<1x4x8x512xf32, #tpu.memory_space<hbm>>
      %dma_start3A_216 = tpu.memref_squeeze %dma_start3A_215 : memref<1x4x8x512xf32, #tpu.memory_space<hbm>> -> memref<4x8x512xf32, #tpu.memory_space<hbm>>
      %dma_start3A_217 = arith.constant 0 : i32
      %dma_start3A_218 = arith.constant 0 : i32
      %dma_start3A_219 = arith.constant 0 : i32
      %dma_start3A_220 = tpu.memref_slice %arg8[%dma_start3A_208, %dma_start3A_217, %dma_start3A_218, %dma_start3A_219] : memref<2x4x8x512xf32, #tpu.memory_space<vmem>> -> memref<1x4x8x512xf32, #tpu.memory_space<vmem>>
      %dma_start3A_221 = tpu.memref_squeeze %dma_start3A_220 : memref<1x4x8x512xf32, #tpu.memory_space<vmem>> -> memref<4x8x512xf32, #tpu.memory_space<vmem>>
      %dma_start3A_222 = arith.constant 0 : i32
      %dma_start3A_223 = tpu.memref_slice %arg2[%dma_start3A_207, %mul3A_81, %add3A_206, %dma_start3A_222] : memref<4x96x512x512xf32, #tpu.memory_space<hbm>> -> memref<1x4x8x512xf32, #tpu.memory_space<hbm>>
      %dma_start3A_224 = tpu.memref_squeeze %dma_start3A_223 : memref<1x4x8x512xf32, #tpu.memory_space<hbm>> -> memref<4x8x512xf32, #tpu.memory_space<hbm>>
      tpu.enqueue_dma source(%dma_start3A_224 : memref<4x8x512xf32, #tpu.memory_space<hbm>>) target(%dma_start3A_221 : memref<4x8x512xf32, #tpu.memory_space<vmem>>) target_semaphore(%arg12 : memref<!tpu.dma_semaphore, #tpu.memory_space<semaphore_mem>>)
      %dma_wait3A_225 = arith.constant 0 : i32
      %dma_wait3A_226 = arith.constant 1 : i32
      %dma_wait3A_227 = arith.constant 0 : i32
      %dma_wait3A_228 = arith.constant 0 : i32
      %dma_wait3A_229 = arith.constant 0 : i32
      %dma_wait3A_230 = tpu.memref_slice %arg8[%dma_wait3A_226, %dma_wait3A_227, %dma_wait3A_228, %dma_wait3A_229] : memref<2x4x8x512xf32, #tpu.memory_space<vmem>> -> memref<1x4x8x512xf32, #tpu.memory_space<vmem>>
      %dma_wait3A_231 = tpu.memref_squeeze %dma_wait3A_230 : memref<1x4x8x512xf32, #tpu.memory_space<vmem>> -> memref<4x8x512xf32, #tpu.memory_space<vmem>>
      %dma_wait3A_232 = arith.constant 0 : i32
      %dma_wait3A_233 = arith.constant 0 : i32
      %dma_wait3A_234 = arith.constant 0 : i32
      %dma_wait3A_235 = tpu.memref_slice %arg2[%dma_wait3A_225, %dma_wait3A_232, %dma_wait3A_233, %dma_wait3A_234] : memref<4x96x512x512xf32, #tpu.memory_space<hbm>> -> memref<1x4x8x512xf32, #tpu.memory_space<hbm>>
      %dma_wait3A_236 = tpu.memref_squeeze %dma_wait3A_235 : memref<1x4x8x512xf32, #tpu.memory_space<hbm>> -> memref<4x8x512xf32, #tpu.memory_space<hbm>>
      %dma_wait3A_237 = arith.constant 0 : i32
      %dma_wait3A_238 = arith.constant 0 : i32
      %dma_wait3A_239 = arith.constant 0 : i32
      %dma_wait3A_240 = tpu.memref_slice %arg8[%dma_wait3A_226, %dma_wait3A_237, %dma_wait3A_238, %dma_wait3A_239] : memref<2x4x8x512xf32, #tpu.memory_space<vmem>> -> memref<1x4x8x512xf32, #tpu.memory_space<vmem>>
      %dma_wait3A_241 = tpu.memref_squeeze %dma_wait3A_240 : memref<1x4x8x512xf32, #tpu.memory_space<vmem>> -> memref<4x8x512xf32, #tpu.memory_space<vmem>>
      %dma_wait3A_242 = arith.constant 0 : i32
      %dma_wait3A_243 = arith.constant 0 : i32
      %dma_wait3A_244 = arith.constant 0 : i32
      %dma_wait3A_245 = tpu.memref_slice %arg2[%dma_wait3A_225, %dma_wait3A_242, %dma_wait3A_243, %dma_wait3A_244] : memref<4x96x512x512xf32, #tpu.memory_space<hbm>> -> memref<1x4x8x512xf32, #tpu.memory_space<hbm>>
      %dma_wait3A_246 = tpu.memref_squeeze %dma_wait3A_245 : memref<1x4x8x512xf32, #tpu.memory_space<hbm>> -> memref<4x8x512xf32, #tpu.memory_space<hbm>>
      tpu.wait_dma2 semaphore(%arg13 : memref<!tpu.dma_semaphore, #tpu.memory_space<semaphore_mem>>) src(%dma_wait3A_246 : memref<4x8x512xf32, #tpu.memory_space<hbm>>) dst(%dma_wait3A_241 : memref<4x8x512xf32, #tpu.memory_space<vmem>>)
      %scan3A_247 = arith.constant 0 : i32
      %scan3A_248 = arith.constant 128 : i32
      %scan3A_249 = arith.addi %scan3A_247, %scan3A_248 : i32
      %scan3A_250 = arith.constant 1 : i32
      %scan3A_251:8 = scf.for %scan3A_493 = %scan3A_247 to %scan3A_249 step %scan3A_250 iter_args(%scan3A_494 = %scan3A_203#0, %scan3A_495 = %scan3A_203#1, %scan3A_496 = %scan3A_203#2, %scan3A_497 = %scan3A_203#3, %scan3A_498 = %scan3A_203#4, %scan3A_499 = %scan3A_203#5, %scan3A_500 = %scan3A_203#6, %scan3A_501 = %scan3A_203#7) -> (vector<16xf32>, vector<16xf32>, vector<16xf32>, vector<16xf32>, vector<16xf32>, vector<16xf32>, vector<16xf32>, vector<16xf32>)  : i32 {
        %mul3A_502 = arith.constant 2 : i32
        %mul3A_503 = arith.muli %scan3A_493, %mul3A_502 : i32
        %div3A = arith.constant 32 : i32
        %div3A_504 = arith.divsi %mul3A_503, %div3A : i32
        %mul3A_505 = arith.constant 2 : i32
        %mul3A_506 = arith.muli %scan3A_493, %mul3A_505 : i32
        %rem3A = arith.constant 32 : i32
        %rem3A_507 = arith.remsi %mul3A_506, %rem3A : i32
        %mul3A_508 = arith.constant 16 : i32
        %mul3A_509 = arith.muli %rem3A_507, %mul3A_508 : i32
        %add3A_510 = arith.constant 8 : i32
        %add3A_511 = arith.addi %add3A_510, %div3A_504 : i32
        %add3A_512 = arith.constant 0 : i32
        %add3A_513 = arith.addi %mul3A_509, %add3A_512 : i32
        %get3A = arith.constant 1 : i32
        %get3A_514 = arith.index_cast %get3A : i32 to index
        %get3A_515 = arith.index_cast %add3A_511 : i32 to index
        %get3A_516 = arith.index_cast %add3A_513 : i32 to index
        %get3A_517 = tpu.vector_load %arg7[%get3A_514, %get3A_515, %get3A_516] {strides = array<i32>} : memref<4x16x512xf32, #tpu.memory_space<vmem>>, vector<1x1x16xf32>,
        %get3A_518 = vector.shape_cast %get3A_517 : vector<1x1x16xf32> to vector<16xf32>
        %add3A_519 = arith.constant 0 : i32
        %add3A_520 = arith.addi %mul3A_509, %add3A_519 : i32
        %get3A_521 = arith.constant 1 : i32
        %get3A_522 = arith.constant 0 : i32
        %get3A_523 = arith.index_cast %get3A_521 : i32 to index
        %get3A_524 = arith.index_cast %get3A_522 : i32 to index
        %get3A_525 = arith.index_cast %div3A_504 : i32 to index
        %get3A_526 = arith.index_cast %add3A_520 : i32 to index
        %get3A_527 = tpu.vector_load %arg8[%get3A_523, %get3A_524, %get3A_525, %get3A_526] {strides = array<i32>} : memref<2x4x8x512xf32, #tpu.memory_space<vmem>>, vector<1x1x1x16xf32>,
        %get3A_528 = vector.shape_cast %get3A_527 : vector<1x1x1x16xf32> to vector<16xf32>
        %mul3A_529 = arith.mulf %get3A_528, %get3A_518 : vector<16xf32>
        %add3A_530 = arith.addf %scan3A_494, %mul3A_529 : vector<16xf32>
        %mul3A_531 = arith.mulf %mul3A_529, %mul3A_529 : vector<16xf32>
        %add3A_532 = arith.addf %scan3A_495, %mul3A_531 : vector<16xf32>
        %add3A_533 = arith.constant 0 : i32
        %add3A_534 = arith.addi %mul3A_509, %add3A_533 : i32
        %get3A_535 = arith.constant 1 : i32
        %get3A_536 = arith.constant 1 : i32
        %get3A_537 = arith.index_cast %get3A_535 : i32 to index
        %get3A_538 = arith.index_cast %get3A_536 : i32 to index
        %get3A_539 = arith.index_cast %div3A_504 : i32 to index
        %get3A_540 = arith.index_cast %add3A_534 : i32 to index
        %get3A_541 = tpu.vector_load %arg8[%get3A_537, %get3A_538, %get3A_539, %get3A_540] {strides = array<i32>} : memref<2x4x8x512xf32, #tpu.memory_space<vmem>>, vector<1x1x1x16xf32>,
        %get3A_542 = vector.shape_cast %get3A_541 : vector<1x1x1x16xf32> to vector<16xf32>
        %mul3A_543 = arith.mulf %get3A_542, %get3A_518 : vector<16xf32>
        %add3A_544 = arith.addf %scan3A_496, %mul3A_543 : vector<16xf32>
        %mul3A_545 = arith.mulf %mul3A_543, %mul3A_543 : vector<16xf32>
        %add3A_546 = arith.addf %scan3A_497, %mul3A_545 : vector<16xf32>
        %add3A_547 = arith.constant 0 : i32
        %add3A_548 = arith.addi %mul3A_509, %add3A_547 : i32
        %get3A_549 = arith.constant 1 : i32
        %get3A_550 = arith.constant 2 : i32
        %get3A_551 = arith.index_cast %get3A_549 : i32 to index
        %get3A_552 = arith.index_cast %get3A_550 : i32 to index
        %get3A_553 = arith.index_cast %div3A_504 : i32 to index
        %get3A_554 = arith.index_cast %add3A_548 : i32 to index
        %get3A_555 = tpu.vector_load %arg8[%get3A_551, %get3A_552, %get3A_553, %get3A_554] {strides = array<i32>} : memref<2x4x8x512xf32, #tpu.memory_space<vmem>>, vector<1x1x1x16xf32>,
        %get3A_556 = vector.shape_cast %get3A_555 : vector<1x1x1x16xf32> to vector<16xf32>
        %mul3A_557 = arith.mulf %get3A_556, %get3A_518 : vector<16xf32>
        %add3A_558 = arith.addf %scan3A_498, %mul3A_557 : vector<16xf32>
        %mul3A_559 = arith.mulf %mul3A_557, %mul3A_557 : vector<16xf32>
        %add3A_560 = arith.addf %scan3A_499, %mul3A_559 : vector<16xf32>
        %add3A_561 = arith.constant 0 : i32
        %add3A_562 = arith.addi %mul3A_509, %add3A_561 : i32
        %get3A_563 = arith.constant 1 : i32
        %get3A_564 = arith.constant 3 : i32
        %get3A_565 = arith.index_cast %get3A_563 : i32 to index
        %get3A_566 = arith.index_cast %get3A_564 : i32 to index
        %get3A_567 = arith.index_cast %div3A_504 : i32 to index
        %get3A_568 = arith.index_cast %add3A_562 : i32 to index
        %get3A_569 = tpu.vector_load %arg8[%get3A_565, %get3A_566, %get3A_567, %get3A_568] {strides = array<i32>} : memref<2x4x8x512xf32, #tpu.memory_space<vmem>>, vector<1x1x1x16xf32>,
        %get3A_570 = vector.shape_cast %get3A_569 : vector<1x1x1x16xf32> to vector<16xf32>
        %mul3A_571 = arith.mulf %get3A_570, %get3A_518 : vector<16xf32>
        %add3A_572 = arith.addf %scan3A_500, %mul3A_571 : vector<16xf32>
        %mul3A_573 = arith.mulf %mul3A_571, %mul3A_571 : vector<16xf32>
        %add3A_574 = arith.addf %scan3A_501, %mul3A_573 : vector<16xf32>
        %add3A_575 = arith.constant 8 : i32
        %add3A_576 = arith.addi %add3A_575, %div3A_504 : i32
        %add3A_577 = arith.constant 16 : i32
        %add3A_578 = arith.addi %mul3A_509, %add3A_577 : i32
        %get3A_579 = arith.constant 1 : i32
        %get3A_580 = arith.index_cast %get3A_579 : i32 to index
        %get3A_581 = arith.index_cast %add3A_576 : i32 to index
        %get3A_582 = arith.index_cast %add3A_578 : i32 to index
        %get3A_583 = tpu.vector_load %arg7[%get3A_580, %get3A_581, %get3A_582] {strides = array<i32>} : memref<4x16x512xf32, #tpu.memory_space<vmem>>, vector<1x1x16xf32>,
        %get3A_584 = vector.shape_cast %get3A_583 : vector<1x1x16xf32> to vector<16xf32>
        %add3A_585 = arith.constant 16 : i32
        %add3A_586 = arith.addi %mul3A_509, %add3A_585 : i32
        %get3A_587 = arith.constant 1 : i32
        %get3A_588 = arith.constant 0 : i32
        %get3A_589 = arith.index_cast %get3A_587 : i32 to index
        %get3A_590 = arith.index_cast %get3A_588 : i32 to index
        %get3A_591 = arith.index_cast %div3A_504 : i32 to index
        %get3A_592 = arith.index_cast %add3A_586 : i32 to index
        %get3A_593 = tpu.vector_load %arg8[%get3A_589, %get3A_590, %get3A_591, %get3A_592] {strides = array<i32>} : memref<2x4x8x512xf32, #tpu.memory_space<vmem>>, vector<1x1x1x16xf32>,
        %get3A_594 = vector.shape_cast %get3A_593 : vector<1x1x1x16xf32> to vector<16xf32>
        %mul3A_595 = arith.mulf %get3A_594, %get3A_584 : vector<16xf32>
        %add3A_596 = arith.addf %add3A_530, %mul3A_595 : vector<16xf32>
        %mul3A_597 = arith.mulf %mul3A_595, %mul3A_595 : vector<16xf32>
        %add3A_598 = arith.addf %add3A_532, %mul3A_597 : vector<16xf32>
        %add3A_599 = arith.constant 16 : i32
        %add3A_600 = arith.addi %mul3A_509, %add3A_599 : i32
        %get3A_601 = arith.constant 1 : i32
        %get3A_602 = arith.constant 1 : i32
        %get3A_603 = arith.index_cast %get3A_601 : i32 to index
        %get3A_604 = arith.index_cast %get3A_602 : i32 to index
        %get3A_605 = arith.index_cast %div3A_504 : i32 to index
        %get3A_606 = arith.index_cast %add3A_600 : i32 to index
        %get3A_607 = tpu.vector_load %arg8[%get3A_603, %get3A_604, %get3A_605, %get3A_606] {strides = array<i32>} : memref<2x4x8x512xf32, #tpu.memory_space<vmem>>, vector<1x1x1x16xf32>,
        %get3A_608 = vector.shape_cast %get3A_607 : vector<1x1x1x16xf32> to vector<16xf32>
        %mul3A_609 = arith.mulf %get3A_608, %get3A_584 : vector<16xf32>
        %add3A_610 = arith.addf %add3A_544, %mul3A_609 : vector<16xf32>
        %mul3A_611 = arith.mulf %mul3A_609, %mul3A_609 : vector<16xf32>
        %add3A_612 = arith.addf %add3A_546, %mul3A_611 : vector<16xf32>
        %add3A_613 = arith.constant 16 : i32
        %add3A_614 = arith.addi %mul3A_509, %add3A_613 : i32
        %get3A_615 = arith.constant 1 : i32
        %get3A_616 = arith.constant 2 : i32
        %get3A_617 = arith.index_cast %get3A_615 : i32 to index
        %get3A_618 = arith.index_cast %get3A_616 : i32 to index
        %get3A_619 = arith.index_cast %div3A_504 : i32 to index
        %get3A_620 = arith.index_cast %add3A_614 : i32 to index
        %get3A_621 = tpu.vector_load %arg8[%get3A_617, %get3A_618, %get3A_619, %get3A_620] {strides = array<i32>} : memref<2x4x8x512xf32, #tpu.memory_space<vmem>>, vector<1x1x1x16xf32>,
        %get3A_622 = vector.shape_cast %get3A_621 : vector<1x1x1x16xf32> to vector<16xf32>
        %mul3A_623 = arith.mulf %get3A_622, %get3A_584 : vector<16xf32>
        %add3A_624 = arith.addf %add3A_558, %mul3A_623 : vector<16xf32>
        %mul3A_625 = arith.mulf %mul3A_623, %mul3A_623 : vector<16xf32>
        %add3A_626 = arith.addf %add3A_560, %mul3A_625 : vector<16xf32>
        %add3A_627 = arith.constant 16 : i32
        %add3A_628 = arith.addi %mul3A_509, %add3A_627 : i32
        %get3A_629 = arith.constant 1 : i32
        %get3A_630 = arith.constant 3 : i32
        %get3A_631 = arith.index_cast %get3A_629 : i32 to index
        %get3A_632 = arith.index_cast %get3A_630 : i32 to index
        %get3A_633 = arith.index_cast %div3A_504 : i32 to index
        %get3A_634 = arith.index_cast %add3A_628 : i32 to index
        %get3A_635 = tpu.vector_load %arg8[%get3A_631, %get3A_632, %get3A_633, %get3A_634] {strides = array<i32>} : memref<2x4x8x512xf32, #tpu.memory_space<vmem>>, vector<1x1x1x16xf32>,
        %get3A_636 = vector.shape_cast %get3A_635 : vector<1x1x1x16xf32> to vector<16xf32>
        %mul3A_637 = arith.mulf %get3A_636, %get3A_584 : vector<16xf32>
        %add3A_638 = arith.addf %add3A_572, %mul3A_637 : vector<16xf32>
        %mul3A_639 = arith.mulf %mul3A_637, %mul3A_637 : vector<16xf32>
        %add3A_640 = arith.addf %add3A_574, %mul3A_639 : vector<16xf32>
        scf.yield %add3A_596, %add3A_598, %add3A_610, %add3A_612, %add3A_624, %add3A_626, %add3A_638, %add3A_640 : vector<16xf32>, vector<16xf32>, vector<16xf32>, vector<16xf32>, vector<16xf32>, vector<16xf32>, vector<16xf32>, vector<16xf32>
      }
      %scan3A_252 = arith.constant 128 : i32
      %add3A_253 = arith.constant 8 : i32
      %add3A_254 = arith.addi %mul3A_4, %add3A_253 : i32
      %dma_start3A_255 = arith.constant 2 : i32
      %dma_start3A_256 = arith.constant 1 : i32
      %dma_start3A_257 = arith.constant 0 : i32
      %dma_start3A_258 = arith.constant 0 : i32
      %dma_start3A_259 = arith.constant 0 : i32
      %dma_start3A_260 = tpu.memref_slice %arg8[%dma_start3A_256, %dma_start3A_257, %dma_start3A_258, %dma_start3A_259] : memref<2x4x8x512xf32, #tpu.memory_space<vmem>> -> memref<1x4x8x512xf32, #tpu.memory_space<vmem>>
      %dma_start3A_261 = tpu.memref_squeeze %dma_start3A_260 : memref<1x4x8x512xf32, #tpu.memory_space<vmem>> -> memref<4x8x512xf32, #tpu.memory_space<vmem>>
      %dma_start3A_262 = arith.constant 0 : i32
      %dma_start3A_263 = tpu.memref_slice %arg2[%dma_start3A_255, %mul3A_81, %add3A_254, %dma_start3A_262] : memref<4x96x512x512xf32, #tpu.memory_space<hbm>> -> memref<1x4x8x512xf32, #tpu.memory_space<hbm>>
      %dma_start3A_264 = tpu.memref_squeeze %dma_start3A_263 : memref<1x4x8x512xf32, #tpu.memory_space<hbm>> -> memref<4x8x512xf32, #tpu.memory_space<hbm>>
      %dma_start3A_265 = arith.constant 0 : i32
      %dma_start3A_266 = arith.constant 0 : i32
      %dma_start3A_267 = arith.constant 0 : i32
      %dma_start3A_268 = tpu.memref_slice %arg8[%dma_start3A_256, %dma_start3A_265, %dma_start3A_266, %dma_start3A_267] : memref<2x4x8x512xf32, #tpu.memory_space<vmem>> -> memref<1x4x8x512xf32, #tpu.memory_space<vmem>>
      %dma_start3A_269 = tpu.memref_squeeze %dma_start3A_268 : memref<1x4x8x512xf32, #tpu.memory_space<vmem>> -> memref<4x8x512xf32, #tpu.memory_space<vmem>>
      %dma_start3A_270 = arith.constant 0 : i32
      %dma_start3A_271 = tpu.memref_slice %arg2[%dma_start3A_255, %mul3A_81, %add3A_254, %dma_start3A_270] : memref<4x96x512x512xf32, #tpu.memory_space<hbm>> -> memref<1x4x8x512xf32, #tpu.memory_space<hbm>>
      %dma_start3A_272 = tpu.memref_squeeze %dma_start3A_271 : memref<1x4x8x512xf32, #tpu.memory_space<hbm>> -> memref<4x8x512xf32, #tpu.memory_space<hbm>>
      tpu.enqueue_dma source(%dma_start3A_272 : memref<4x8x512xf32, #tpu.memory_space<hbm>>) target(%dma_start3A_269 : memref<4x8x512xf32, #tpu.memory_space<vmem>>) target_semaphore(%arg13 : memref<!tpu.dma_semaphore, #tpu.memory_space<semaphore_mem>>)
      %dma_wait3A_273 = arith.constant 0 : i32
      %dma_wait3A_274 = arith.constant 0 : i32
      %dma_wait3A_275 = arith.constant 0 : i32
      %dma_wait3A_276 = arith.constant 0 : i32
      %dma_wait3A_277 = arith.constant 0 : i32
      %dma_wait3A_278 = tpu.memref_slice %arg8[%dma_wait3A_274, %dma_wait3A_275, %dma_wait3A_276, %dma_wait3A_277] : memref<2x4x8x512xf32, #tpu.memory_space<vmem>> -> memref<1x4x8x512xf32, #tpu.memory_space<vmem>>
      %dma_wait3A_279 = tpu.memref_squeeze %dma_wait3A_278 : memref<1x4x8x512xf32, #tpu.memory_space<vmem>> -> memref<4x8x512xf32, #tpu.memory_space<vmem>>
      %dma_wait3A_280 = arith.constant 0 : i32
      %dma_wait3A_281 = arith.constant 0 : i32
      %dma_wait3A_282 = arith.constant 0 : i32
      %dma_wait3A_283 = tpu.memref_slice %arg2[%dma_wait3A_273, %dma_wait3A_280, %dma_wait3A_281, %dma_wait3A_282] : memref<4x96x512x512xf32, #tpu.memory_space<hbm>> -> memref<1x4x8x512xf32, #tpu.memory_space<hbm>>
      %dma_wait3A_284 = tpu.memref_squeeze %dma_wait3A_283 : memref<1x4x8x512xf32, #tpu.memory_space<hbm>> -> memref<4x8x512xf32, #tpu.memory_space<hbm>>
      %dma_wait3A_285 = arith.constant 0 : i32
      %dma_wait3A_286 = arith.constant 0 : i32
      %dma_wait3A_287 = arith.constant 0 : i32
      %dma_wait3A_288 = tpu.memref_slice %arg8[%dma_wait3A_274, %dma_wait3A_285, %dma_wait3A_286, %dma_wait3A_287] : memref<2x4x8x512xf32, #tpu.memory_space<vmem>> -> memref<1x4x8x512xf32, #tpu.memory_space<vmem>>
      %dma_wait3A_289 = tpu.memref_squeeze %dma_wait3A_288 : memref<1x4x8x512xf32, #tpu.memory_space<vmem>> -> memref<4x8x512xf32, #tpu.memory_space<vmem>>
      %dma_wait3A_290 = arith.constant 0 : i32
      %dma_wait3A_291 = arith.constant 0 : i32
      %dma_wait3A_292 = arith.constant 0 : i32
      %dma_wait3A_293 = tpu.memref_slice %arg2[%dma_wait3A_273, %dma_wait3A_290, %dma_wait3A_291, %dma_wait3A_292] : memref<4x96x512x512xf32, #tpu.memory_space<hbm>> -> memref<1x4x8x512xf32, #tpu.memory_space<hbm>>
      %dma_wait3A_294 = tpu.memref_squeeze %dma_wait3A_293 : memref<1x4x8x512xf32, #tpu.memory_space<hbm>> -> memref<4x8x512xf32, #tpu.memory_space<hbm>>
      tpu.wait_dma2 semaphore(%arg12 : memref<!tpu.dma_semaphore, #tpu.memory_space<semaphore_mem>>) src(%dma_wait3A_294 : memref<4x8x512xf32, #tpu.memory_space<hbm>>) dst(%dma_wait3A_289 : memref<4x8x512xf32, #tpu.memory_space<vmem>>)
      %scan3A_295 = arith.constant 0 : i32
      %scan3A_296 = arith.constant 128 : i32
      %scan3A_297 = arith.addi %scan3A_295, %scan3A_296 : i32
      %scan3A_298 = arith.constant 1 : i32
      %scan3A_299:8 = scf.for %scan3A_493 = %scan3A_295 to %scan3A_297 step %scan3A_298 iter_args(%scan3A_494 = %scan3A_251#0, %scan3A_495 = %scan3A_251#1, %scan3A_496 = %scan3A_251#2, %scan3A_497 = %scan3A_251#3, %scan3A_498 = %scan3A_251#4, %scan3A_499 = %scan3A_251#5, %scan3A_500 = %scan3A_251#6, %scan3A_501 = %scan3A_251#7) -> (vector<16xf32>, vector<16xf32>, vector<16xf32>, vector<16xf32>, vector<16xf32>, vector<16xf32>, vector<16xf32>, vector<16xf32>)  : i32 {
        %mul3A_502 = arith.constant 2 : i32
        %mul3A_503 = arith.muli %scan3A_493, %mul3A_502 : i32
        %div3A = arith.constant 32 : i32
        %div3A_504 = arith.divsi %mul3A_503, %div3A : i32
        %mul3A_505 = arith.constant 2 : i32
        %mul3A_506 = arith.muli %scan3A_493, %mul3A_505 : i32
        %rem3A = arith.constant 32 : i32
        %rem3A_507 = arith.remsi %mul3A_506, %rem3A : i32
        %mul3A_508 = arith.constant 16 : i32
        %mul3A_509 = arith.muli %rem3A_507, %mul3A_508 : i32
        %add3A_510 = arith.constant 0 : i32
        %add3A_511 = arith.addi %add3A_510, %div3A_504 : i32
        %add3A_512 = arith.constant 0 : i32
        %add3A_513 = arith.addi %mul3A_509, %add3A_512 : i32
        %get3A = arith.constant 2 : i32
        %get3A_514 = arith.index_cast %get3A : i32 to index
        %get3A_515 = arith.index_cast %add3A_511 : i32 to index
        %get3A_516 = arith.index_cast %add3A_513 : i32 to index
        %get3A_517 = tpu.vector_load %arg7[%get3A_514, %get3A_515, %get3A_516] {strides = array<i32>} : memref<4x16x512xf32, #tpu.memory_space<vmem>>, vector<1x1x16xf32>,
        %get3A_518 = vector.shape_cast %get3A_517 : vector<1x1x16xf32> to vector<16xf32>
        %add3A_519 = arith.constant 0 : i32
        %add3A_520 = arith.addi %mul3A_509, %add3A_519 : i32
        %get3A_521 = arith.constant 0 : i32
        %get3A_522 = arith.constant 0 : i32
        %get3A_523 = arith.index_cast %get3A_521 : i32 to index
        %get3A_524 = arith.index_cast %get3A_522 : i32 to index
        %get3A_525 = arith.index_cast %div3A_504 : i32 to index
        %get3A_526 = arith.index_cast %add3A_520 : i32 to index
        %get3A_527 = tpu.vector_load %arg8[%get3A_523, %get3A_524, %get3A_525, %get3A_526] {strides = array<i32>} : memref<2x4x8x512xf32, #tpu.memory_space<vmem>>, vector<1x1x1x16xf32>,
        %get3A_528 = vector.shape_cast %get3A_527 : vector<1x1x1x16xf32> to vector<16xf32>
        %mul3A_529 = arith.mulf %get3A_528, %get3A_518 : vector<16xf32>
        %add3A_530 = arith.addf %scan3A_494, %mul3A_529 : vector<16xf32>
        %mul3A_531 = arith.mulf %mul3A_529, %mul3A_529 : vector<16xf32>
        %add3A_532 = arith.addf %scan3A_495, %mul3A_531 : vector<16xf32>
        %add3A_533 = arith.constant 0 : i32
        %add3A_534 = arith.addi %mul3A_509, %add3A_533 : i32
        %get3A_535 = arith.constant 0 : i32
        %get3A_536 = arith.constant 1 : i32
        %get3A_537 = arith.index_cast %get3A_535 : i32 to index
        %get3A_538 = arith.index_cast %get3A_536 : i32 to index
        %get3A_539 = arith.index_cast %div3A_504 : i32 to index
        %get3A_540 = arith.index_cast %add3A_534 : i32 to index
        %get3A_541 = tpu.vector_load %arg8[%get3A_537, %get3A_538, %get3A_539, %get3A_540] {strides = array<i32>} : memref<2x4x8x512xf32, #tpu.memory_space<vmem>>, vector<1x1x1x16xf32>,
        %get3A_542 = vector.shape_cast %get3A_541 : vector<1x1x1x16xf32> to vector<16xf32>
        %mul3A_543 = arith.mulf %get3A_542, %get3A_518 : vector<16xf32>
        %add3A_544 = arith.addf %scan3A_496, %mul3A_543 : vector<16xf32>
        %mul3A_545 = arith.mulf %mul3A_543, %mul3A_543 : vector<16xf32>
        %add3A_546 = arith.addf %scan3A_497, %mul3A_545 : vector<16xf32>
        %add3A_547 = arith.constant 0 : i32
        %add3A_548 = arith.addi %mul3A_509, %add3A_547 : i32
        %get3A_549 = arith.constant 0 : i32
        %get3A_550 = arith.constant 2 : i32
        %get3A_551 = arith.index_cast %get3A_549 : i32 to index
        %get3A_552 = arith.index_cast %get3A_550 : i32 to index
        %get3A_553 = arith.index_cast %div3A_504 : i32 to index
        %get3A_554 = arith.index_cast %add3A_548 : i32 to index
        %get3A_555 = tpu.vector_load %arg8[%get3A_551, %get3A_552, %get3A_553, %get3A_554] {strides = array<i32>} : memref<2x4x8x512xf32, #tpu.memory_space<vmem>>, vector<1x1x1x16xf32>,
        %get3A_556 = vector.shape_cast %get3A_555 : vector<1x1x1x16xf32> to vector<16xf32>
        %mul3A_557 = arith.mulf %get3A_556, %get3A_518 : vector<16xf32>
        %add3A_558 = arith.addf %scan3A_498, %mul3A_557 : vector<16xf32>
        %mul3A_559 = arith.mulf %mul3A_557, %mul3A_557 : vector<16xf32>
        %add3A_560 = arith.addf %scan3A_499, %mul3A_559 : vector<16xf32>
        %add3A_561 = arith.constant 0 : i32
        %add3A_562 = arith.addi %mul3A_509, %add3A_561 : i32
        %get3A_563 = arith.constant 0 : i32
        %get3A_564 = arith.constant 3 : i32
        %get3A_565 = arith.index_cast %get3A_563 : i32 to index
        %get3A_566 = arith.index_cast %get3A_564 : i32 to index
        %get3A_567 = arith.index_cast %div3A_504 : i32 to index
        %get3A_568 = arith.index_cast %add3A_562 : i32 to index
        %get3A_569 = tpu.vector_load %arg8[%get3A_565, %get3A_566, %get3A_567, %get3A_568] {strides = array<i32>} : memref<2x4x8x512xf32, #tpu.memory_space<vmem>>, vector<1x1x1x16xf32>,
        %get3A_570 = vector.shape_cast %get3A_569 : vector<1x1x1x16xf32> to vector<16xf32>
        %mul3A_571 = arith.mulf %get3A_570, %get3A_518 : vector<16xf32>
        %add3A_572 = arith.addf %scan3A_500, %mul3A_571 : vector<16xf32>
        %mul3A_573 = arith.mulf %mul3A_571, %mul3A_571 : vector<16xf32>
        %add3A_574 = arith.addf %scan3A_501, %mul3A_573 : vector<16xf32>
        %add3A_575 = arith.constant 0 : i32
        %add3A_576 = arith.addi %add3A_575, %div3A_504 : i32
        %add3A_577 = arith.constant 16 : i32
        %add3A_578 = arith.addi %mul3A_509, %add3A_577 : i32
        %get3A_579 = arith.constant 2 : i32
        %get3A_580 = arith.index_cast %get3A_579 : i32 to index
        %get3A_581 = arith.index_cast %add3A_576 : i32 to index
        %get3A_582 = arith.index_cast %add3A_578 : i32 to index
        %get3A_583 = tpu.vector_load %arg7[%get3A_580, %get3A_581, %get3A_582] {strides = array<i32>} : memref<4x16x512xf32, #tpu.memory_space<vmem>>, vector<1x1x16xf32>,
        %get3A_584 = vector.shape_cast %get3A_583 : vector<1x1x16xf32> to vector<16xf32>
        %add3A_585 = arith.constant 16 : i32
        %add3A_586 = arith.addi %mul3A_509, %add3A_585 : i32
        %get3A_587 = arith.constant 0 : i32
        %get3A_588 = arith.constant 0 : i32
        %get3A_589 = arith.index_cast %get3A_587 : i32 to index
        %get3A_590 = arith.index_cast %get3A_588 : i32 to index
        %get3A_591 = arith.index_cast %div3A_504 : i32 to index
        %get3A_592 = arith.index_cast %add3A_586 : i32 to index
        %get3A_593 = tpu.vector_load %arg8[%get3A_589, %get3A_590, %get3A_591, %get3A_592] {strides = array<i32>} : memref<2x4x8x512xf32, #tpu.memory_space<vmem>>, vector<1x1x1x16xf32>,
        %get3A_594 = vector.shape_cast %get3A_593 : vector<1x1x1x16xf32> to vector<16xf32>
        %mul3A_595 = arith.mulf %get3A_594, %get3A_584 : vector<16xf32>
        %add3A_596 = arith.addf %add3A_530, %mul3A_595 : vector<16xf32>
        %mul3A_597 = arith.mulf %mul3A_595, %mul3A_595 : vector<16xf32>
        %add3A_598 = arith.addf %add3A_532, %mul3A_597 : vector<16xf32>
        %add3A_599 = arith.constant 16 : i32
        %add3A_600 = arith.addi %mul3A_509, %add3A_599 : i32
        %get3A_601 = arith.constant 0 : i32
        %get3A_602 = arith.constant 1 : i32
        %get3A_603 = arith.index_cast %get3A_601 : i32 to index
        %get3A_604 = arith.index_cast %get3A_602 : i32 to index
        %get3A_605 = arith.index_cast %div3A_504 : i32 to index
        %get3A_606 = arith.index_cast %add3A_600 : i32 to index
        %get3A_607 = tpu.vector_load %arg8[%get3A_603, %get3A_604, %get3A_605, %get3A_606] {strides = array<i32>} : memref<2x4x8x512xf32, #tpu.memory_space<vmem>>, vector<1x1x1x16xf32>,
        %get3A_608 = vector.shape_cast %get3A_607 : vector<1x1x1x16xf32> to vector<16xf32>
        %mul3A_609 = arith.mulf %get3A_608, %get3A_584 : vector<16xf32>
        %add3A_610 = arith.addf %add3A_544, %mul3A_609 : vector<16xf32>
        %mul3A_611 = arith.mulf %mul3A_609, %mul3A_609 : vector<16xf32>
        %add3A_612 = arith.addf %add3A_546, %mul3A_611 : vector<16xf32>
        %add3A_613 = arith.constant 16 : i32
        %add3A_614 = arith.addi %mul3A_509, %add3A_613 : i32
        %get3A_615 = arith.constant 0 : i32
        %get3A_616 = arith.constant 2 : i32
        %get3A_617 = arith.index_cast %get3A_615 : i32 to index
        %get3A_618 = arith.index_cast %get3A_616 : i32 to index
        %get3A_619 = arith.index_cast %div3A_504 : i32 to index
        %get3A_620 = arith.index_cast %add3A_614 : i32 to index
        %get3A_621 = tpu.vector_load %arg8[%get3A_617, %get3A_618, %get3A_619, %get3A_620] {strides = array<i32>} : memref<2x4x8x512xf32, #tpu.memory_space<vmem>>, vector<1x1x1x16xf32>,
        %get3A_622 = vector.shape_cast %get3A_621 : vector<1x1x1x16xf32> to vector<16xf32>
        %mul3A_623 = arith.mulf %get3A_622, %get3A_584 : vector<16xf32>
        %add3A_624 = arith.addf %add3A_558, %mul3A_623 : vector<16xf32>
        %mul3A_625 = arith.mulf %mul3A_623, %mul3A_623 : vector<16xf32>
        %add3A_626 = arith.addf %add3A_560, %mul3A_625 : vector<16xf32>
        %add3A_627 = arith.constant 16 : i32
        %add3A_628 = arith.addi %mul3A_509, %add3A_627 : i32
        %get3A_629 = arith.constant 0 : i32
        %get3A_630 = arith.constant 3 : i32
        %get3A_631 = arith.index_cast %get3A_629 : i32 to index
        %get3A_632 = arith.index_cast %get3A_630 : i32 to index
        %get3A_633 = arith.index_cast %div3A_504 : i32 to index
        %get3A_634 = arith.index_cast %add3A_628 : i32 to index
        %get3A_635 = tpu.vector_load %arg8[%get3A_631, %get3A_632, %get3A_633, %get3A_634] {strides = array<i32>} : memref<2x4x8x512xf32, #tpu.memory_space<vmem>>, vector<1x1x1x16xf32>,
        %get3A_636 = vector.shape_cast %get3A_635 : vector<1x1x1x16xf32> to vector<16xf32>
        %mul3A_637 = arith.mulf %get3A_636, %get3A_584 : vector<16xf32>
        %add3A_638 = arith.addf %add3A_572, %mul3A_637 : vector<16xf32>
        %mul3A_639 = arith.mulf %mul3A_637, %mul3A_637 : vector<16xf32>
        %add3A_640 = arith.addf %add3A_574, %mul3A_639 : vector<16xf32>
        scf.yield %add3A_596, %add3A_598, %add3A_610, %add3A_612, %add3A_624, %add3A_626, %add3A_638, %add3A_640 : vector<16xf32>, vector<16xf32>, vector<16xf32>, vector<16xf32>, vector<16xf32>, vector<16xf32>, vector<16xf32>, vector<16xf32>
      }
      %scan3A_300 = arith.constant 128 : i32
      %add3A_301 = arith.constant 0 : i32
      %add3A_302 = arith.addi %mul3A_4, %add3A_301 : i32
      %dma_start3A_303 = arith.constant 3 : i32
      %dma_start3A_304 = arith.constant 0 : i32
      %dma_start3A_305 = arith.constant 0 : i32
      %dma_start3A_306 = arith.constant 0 : i32
      %dma_start3A_307 = arith.constant 0 : i32
      %dma_start3A_308 = tpu.memref_slice %arg8[%dma_start3A_304, %dma_start3A_305, %dma_start3A_306, %dma_start3A_307] : memref<2x4x8x512xf32, #tpu.memory_space<vmem>> -> memref<1x4x8x512xf32, #tpu.memory_space<vmem>>
      %dma_start3A_309 = tpu.memref_squeeze %dma_start3A_308 : memref<1x4x8x512xf32, #tpu.memory_space<vmem>> -> memref<4x8x512xf32, #tpu.memory_space<vmem>>
      %dma_start3A_310 = arith.constant 0 : i32
      %dma_start3A_311 = tpu.memref_slice %arg2[%dma_start3A_303, %mul3A_81, %add3A_302, %dma_start3A_310] : memref<4x96x512x512xf32, #tpu.memory_space<hbm>> -> memref<1x4x8x512xf32, #tpu.memory_space<hbm>>
      %dma_start3A_312 = tpu.memref_squeeze %dma_start3A_311 : memref<1x4x8x512xf32, #tpu.memory_space<hbm>> -> memref<4x8x512xf32, #tpu.memory_space<hbm>>
      %dma_start3A_313 = arith.constant 0 : i32
      %dma_start3A_314 = arith.constant 0 : i32
      %dma_start3A_315 = arith.constant 0 : i32
      %dma_start3A_316 = tpu.memref_slice %arg8[%dma_start3A_304, %dma_start3A_313, %dma_start3A_314, %dma_start3A_315] : memref<2x4x8x512xf32, #tpu.memory_space<vmem>> -> memref<1x4x8x512xf32, #tpu.memory_space<vmem>>
      %dma_start3A_317 = tpu.memref_squeeze %dma_start3A_316 : memref<1x4x8x512xf32, #tpu.memory_space<vmem>> -> memref<4x8x512xf32, #tpu.memory_space<vmem>>
      %dma_start3A_318 = arith.constant 0 : i32
      %dma_start3A_319 = tpu.memref_slice %arg2[%dma_start3A_303, %mul3A_81, %add3A_302, %dma_start3A_318] : memref<4x96x512x512xf32, #tpu.memory_space<hbm>> -> memref<1x4x8x512xf32, #tpu.memory_space<hbm>>
      %dma_start3A_320 = tpu.memref_squeeze %dma_start3A_319 : memref<1x4x8x512xf32, #tpu.memory_space<hbm>> -> memref<4x8x512xf32, #tpu.memory_space<hbm>>
      tpu.enqueue_dma source(%dma_start3A_320 : memref<4x8x512xf32, #tpu.memory_space<hbm>>) target(%dma_start3A_317 : memref<4x8x512xf32, #tpu.memory_space<vmem>>) target_semaphore(%arg12 : memref<!tpu.dma_semaphore, #tpu.memory_space<semaphore_mem>>)
      %dma_wait3A_321 = arith.constant 0 : i32
      %dma_wait3A_322 = arith.constant 1 : i32
      %dma_wait3A_323 = arith.constant 0 : i32
      %dma_wait3A_324 = arith.constant 0 : i32
      %dma_wait3A_325 = arith.constant 0 : i32
      %dma_wait3A_326 = tpu.memref_slice %arg8[%dma_wait3A_322, %dma_wait3A_323, %dma_wait3A_324, %dma_wait3A_325] : memref<2x4x8x512xf32, #tpu.memory_space<vmem>> -> memref<1x4x8x512xf32, #tpu.memory_space<vmem>>
      %dma_wait3A_327 = tpu.memref_squeeze %dma_wait3A_326 : memref<1x4x8x512xf32, #tpu.memory_space<vmem>> -> memref<4x8x512xf32, #tpu.memory_space<vmem>>
      %dma_wait3A_328 = arith.constant 0 : i32
      %dma_wait3A_329 = arith.constant 0 : i32
      %dma_wait3A_330 = arith.constant 0 : i32
      %dma_wait3A_331 = tpu.memref_slice %arg2[%dma_wait3A_321, %dma_wait3A_328, %dma_wait3A_329, %dma_wait3A_330] : memref<4x96x512x512xf32, #tpu.memory_space<hbm>> -> memref<1x4x8x512xf32, #tpu.memory_space<hbm>>
      %dma_wait3A_332 = tpu.memref_squeeze %dma_wait3A_331 : memref<1x4x8x512xf32, #tpu.memory_space<hbm>> -> memref<4x8x512xf32, #tpu.memory_space<hbm>>
      %dma_wait3A_333 = arith.constant 0 : i32
      %dma_wait3A_334 = arith.constant 0 : i32
      %dma_wait3A_335 = arith.constant 0 : i32
      %dma_wait3A_336 = tpu.memref_slice %arg8[%dma_wait3A_322, %dma_wait3A_333, %dma_wait3A_334, %dma_wait3A_335] : memref<2x4x8x512xf32, #tpu.memory_space<vmem>> -> memref<1x4x8x512xf32, #tpu.memory_space<vmem>>
      %dma_wait3A_337 = tpu.memref_squeeze %dma_wait3A_336 : memref<1x4x8x512xf32, #tpu.memory_space<vmem>> -> memref<4x8x512xf32, #tpu.memory_space<vmem>>
      %dma_wait3A_338 = arith.constant 0 : i32
      %dma_wait3A_339 = arith.constant 0 : i32
      %dma_wait3A_340 = arith.constant 0 : i32
      %dma_wait3A_341 = tpu.memref_slice %arg2[%dma_wait3A_321, %dma_wait3A_338, %dma_wait3A_339, %dma_wait3A_340] : memref<4x96x512x512xf32, #tpu.memory_space<hbm>> -> memref<1x4x8x512xf32, #tpu.memory_space<hbm>>
      %dma_wait3A_342 = tpu.memref_squeeze %dma_wait3A_341 : memref<1x4x8x512xf32, #tpu.memory_space<hbm>> -> memref<4x8x512xf32, #tpu.memory_space<hbm>>
      tpu.wait_dma2 semaphore(%arg13 : memref<!tpu.dma_semaphore, #tpu.memory_space<semaphore_mem>>) src(%dma_wait3A_342 : memref<4x8x512xf32, #tpu.memory_space<hbm>>) dst(%dma_wait3A_337 : memref<4x8x512xf32, #tpu.memory_space<vmem>>)
      %scan3A_343 = arith.constant 0 : i32
      %scan3A_344 = arith.constant 128 : i32
      %scan3A_345 = arith.addi %scan3A_343, %scan3A_344 : i32
      %scan3A_346 = arith.constant 1 : i32
      %scan3A_347:8 = scf.for %scan3A_493 = %scan3A_343 to %scan3A_345 step %scan3A_346 iter_args(%scan3A_494 = %scan3A_299#0, %scan3A_495 = %scan3A_299#1, %scan3A_496 = %scan3A_299#2, %scan3A_497 = %scan3A_299#3, %scan3A_498 = %scan3A_299#4, %scan3A_499 = %scan3A_299#5, %scan3A_500 = %scan3A_299#6, %scan3A_501 = %scan3A_299#7) -> (vector<16xf32>, vector<16xf32>, vector<16xf32>, vector<16xf32>, vector<16xf32>, vector<16xf32>, vector<16xf32>, vector<16xf32>)  : i32 {
        %mul3A_502 = arith.constant 2 : i32
        %mul3A_503 = arith.muli %scan3A_493, %mul3A_502 : i32
        %div3A = arith.constant 32 : i32
        %div3A_504 = arith.divsi %mul3A_503, %div3A : i32
        %mul3A_505 = arith.constant 2 : i32
        %mul3A_506 = arith.muli %scan3A_493, %mul3A_505 : i32
        %rem3A = arith.constant 32 : i32
        %rem3A_507 = arith.remsi %mul3A_506, %rem3A : i32
        %mul3A_508 = arith.constant 16 : i32
        %mul3A_509 = arith.muli %rem3A_507, %mul3A_508 : i32
        %add3A_510 = arith.constant 8 : i32
        %add3A_511 = arith.addi %add3A_510, %div3A_504 : i32
        %add3A_512 = arith.constant 0 : i32
        %add3A_513 = arith.addi %mul3A_509, %add3A_512 : i32
        %get3A = arith.constant 2 : i32
        %get3A_514 = arith.index_cast %get3A : i32 to index
        %get3A_515 = arith.index_cast %add3A_511 : i32 to index
        %get3A_516 = arith.index_cast %add3A_513 : i32 to index
        %get3A_517 = tpu.vector_load %arg7[%get3A_514, %get3A_515, %get3A_516] {strides = array<i32>} : memref<4x16x512xf32, #tpu.memory_space<vmem>>, vector<1x1x16xf32>,
        %get3A_518 = vector.shape_cast %get3A_517 : vector<1x1x16xf32> to vector<16xf32>
        %add3A_519 = arith.constant 0 : i32
        %add3A_520 = arith.addi %mul3A_509, %add3A_519 : i32
        %get3A_521 = arith.constant 1 : i32
        %get3A_522 = arith.constant 0 : i32
        %get3A_523 = arith.index_cast %get3A_521 : i32 to index
        %get3A_524 = arith.index_cast %get3A_522 : i32 to index
        %get3A_525 = arith.index_cast %div3A_504 : i32 to index
        %get3A_526 = arith.index_cast %add3A_520 : i32 to index
        %get3A_527 = tpu.vector_load %arg8[%get3A_523, %get3A_524, %get3A_525, %get3A_526] {strides = array<i32>} : memref<2x4x8x512xf32, #tpu.memory_space<vmem>>, vector<1x1x1x16xf32>,
        %get3A_528 = vector.shape_cast %get3A_527 : vector<1x1x1x16xf32> to vector<16xf32>
        %mul3A_529 = arith.mulf %get3A_528, %get3A_518 : vector<16xf32>
        %add3A_530 = arith.addf %scan3A_494, %mul3A_529 : vector<16xf32>
        %mul3A_531 = arith.mulf %mul3A_529, %mul3A_529 : vector<16xf32>
        %add3A_532 = arith.addf %scan3A_495, %mul3A_531 : vector<16xf32>
        %add3A_533 = arith.constant 0 : i32
        %add3A_534 = arith.addi %mul3A_509, %add3A_533 : i32
        %get3A_535 = arith.constant 1 : i32
        %get3A_536 = arith.constant 1 : i32
        %get3A_537 = arith.index_cast %get3A_535 : i32 to index
        %get3A_538 = arith.index_cast %get3A_536 : i32 to index
        %get3A_539 = arith.index_cast %div3A_504 : i32 to index
        %get3A_540 = arith.index_cast %add3A_534 : i32 to index
        %get3A_541 = tpu.vector_load %arg8[%get3A_537, %get3A_538, %get3A_539, %get3A_540] {strides = array<i32>} : memref<2x4x8x512xf32, #tpu.memory_space<vmem>>, vector<1x1x1x16xf32>,
        %get3A_542 = vector.shape_cast %get3A_541 : vector<1x1x1x16xf32> to vector<16xf32>
        %mul3A_543 = arith.mulf %get3A_542, %get3A_518 : vector<16xf32>
        %add3A_544 = arith.addf %scan3A_496, %mul3A_543 : vector<16xf32>
        %mul3A_545 = arith.mulf %mul3A_543, %mul3A_543 : vector<16xf32>
        %add3A_546 = arith.addf %scan3A_497, %mul3A_545 : vector<16xf32>
        %add3A_547 = arith.constant 0 : i32
        %add3A_548 = arith.addi %mul3A_509, %add3A_547 : i32
        %get3A_549 = arith.constant 1 : i32
        %get3A_550 = arith.constant 2 : i32
        %get3A_551 = arith.index_cast %get3A_549 : i32 to index
        %get3A_552 = arith.index_cast %get3A_550 : i32 to index
        %get3A_553 = arith.index_cast %div3A_504 : i32 to index
        %get3A_554 = arith.index_cast %add3A_548 : i32 to index
        %get3A_555 = tpu.vector_load %arg8[%get3A_551, %get3A_552, %get3A_553, %get3A_554] {strides = array<i32>} : memref<2x4x8x512xf32, #tpu.memory_space<vmem>>, vector<1x1x1x16xf32>,
        %get3A_556 = vector.shape_cast %get3A_555 : vector<1x1x1x16xf32> to vector<16xf32>
        %mul3A_557 = arith.mulf %get3A_556, %get3A_518 : vector<16xf32>
        %add3A_558 = arith.addf %scan3A_498, %mul3A_557 : vector<16xf32>
        %mul3A_559 = arith.mulf %mul3A_557, %mul3A_557 : vector<16xf32>
        %add3A_560 = arith.addf %scan3A_499, %mul3A_559 : vector<16xf32>
        %add3A_561 = arith.constant 0 : i32
        %add3A_562 = arith.addi %mul3A_509, %add3A_561 : i32
        %get3A_563 = arith.constant 1 : i32
        %get3A_564 = arith.constant 3 : i32
        %get3A_565 = arith.index_cast %get3A_563 : i32 to index
        %get3A_566 = arith.index_cast %get3A_564 : i32 to index
        %get3A_567 = arith.index_cast %div3A_504 : i32 to index
        %get3A_568 = arith.index_cast %add3A_562 : i32 to index
        %get3A_569 = tpu.vector_load %arg8[%get3A_565, %get3A_566, %get3A_567, %get3A_568] {strides = array<i32>} : memref<2x4x8x512xf32, #tpu.memory_space<vmem>>, vector<1x1x1x16xf32>,
        %get3A_570 = vector.shape_cast %get3A_569 : vector<1x1x1x16xf32> to vector<16xf32>
        %mul3A_571 = arith.mulf %get3A_570, %get3A_518 : vector<16xf32>
        %add3A_572 = arith.addf %scan3A_500, %mul3A_571 : vector<16xf32>
        %mul3A_573 = arith.mulf %mul3A_571, %mul3A_571 : vector<16xf32>
        %add3A_574 = arith.addf %scan3A_501, %mul3A_573 : vector<16xf32>
        %add3A_575 = arith.constant 8 : i32
        %add3A_576 = arith.addi %add3A_575, %div3A_504 : i32
        %add3A_577 = arith.constant 16 : i32
        %add3A_578 = arith.addi %mul3A_509, %add3A_577 : i32
        %get3A_579 = arith.constant 2 : i32
        %get3A_580 = arith.index_cast %get3A_579 : i32 to index
        %get3A_581 = arith.index_cast %add3A_576 : i32 to index
        %get3A_582 = arith.index_cast %add3A_578 : i32 to index
        %get3A_583 = tpu.vector_load %arg7[%get3A_580, %get3A_581, %get3A_582] {strides = array<i32>} : memref<4x16x512xf32, #tpu.memory_space<vmem>>, vector<1x1x16xf32>,
        %get3A_584 = vector.shape_cast %get3A_583 : vector<1x1x16xf32> to vector<16xf32>
        %add3A_585 = arith.constant 16 : i32
        %add3A_586 = arith.addi %mul3A_509, %add3A_585 : i32
        %get3A_587 = arith.constant 1 : i32
        %get3A_588 = arith.constant 0 : i32
        %get3A_589 = arith.index_cast %get3A_587 : i32 to index
        %get3A_590 = arith.index_cast %get3A_588 : i32 to index
        %get3A_591 = arith.index_cast %div3A_504 : i32 to index
        %get3A_592 = arith.index_cast %add3A_586 : i32 to index
        %get3A_593 = tpu.vector_load %arg8[%get3A_589, %get3A_590, %get3A_591, %get3A_592] {strides = array<i32>} : memref<2x4x8x512xf32, #tpu.memory_space<vmem>>, vector<1x1x1x16xf32>,
        %get3A_594 = vector.shape_cast %get3A_593 : vector<1x1x1x16xf32> to vector<16xf32>
        %mul3A_595 = arith.mulf %get3A_594, %get3A_584 : vector<16xf32>
        %add3A_596 = arith.addf %add3A_530, %mul3A_595 : vector<16xf32>
        %mul3A_597 = arith.mulf %mul3A_595, %mul3A_595 : vector<16xf32>
        %add3A_598 = arith.addf %add3A_532, %mul3A_597 : vector<16xf32>
        %add3A_599 = arith.constant 16 : i32
        %add3A_600 = arith.addi %mul3A_509, %add3A_599 : i32
        %get3A_601 = arith.constant 1 : i32
        %get3A_602 = arith.constant 1 : i32
        %get3A_603 = arith.index_cast %get3A_601 : i32 to index
        %get3A_604 = arith.index_cast %get3A_602 : i32 to index
        %get3A_605 = arith.index_cast %div3A_504 : i32 to index
        %get3A_606 = arith.index_cast %add3A_600 : i32 to index
        %get3A_607 = tpu.vector_load %arg8[%get3A_603, %get3A_604, %get3A_605, %get3A_606] {strides = array<i32>} : memref<2x4x8x512xf32, #tpu.memory_space<vmem>>, vector<1x1x1x16xf32>,
        %get3A_608 = vector.shape_cast %get3A_607 : vector<1x1x1x16xf32> to vector<16xf32>
        %mul3A_609 = arith.mulf %get3A_608, %get3A_584 : vector<16xf32>
        %add3A_610 = arith.addf %add3A_544, %mul3A_609 : vector<16xf32>
        %mul3A_611 = arith.mulf %mul3A_609, %mul3A_609 : vector<16xf32>
        %add3A_612 = arith.addf %add3A_546, %mul3A_611 : vector<16xf32>
        %add3A_613 = arith.constant 16 : i32
        %add3A_614 = arith.addi %mul3A_509, %add3A_613 : i32
        %get3A_615 = arith.constant 1 : i32
        %get3A_616 = arith.constant 2 : i32
        %get3A_617 = arith.index_cast %get3A_615 : i32 to index
        %get3A_618 = arith.index_cast %get3A_616 : i32 to index
        %get3A_619 = arith.index_cast %div3A_504 : i32 to index
        %get3A_620 = arith.index_cast %add3A_614 : i32 to index
        %get3A_621 = tpu.vector_load %arg8[%get3A_617, %get3A_618, %get3A_619, %get3A_620] {strides = array<i32>} : memref<2x4x8x512xf32, #tpu.memory_space<vmem>>, vector<1x1x1x16xf32>,
        %get3A_622 = vector.shape_cast %get3A_621 : vector<1x1x1x16xf32> to vector<16xf32>
        %mul3A_623 = arith.mulf %get3A_622, %get3A_584 : vector<16xf32>
        %add3A_624 = arith.addf %add3A_558, %mul3A_623 : vector<16xf32>
        %mul3A_625 = arith.mulf %mul3A_623, %mul3A_623 : vector<16xf32>
        %add3A_626 = arith.addf %add3A_560, %mul3A_625 : vector<16xf32>
        %add3A_627 = arith.constant 16 : i32
        %add3A_628 = arith.addi %mul3A_509, %add3A_627 : i32
        %get3A_629 = arith.constant 1 : i32
        %get3A_630 = arith.constant 3 : i32
        %get3A_631 = arith.index_cast %get3A_629 : i32 to index
        %get3A_632 = arith.index_cast %get3A_630 : i32 to index
        %get3A_633 = arith.index_cast %div3A_504 : i32 to index
        %get3A_634 = arith.index_cast %add3A_628 : i32 to index
        %get3A_635 = tpu.vector_load %arg8[%get3A_631, %get3A_632, %get3A_633, %get3A_634] {strides = array<i32>} : memref<2x4x8x512xf32, #tpu.memory_space<vmem>>, vector<1x1x1x16xf32>,
        %get3A_636 = vector.shape_cast %get3A_635 : vector<1x1x1x16xf32> to vector<16xf32>
        %mul3A_637 = arith.mulf %get3A_636, %get3A_584 : vector<16xf32>
        %add3A_638 = arith.addf %add3A_572, %mul3A_637 : vector<16xf32>
        %mul3A_639 = arith.mulf %mul3A_637, %mul3A_637 : vector<16xf32>
        %add3A_640 = arith.addf %add3A_574, %mul3A_639 : vector<16xf32>
        scf.yield %add3A_596, %add3A_598, %add3A_610, %add3A_612, %add3A_624, %add3A_626, %add3A_638, %add3A_640 : vector<16xf32>, vector<16xf32>, vector<16xf32>, vector<16xf32>, vector<16xf32>, vector<16xf32>, vector<16xf32>, vector<16xf32>
      }
      %scan3A_348 = arith.constant 128 : i32
      %add3A_349 = arith.constant 8 : i32
      %add3A_350 = arith.addi %mul3A_4, %add3A_349 : i32
      %dma_start3A_351 = arith.constant 3 : i32
      %dma_start3A_352 = arith.constant 1 : i32
      %dma_start3A_353 = arith.constant 0 : i32
      %dma_start3A_354 = arith.constant 0 : i32
      %dma_start3A_355 = arith.constant 0 : i32
      %dma_start3A_356 = tpu.memref_slice %arg8[%dma_start3A_352, %dma_start3A_353, %dma_start3A_354, %dma_start3A_355] : memref<2x4x8x512xf32, #tpu.memory_space<vmem>> -> memref<1x4x8x512xf32, #tpu.memory_space<vmem>>
      %dma_start3A_357 = tpu.memref_squeeze %dma_start3A_356 : memref<1x4x8x512xf32, #tpu.memory_space<vmem>> -> memref<4x8x512xf32, #tpu.memory_space<vmem>>
      %dma_start3A_358 = arith.constant 0 : i32
      %dma_start3A_359 = tpu.memref_slice %arg2[%dma_start3A_351, %mul3A_81, %add3A_350, %dma_start3A_358] : memref<4x96x512x512xf32, #tpu.memory_space<hbm>> -> memref<1x4x8x512xf32, #tpu.memory_space<hbm>>
      %dma_start3A_360 = tpu.memref_squeeze %dma_start3A_359 : memref<1x4x8x512xf32, #tpu.memory_space<hbm>> -> memref<4x8x512xf32, #tpu.memory_space<hbm>>
      %dma_start3A_361 = arith.constant 0 : i32
      %dma_start3A_362 = arith.constant 0 : i32
      %dma_start3A_363 = arith.constant 0 : i32
      %dma_start3A_364 = tpu.memref_slice %arg8[%dma_start3A_352, %dma_start3A_361, %dma_start3A_362, %dma_start3A_363] : memref<2x4x8x512xf32, #tpu.memory_space<vmem>> -> memref<1x4x8x512xf32, #tpu.memory_space<vmem>>
      %dma_start3A_365 = tpu.memref_squeeze %dma_start3A_364 : memref<1x4x8x512xf32, #tpu.memory_space<vmem>> -> memref<4x8x512xf32, #tpu.memory_space<vmem>>
      %dma_start3A_366 = arith.constant 0 : i32
      %dma_start3A_367 = tpu.memref_slice %arg2[%dma_start3A_351, %mul3A_81, %add3A_350, %dma_start3A_366] : memref<4x96x512x512xf32, #tpu.memory_space<hbm>> -> memref<1x4x8x512xf32, #tpu.memory_space<hbm>>
      %dma_start3A_368 = tpu.memref_squeeze %dma_start3A_367 : memref<1x4x8x512xf32, #tpu.memory_space<hbm>> -> memref<4x8x512xf32, #tpu.memory_space<hbm>>
      tpu.enqueue_dma source(%dma_start3A_368 : memref<4x8x512xf32, #tpu.memory_space<hbm>>) target(%dma_start3A_365 : memref<4x8x512xf32, #tpu.memory_space<vmem>>) target_semaphore(%arg13 : memref<!tpu.dma_semaphore, #tpu.memory_space<semaphore_mem>>)
      %dma_wait3A_369 = arith.constant 0 : i32
      %dma_wait3A_370 = arith.constant 0 : i32
      %dma_wait3A_371 = arith.constant 0 : i32
      %dma_wait3A_372 = arith.constant 0 : i32
      %dma_wait3A_373 = arith.constant 0 : i32
      %dma_wait3A_374 = tpu.memref_slice %arg8[%dma_wait3A_370, %dma_wait3A_371, %dma_wait3A_372, %dma_wait3A_373] : memref<2x4x8x512xf32, #tpu.memory_space<vmem>> -> memref<1x4x8x512xf32, #tpu.memory_space<vmem>>
      %dma_wait3A_375 = tpu.memref_squeeze %dma_wait3A_374 : memref<1x4x8x512xf32, #tpu.memory_space<vmem>> -> memref<4x8x512xf32, #tpu.memory_space<vmem>>
      %dma_wait3A_376 = arith.constant 0 : i32
      %dma_wait3A_377 = arith.constant 0 : i32
      %dma_wait3A_378 = arith.constant 0 : i32
      %dma_wait3A_379 = tpu.memref_slice %arg2[%dma_wait3A_369, %dma_wait3A_376, %dma_wait3A_377, %dma_wait3A_378] : memref<4x96x512x512xf32, #tpu.memory_space<hbm>> -> memref<1x4x8x512xf32, #tpu.memory_space<hbm>>
      %dma_wait3A_380 = tpu.memref_squeeze %dma_wait3A_379 : memref<1x4x8x512xf32, #tpu.memory_space<hbm>> -> memref<4x8x512xf32, #tpu.memory_space<hbm>>
      %dma_wait3A_381 = arith.constant 0 : i32
      %dma_wait3A_382 = arith.constant 0 : i32
      %dma_wait3A_383 = arith.constant 0 : i32
      %dma_wait3A_384 = tpu.memref_slice %arg8[%dma_wait3A_370, %dma_wait3A_381, %dma_wait3A_382, %dma_wait3A_383] : memref<2x4x8x512xf32, #tpu.memory_space<vmem>> -> memref<1x4x8x512xf32, #tpu.memory_space<vmem>>
      %dma_wait3A_385 = tpu.memref_squeeze %dma_wait3A_384 : memref<1x4x8x512xf32, #tpu.memory_space<vmem>> -> memref<4x8x512xf32, #tpu.memory_space<vmem>>
      %dma_wait3A_386 = arith.constant 0 : i32
      %dma_wait3A_387 = arith.constant 0 : i32
      %dma_wait3A_388 = arith.constant 0 : i32
      %dma_wait3A_389 = tpu.memref_slice %arg2[%dma_wait3A_369, %dma_wait3A_386, %dma_wait3A_387, %dma_wait3A_388] : memref<4x96x512x512xf32, #tpu.memory_space<hbm>> -> memref<1x4x8x512xf32, #tpu.memory_space<hbm>>
      %dma_wait3A_390 = tpu.memref_squeeze %dma_wait3A_389 : memref<1x4x8x512xf32, #tpu.memory_space<hbm>> -> memref<4x8x512xf32, #tpu.memory_space<hbm>>
      tpu.wait_dma2 semaphore(%arg12 : memref<!tpu.dma_semaphore, #tpu.memory_space<semaphore_mem>>) src(%dma_wait3A_390 : memref<4x8x512xf32, #tpu.memory_space<hbm>>) dst(%dma_wait3A_385 : memref<4x8x512xf32, #tpu.memory_space<vmem>>)
      %scan3A_391 = arith.constant 0 : i32
      %scan3A_392 = arith.constant 128 : i32
      %scan3A_393 = arith.addi %scan3A_391, %scan3A_392 : i32
      %scan3A_394 = arith.constant 1 : i32
      %scan3A_395:8 = scf.for %scan3A_493 = %scan3A_391 to %scan3A_393 step %scan3A_394 iter_args(%scan3A_494 = %scan3A_347#0, %scan3A_495 = %scan3A_347#1, %scan3A_496 = %scan3A_347#2, %scan3A_497 = %scan3A_347#3, %scan3A_498 = %scan3A_347#4, %scan3A_499 = %scan3A_347#5, %scan3A_500 = %scan3A_347#6, %scan3A_501 = %scan3A_347#7) -> (vector<16xf32>, vector<16xf32>, vector<16xf32>, vector<16xf32>, vector<16xf32>, vector<16xf32>, vector<16xf32>, vector<16xf32>)  : i32 {
        %mul3A_502 = arith.constant 2 : i32
        %mul3A_503 = arith.muli %scan3A_493, %mul3A_502 : i32
        %div3A = arith.constant 32 : i32
        %div3A_504 = arith.divsi %mul3A_503, %div3A : i32
        %mul3A_505 = arith.constant 2 : i32
        %mul3A_506 = arith.muli %scan3A_493, %mul3A_505 : i32
        %rem3A = arith.constant 32 : i32
        %rem3A_507 = arith.remsi %mul3A_506, %rem3A : i32
        %mul3A_508 = arith.constant 16 : i32
        %mul3A_509 = arith.muli %rem3A_507, %mul3A_508 : i32
        %add3A_510 = arith.constant 0 : i32
        %add3A_511 = arith.addi %add3A_510, %div3A_504 : i32
        %add3A_512 = arith.constant 0 : i32
        %add3A_513 = arith.addi %mul3A_509, %add3A_512 : i32
        %get3A = arith.constant 3 : i32
        %get3A_514 = arith.index_cast %get3A : i32 to index
        %get3A_515 = arith.index_cast %add3A_511 : i32 to index
        %get3A_516 = arith.index_cast %add3A_513 : i32 to index
        %get3A_517 = tpu.vector_load %arg7[%get3A_514, %get3A_515, %get3A_516] {strides = array<i32>} : memref<4x16x512xf32, #tpu.memory_space<vmem>>, vector<1x1x16xf32>,
        %get3A_518 = vector.shape_cast %get3A_517 : vector<1x1x16xf32> to vector<16xf32>
        %add3A_519 = arith.constant 0 : i32
        %add3A_520 = arith.addi %mul3A_509, %add3A_519 : i32
        %get3A_521 = arith.constant 0 : i32
        %get3A_522 = arith.constant 0 : i32
        %get3A_523 = arith.index_cast %get3A_521 : i32 to index
        %get3A_524 = arith.index_cast %get3A_522 : i32 to index
        %get3A_525 = arith.index_cast %div3A_504 : i32 to index
        %get3A_526 = arith.index_cast %add3A_520 : i32 to index
        %get3A_527 = tpu.vector_load %arg8[%get3A_523, %get3A_524, %get3A_525, %get3A_526] {strides = array<i32>} : memref<2x4x8x512xf32, #tpu.memory_space<vmem>>, vector<1x1x1x16xf32>,
        %get3A_528 = vector.shape_cast %get3A_527 : vector<1x1x1x16xf32> to vector<16xf32>
        %mul3A_529 = arith.mulf %get3A_528, %get3A_518 : vector<16xf32>
        %add3A_530 = arith.addf %scan3A_494, %mul3A_529 : vector<16xf32>
        %mul3A_531 = arith.mulf %mul3A_529, %mul3A_529 : vector<16xf32>
        %add3A_532 = arith.addf %scan3A_495, %mul3A_531 : vector<16xf32>
        %add3A_533 = arith.constant 0 : i32
        %add3A_534 = arith.addi %mul3A_509, %add3A_533 : i32
        %get3A_535 = arith.constant 0 : i32
        %get3A_536 = arith.constant 1 : i32
        %get3A_537 = arith.index_cast %get3A_535 : i32 to index
        %get3A_538 = arith.index_cast %get3A_536 : i32 to index
        %get3A_539 = arith.index_cast %div3A_504 : i32 to index
        %get3A_540 = arith.index_cast %add3A_534 : i32 to index
        %get3A_541 = tpu.vector_load %arg8[%get3A_537, %get3A_538, %get3A_539, %get3A_540] {strides = array<i32>} : memref<2x4x8x512xf32, #tpu.memory_space<vmem>>, vector<1x1x1x16xf32>,
        %get3A_542 = vector.shape_cast %get3A_541 : vector<1x1x1x16xf32> to vector<16xf32>
        %mul3A_543 = arith.mulf %get3A_542, %get3A_518 : vector<16xf32>
        %add3A_544 = arith.addf %scan3A_496, %mul3A_543 : vector<16xf32>
        %mul3A_545 = arith.mulf %mul3A_543, %mul3A_543 : vector<16xf32>
        %add3A_546 = arith.addf %scan3A_497, %mul3A_545 : vector<16xf32>
        %add3A_547 = arith.constant 0 : i32
        %add3A_548 = arith.addi %mul3A_509, %add3A_547 : i32
        %get3A_549 = arith.constant 0 : i32
        %get3A_550 = arith.constant 2 : i32
        %get3A_551 = arith.index_cast %get3A_549 : i32 to index
        %get3A_552 = arith.index_cast %get3A_550 : i32 to index
        %get3A_553 = arith.index_cast %div3A_504 : i32 to index
        %get3A_554 = arith.index_cast %add3A_548 : i32 to index
        %get3A_555 = tpu.vector_load %arg8[%get3A_551, %get3A_552, %get3A_553, %get3A_554] {strides = array<i32>} : memref<2x4x8x512xf32, #tpu.memory_space<vmem>>, vector<1x1x1x16xf32>,
        %get3A_556 = vector.shape_cast %get3A_555 : vector<1x1x1x16xf32> to vector<16xf32>
        %mul3A_557 = arith.mulf %get3A_556, %get3A_518 : vector<16xf32>
        %add3A_558 = arith.addf %scan3A_498, %mul3A_557 : vector<16xf32>
        %mul3A_559 = arith.mulf %mul3A_557, %mul3A_557 : vector<16xf32>
        %add3A_560 = arith.addf %scan3A_499, %mul3A_559 : vector<16xf32>
        %add3A_561 = arith.constant 0 : i32
        %add3A_562 = arith.addi %mul3A_509, %add3A_561 : i32
        %get3A_563 = arith.constant 0 : i32
        %get3A_564 = arith.constant 3 : i32
        %get3A_565 = arith.index_cast %get3A_563 : i32 to index
        %get3A_566 = arith.index_cast %get3A_564 : i32 to index
        %get3A_567 = arith.index_cast %div3A_504 : i32 to index
        %get3A_568 = arith.index_cast %add3A_562 : i32 to index
        %get3A_569 = tpu.vector_load %arg8[%get3A_565, %get3A_566, %get3A_567, %get3A_568] {strides = array<i32>} : memref<2x4x8x512xf32, #tpu.memory_space<vmem>>, vector<1x1x1x16xf32>,
        %get3A_570 = vector.shape_cast %get3A_569 : vector<1x1x1x16xf32> to vector<16xf32>
        %mul3A_571 = arith.mulf %get3A_570, %get3A_518 : vector<16xf32>
        %add3A_572 = arith.addf %scan3A_500, %mul3A_571 : vector<16xf32>
        %mul3A_573 = arith.mulf %mul3A_571, %mul3A_571 : vector<16xf32>
        %add3A_574 = arith.addf %scan3A_501, %mul3A_573 : vector<16xf32>
        %add3A_575 = arith.constant 0 : i32
        %add3A_576 = arith.addi %add3A_575, %div3A_504 : i32
        %add3A_577 = arith.constant 16 : i32
        %add3A_578 = arith.addi %mul3A_509, %add3A_577 : i32
        %get3A_579 = arith.constant 3 : i32
        %get3A_580 = arith.index_cast %get3A_579 : i32 to index
        %get3A_581 = arith.index_cast %add3A_576 : i32 to index
        %get3A_582 = arith.index_cast %add3A_578 : i32 to index
        %get3A_583 = tpu.vector_load %arg7[%get3A_580, %get3A_581, %get3A_582] {strides = array<i32>} : memref<4x16x512xf32, #tpu.memory_space<vmem>>, vector<1x1x16xf32>,
        %get3A_584 = vector.shape_cast %get3A_583 : vector<1x1x16xf32> to vector<16xf32>
        %add3A_585 = arith.constant 16 : i32
        %add3A_586 = arith.addi %mul3A_509, %add3A_585 : i32
        %get3A_587 = arith.constant 0 : i32
        %get3A_588 = arith.constant 0 : i32
        %get3A_589 = arith.index_cast %get3A_587 : i32 to index
        %get3A_590 = arith.index_cast %get3A_588 : i32 to index
        %get3A_591 = arith.index_cast %div3A_504 : i32 to index
        %get3A_592 = arith.index_cast %add3A_586 : i32 to index
        %get3A_593 = tpu.vector_load %arg8[%get3A_589, %get3A_590, %get3A_591, %get3A_592] {strides = array<i32>} : memref<2x4x8x512xf32, #tpu.memory_space<vmem>>, vector<1x1x1x16xf32>,
        %get3A_594 = vector.shape_cast %get3A_593 : vector<1x1x1x16xf32> to vector<16xf32>
        %mul3A_595 = arith.mulf %get3A_594, %get3A_584 : vector<16xf32>
        %add3A_596 = arith.addf %add3A_530, %mul3A_595 : vector<16xf32>
        %mul3A_597 = arith.mulf %mul3A_595, %mul3A_595 : vector<16xf32>
        %add3A_598 = arith.addf %add3A_532, %mul3A_597 : vector<16xf32>
        %add3A_599 = arith.constant 16 : i32
        %add3A_600 = arith.addi %mul3A_509, %add3A_599 : i32
        %get3A_601 = arith.constant 0 : i32
        %get3A_602 = arith.constant 1 : i32
        %get3A_603 = arith.index_cast %get3A_601 : i32 to index
        %get3A_604 = arith.index_cast %get3A_602 : i32 to index
        %get3A_605 = arith.index_cast %div3A_504 : i32 to index
        %get3A_606 = arith.index_cast %add3A_600 : i32 to index
        %get3A_607 = tpu.vector_load %arg8[%get3A_603, %get3A_604, %get3A_605, %get3A_606] {strides = array<i32>} : memref<2x4x8x512xf32, #tpu.memory_space<vmem>>, vector<1x1x1x16xf32>,
        %get3A_608 = vector.shape_cast %get3A_607 : vector<1x1x1x16xf32> to vector<16xf32>
        %mul3A_609 = arith.mulf %get3A_608, %get3A_584 : vector<16xf32>
        %add3A_610 = arith.addf %add3A_544, %mul3A_609 : vector<16xf32>
        %mul3A_611 = arith.mulf %mul3A_609, %mul3A_609 : vector<16xf32>
        %add3A_612 = arith.addf %add3A_546, %mul3A_611 : vector<16xf32>
        %add3A_613 = arith.constant 16 : i32
        %add3A_614 = arith.addi %mul3A_509, %add3A_613 : i32
        %get3A_615 = arith.constant 0 : i32
        %get3A_616 = arith.constant 2 : i32
        %get3A_617 = arith.index_cast %get3A_615 : i32 to index
        %get3A_618 = arith.index_cast %get3A_616 : i32 to index
        %get3A_619 = arith.index_cast %div3A_504 : i32 to index
        %get3A_620 = arith.index_cast %add3A_614 : i32 to index
        %get3A_621 = tpu.vector_load %arg8[%get3A_617, %get3A_618, %get3A_619, %get3A_620] {strides = array<i32>} : memref<2x4x8x512xf32, #tpu.memory_space<vmem>>, vector<1x1x1x16xf32>,
        %get3A_622 = vector.shape_cast %get3A_621 : vector<1x1x1x16xf32> to vector<16xf32>
        %mul3A_623 = arith.mulf %get3A_622, %get3A_584 : vector<16xf32>
        %add3A_624 = arith.addf %add3A_558, %mul3A_623 : vector<16xf32>
        %mul3A_625 = arith.mulf %mul3A_623, %mul3A_623 : vector<16xf32>
        %add3A_626 = arith.addf %add3A_560, %mul3A_625 : vector<16xf32>
        %add3A_627 = arith.constant 16 : i32
        %add3A_628 = arith.addi %mul3A_509, %add3A_627 : i32
        %get3A_629 = arith.constant 0 : i32
        %get3A_630 = arith.constant 3 : i32
        %get3A_631 = arith.index_cast %get3A_629 : i32 to index
        %get3A_632 = arith.index_cast %get3A_630 : i32 to index
        %get3A_633 = arith.index_cast %div3A_504 : i32 to index
        %get3A_634 = arith.index_cast %add3A_628 : i32 to index
        %get3A_635 = tpu.vector_load %arg8[%get3A_631, %get3A_632, %get3A_633, %get3A_634] {strides = array<i32>} : memref<2x4x8x512xf32, #tpu.memory_space<vmem>>, vector<1x1x1x16xf32>,
        %get3A_636 = vector.shape_cast %get3A_635 : vector<1x1x1x16xf32> to vector<16xf32>
        %mul3A_637 = arith.mulf %get3A_636, %get3A_584 : vector<16xf32>
        %add3A_638 = arith.addf %add3A_572, %mul3A_637 : vector<16xf32>
        %mul3A_639 = arith.mulf %mul3A_637, %mul3A_637 : vector<16xf32>
        %add3A_640 = arith.addf %add3A_574, %mul3A_639 : vector<16xf32>
        scf.yield %add3A_596, %add3A_598, %add3A_610, %add3A_612, %add3A_624, %add3A_626, %add3A_638, %add3A_640 : vector<16xf32>, vector<16xf32>, vector<16xf32>, vector<16xf32>, vector<16xf32>, vector<16xf32>, vector<16xf32>, vector<16xf32>
      }
      %scan3A_396 = arith.constant 128 : i32
      %add3A_397 = arith.constant 1 : i32
      %add3A_398 = arith.addi %scan3A_78, %add3A_397 : i32
      %lt3A = arith.constant 10 : i32
      %lt3A_399 = arith.cmpi slt, %add3A_398, %lt3A : i32
      %convert_element_type3A = arith.extui %lt3A_399 : i1 to i32
      %cond3A = arith.constant 0 : i32
      %cond3A_400 = arith.cmpi ne, %convert_element_type3A, %cond3A : i32
      scf.if %cond3A_400 {
        %add3A_493 = arith.constant 4 : i32
        %add3A_494 = arith.addi %mul3A_81, %add3A_493 : i32
        %add3A_495 = arith.constant 0 : i32
        %add3A_496 = arith.addi %mul3A_4, %add3A_495 : i32
        %dma_start3A_497 = arith.constant 0 : i32
        %dma_start3A_498 = arith.constant 0 : i32
        %dma_start3A_499 = arith.constant 0 : i32
        %dma_start3A_500 = arith.constant 0 : i32
        %dma_start3A_501 = arith.constant 0 : i32
        %dma_start3A_502 = tpu.memref_slice %arg8[%dma_start3A_498, %dma_start3A_499, %dma_start3A_500, %dma_start3A_501] : memref<2x4x8x512xf32, #tpu.memory_space<vmem>> -> memref<1x4x8x512xf32, #tpu.memory_space<vmem>>
        %dma_start3A_503 = tpu.memref_squeeze %dma_start3A_502 : memref<1x4x8x512xf32, #tpu.memory_space<vmem>> -> memref<4x8x512xf32, #tpu.memory_space<vmem>>
        %dma_start3A_504 = arith.constant 0 : i32
        %dma_start3A_505 = tpu.memref_slice %arg2[%dma_start3A_497, %add3A_494, %add3A_496, %dma_start3A_504] : memref<4x96x512x512xf32, #tpu.memory_space<hbm>> -> memref<1x4x8x512xf32, #tpu.memory_space<hbm>>
        %dma_start3A_506 = tpu.memref_squeeze %dma_start3A_505 : memref<1x4x8x512xf32, #tpu.memory_space<hbm>> -> memref<4x8x512xf32, #tpu.memory_space<hbm>>
        %dma_start3A_507 = arith.constant 0 : i32
        %dma_start3A_508 = arith.constant 0 : i32
        %dma_start3A_509 = arith.constant 0 : i32
        %dma_start3A_510 = tpu.memref_slice %arg8[%dma_start3A_498, %dma_start3A_507, %dma_start3A_508, %dma_start3A_509] : memref<2x4x8x512xf32, #tpu.memory_space<vmem>> -> memref<1x4x8x512xf32, #tpu.memory_space<vmem>>
        %dma_start3A_511 = tpu.memref_squeeze %dma_start3A_510 : memref<1x4x8x512xf32, #tpu.memory_space<vmem>> -> memref<4x8x512xf32, #tpu.memory_space<vmem>>
        %dma_start3A_512 = arith.constant 0 : i32
        %dma_start3A_513 = tpu.memref_slice %arg2[%dma_start3A_497, %add3A_494, %add3A_496, %dma_start3A_512] : memref<4x96x512x512xf32, #tpu.memory_space<hbm>> -> memref<1x4x8x512xf32, #tpu.memory_space<hbm>>
        %dma_start3A_514 = tpu.memref_squeeze %dma_start3A_513 : memref<1x4x8x512xf32, #tpu.memory_space<hbm>> -> memref<4x8x512xf32, #tpu.memory_space<hbm>>
        tpu.enqueue_dma source(%dma_start3A_514 : memref<4x8x512xf32, #tpu.memory_space<hbm>>) target(%dma_start3A_511 : memref<4x8x512xf32, #tpu.memory_space<vmem>>) target_semaphore(%arg12 : memref<!tpu.dma_semaphore, #tpu.memory_space<semaphore_mem>>)
      } else {
      }
      %dma_wait3A_401 = arith.constant 0 : i32
      %dma_wait3A_402 = arith.constant 1 : i32
      %dma_wait3A_403 = arith.constant 0 : i32
      %dma_wait3A_404 = arith.constant 0 : i32
      %dma_wait3A_405 = arith.constant 0 : i32
      %dma_wait3A_406 = tpu.memref_slice %arg8[%dma_wait3A_402, %dma_wait3A_403, %dma_wait3A_404, %dma_wait3A_405] : memref<2x4x8x512xf32, #tpu.memory_space<vmem>> -> memref<1x4x8x512xf32, #tpu.memory_space<vmem>>
      %dma_wait3A_407 = tpu.memref_squeeze %dma_wait3A_406 : memref<1x4x8x512xf32, #tpu.memory_space<vmem>> -> memref<4x8x512xf32, #tpu.memory_space<vmem>>
      %dma_wait3A_408 = arith.constant 0 : i32
      %dma_wait3A_409 = arith.constant 0 : i32
      %dma_wait3A_410 = arith.constant 0 : i32
      %dma_wait3A_411 = tpu.memref_slice %arg2[%dma_wait3A_401, %dma_wait3A_408, %dma_wait3A_409, %dma_wait3A_410] : memref<4x96x512x512xf32, #tpu.memory_space<hbm>> -> memref<1x4x8x512xf32, #tpu.memory_space<hbm>>
      %dma_wait3A_412 = tpu.memref_squeeze %dma_wait3A_411 : memref<1x4x8x512xf32, #tpu.memory_space<hbm>> -> memref<4x8x512xf32, #tpu.memory_space<hbm>>
      %dma_wait3A_413 = arith.constant 0 : i32
      %dma_wait3A_414 = arith.constant 0 : i32
      %dma_wait3A_415 = arith.constant 0 : i32
      %dma_wait3A_416 = tpu.memref_slice %arg8[%dma_wait3A_402, %dma_wait3A_413, %dma_wait3A_414, %dma_wait3A_415] : memref<2x4x8x512xf32, #tpu.memory_space<vmem>> -> memref<1x4x8x512xf32, #tpu.memory_space<vmem>>
      %dma_wait3A_417 = tpu.memref_squeeze %dma_wait3A_416 : memref<1x4x8x512xf32, #tpu.memory_space<vmem>> -> memref<4x8x512xf32, #tpu.memory_space<vmem>>
      %dma_wait3A_418 = arith.constant 0 : i32
      %dma_wait3A_419 = arith.constant 0 : i32
      %dma_wait3A_420 = arith.constant 0 : i32
      %dma_wait3A_421 = tpu.memref_slice %arg2[%dma_wait3A_401, %dma_wait3A_418, %dma_wait3A_419, %dma_wait3A_420] : memref<4x96x512x512xf32, #tpu.memory_space<hbm>> -> memref<1x4x8x512xf32, #tpu.memory_space<hbm>>
      %dma_wait3A_422 = tpu.memref_squeeze %dma_wait3A_421 : memref<1x4x8x512xf32, #tpu.memory_space<hbm>> -> memref<4x8x512xf32, #tpu.memory_space<hbm>>
      tpu.wait_dma2 semaphore(%arg13 : memref<!tpu.dma_semaphore, #tpu.memory_space<semaphore_mem>>) src(%dma_wait3A_422 : memref<4x8x512xf32, #tpu.memory_space<hbm>>) dst(%dma_wait3A_417 : memref<4x8x512xf32, #tpu.memory_space<vmem>>)
      %scan3A_423 = arith.constant 0 : i32
      %scan3A_424 = arith.constant 128 : i32
      %scan3A_425 = arith.addi %scan3A_423, %scan3A_424 : i32
      %scan3A_426 = arith.constant 1 : i32
      %scan3A_427:8 = scf.for %scan3A_493 = %scan3A_423 to %scan3A_425 step %scan3A_426 iter_args(%scan3A_494 = %scan3A_395#0, %scan3A_495 = %scan3A_395#1, %scan3A_496 = %scan3A_395#2, %scan3A_497 = %scan3A_395#3, %scan3A_498 = %scan3A_395#4, %scan3A_499 = %scan3A_395#5, %scan3A_500 = %scan3A_395#6, %scan3A_501 = %scan3A_395#7) -> (vector<16xf32>, vector<16xf32>, vector<16xf32>, vector<16xf32>, vector<16xf32>, vector<16xf32>, vector<16xf32>, vector<16xf32>)  : i32 {
        %mul3A_502 = arith.constant 2 : i32
        %mul3A_503 = arith.muli %scan3A_493, %mul3A_502 : i32
        %div3A = arith.constant 32 : i32
        %div3A_504 = arith.divsi %mul3A_503, %div3A : i32
        %mul3A_505 = arith.constant 2 : i32
        %mul3A_506 = arith.muli %scan3A_493, %mul3A_505 : i32
        %rem3A = arith.constant 32 : i32
        %rem3A_507 = arith.remsi %mul3A_506, %rem3A : i32
        %mul3A_508 = arith.constant 16 : i32
        %mul3A_509 = arith.muli %rem3A_507, %mul3A_508 : i32
        %add3A_510 = arith.constant 8 : i32
        %add3A_511 = arith.addi %add3A_510, %div3A_504 : i32
        %add3A_512 = arith.constant 0 : i32
        %add3A_513 = arith.addi %mul3A_509, %add3A_512 : i32
        %get3A = arith.constant 3 : i32
        %get3A_514 = arith.index_cast %get3A : i32 to index
        %get3A_515 = arith.index_cast %add3A_511 : i32 to index
        %get3A_516 = arith.index_cast %add3A_513 : i32 to index
        %get3A_517 = tpu.vector_load %arg7[%get3A_514, %get3A_515, %get3A_516] {strides = array<i32>} : memref<4x16x512xf32, #tpu.memory_space<vmem>>, vector<1x1x16xf32>,
        %get3A_518 = vector.shape_cast %get3A_517 : vector<1x1x16xf32> to vector<16xf32>
        %add3A_519 = arith.constant 0 : i32
        %add3A_520 = arith.addi %mul3A_509, %add3A_519 : i32
        %get3A_521 = arith.constant 1 : i32
        %get3A_522 = arith.constant 0 : i32
        %get3A_523 = arith.index_cast %get3A_521 : i32 to index
        %get3A_524 = arith.index_cast %get3A_522 : i32 to index
        %get3A_525 = arith.index_cast %div3A_504 : i32 to index
        %get3A_526 = arith.index_cast %add3A_520 : i32 to index
        %get3A_527 = tpu.vector_load %arg8[%get3A_523, %get3A_524, %get3A_525, %get3A_526] {strides = array<i32>} : memref<2x4x8x512xf32, #tpu.memory_space<vmem>>, vector<1x1x1x16xf32>,
        %get3A_528 = vector.shape_cast %get3A_527 : vector<1x1x1x16xf32> to vector<16xf32>
        %mul3A_529 = arith.mulf %get3A_528, %get3A_518 : vector<16xf32>
        %add3A_530 = arith.addf %scan3A_494, %mul3A_529 : vector<16xf32>
        %mul3A_531 = arith.mulf %mul3A_529, %mul3A_529 : vector<16xf32>
        %add3A_532 = arith.addf %scan3A_495, %mul3A_531 : vector<16xf32>
        %add3A_533 = arith.constant 0 : i32
        %add3A_534 = arith.addi %mul3A_509, %add3A_533 : i32
        %get3A_535 = arith.constant 1 : i32
        %get3A_536 = arith.constant 1 : i32
        %get3A_537 = arith.index_cast %get3A_535 : i32 to index
        %get3A_538 = arith.index_cast %get3A_536 : i32 to index
        %get3A_539 = arith.index_cast %div3A_504 : i32 to index
        %get3A_540 = arith.index_cast %add3A_534 : i32 to index
        %get3A_541 = tpu.vector_load %arg8[%get3A_537, %get3A_538, %get3A_539, %get3A_540] {strides = array<i32>} : memref<2x4x8x512xf32, #tpu.memory_space<vmem>>, vector<1x1x1x16xf32>,
        %get3A_542 = vector.shape_cast %get3A_541 : vector<1x1x1x16xf32> to vector<16xf32>
        %mul3A_543 = arith.mulf %get3A_542, %get3A_518 : vector<16xf32>
        %add3A_544 = arith.addf %scan3A_496, %mul3A_543 : vector<16xf32>
        %mul3A_545 = arith.mulf %mul3A_543, %mul3A_543 : vector<16xf32>
        %add3A_546 = arith.addf %scan3A_497, %mul3A_545 : vector<16xf32>
        %add3A_547 = arith.constant 0 : i32
        %add3A_548 = arith.addi %mul3A_509, %add3A_547 : i32
        %get3A_549 = arith.constant 1 : i32
        %get3A_550 = arith.constant 2 : i32
        %get3A_551 = arith.index_cast %get3A_549 : i32 to index
        %get3A_552 = arith.index_cast %get3A_550 : i32 to index
        %get3A_553 = arith.index_cast %div3A_504 : i32 to index
        %get3A_554 = arith.index_cast %add3A_548 : i32 to index
        %get3A_555 = tpu.vector_load %arg8[%get3A_551, %get3A_552, %get3A_553, %get3A_554] {strides = array<i32>} : memref<2x4x8x512xf32, #tpu.memory_space<vmem>>, vector<1x1x1x16xf32>,
        %get3A_556 = vector.shape_cast %get3A_555 : vector<1x1x1x16xf32> to vector<16xf32>
        %mul3A_557 = arith.mulf %get3A_556, %get3A_518 : vector<16xf32>
        %add3A_558 = arith.addf %scan3A_498, %mul3A_557 : vector<16xf32>
        %mul3A_559 = arith.mulf %mul3A_557, %mul3A_557 : vector<16xf32>
        %add3A_560 = arith.addf %scan3A_499, %mul3A_559 : vector<16xf32>
        %add3A_561 = arith.constant 0 : i32
        %add3A_562 = arith.addi %mul3A_509, %add3A_561 : i32
        %get3A_563 = arith.constant 1 : i32
        %get3A_564 = arith.constant 3 : i32
        %get3A_565 = arith.index_cast %get3A_563 : i32 to index
        %get3A_566 = arith.index_cast %get3A_564 : i32 to index
        %get3A_567 = arith.index_cast %div3A_504 : i32 to index
        %get3A_568 = arith.index_cast %add3A_562 : i32 to index
        %get3A_569 = tpu.vector_load %arg8[%get3A_565, %get3A_566, %get3A_567, %get3A_568] {strides = array<i32>} : memref<2x4x8x512xf32, #tpu.memory_space<vmem>>, vector<1x1x1x16xf32>,
        %get3A_570 = vector.shape_cast %get3A_569 : vector<1x1x1x16xf32> to vector<16xf32>
        %mul3A_571 = arith.mulf %get3A_570, %get3A_518 : vector<16xf32>
        %add3A_572 = arith.addf %scan3A_500, %mul3A_571 : vector<16xf32>
        %mul3A_573 = arith.mulf %mul3A_571, %mul3A_571 : vector<16xf32>
        %add3A_574 = arith.addf %scan3A_501, %mul3A_573 : vector<16xf32>
        %add3A_575 = arith.constant 8 : i32
        %add3A_576 = arith.addi %add3A_575, %div3A_504 : i32
        %add3A_577 = arith.constant 16 : i32
        %add3A_578 = arith.addi %mul3A_509, %add3A_577 : i32
        %get3A_579 = arith.constant 3 : i32
        %get3A_580 = arith.index_cast %get3A_579 : i32 to index
        %get3A_581 = arith.index_cast %add3A_576 : i32 to index
        %get3A_582 = arith.index_cast %add3A_578 : i32 to index
        %get3A_583 = tpu.vector_load %arg7[%get3A_580, %get3A_581, %get3A_582] {strides = array<i32>} : memref<4x16x512xf32, #tpu.memory_space<vmem>>, vector<1x1x16xf32>,
        %get3A_584 = vector.shape_cast %get3A_583 : vector<1x1x16xf32> to vector<16xf32>
        %add3A_585 = arith.constant 16 : i32
        %add3A_586 = arith.addi %mul3A_509, %add3A_585 : i32
        %get3A_587 = arith.constant 1 : i32
        %get3A_588 = arith.constant 0 : i32
        %get3A_589 = arith.index_cast %get3A_587 : i32 to index
        %get3A_590 = arith.index_cast %get3A_588 : i32 to index
        %get3A_591 = arith.index_cast %div3A_504 : i32 to index
        %get3A_592 = arith.index_cast %add3A_586 : i32 to index
        %get3A_593 = tpu.vector_load %arg8[%get3A_589, %get3A_590, %get3A_591, %get3A_592] {strides = array<i32>} : memref<2x4x8x512xf32, #tpu.memory_space<vmem>>, vector<1x1x1x16xf32>,
        %get3A_594 = vector.shape_cast %get3A_593 : vector<1x1x1x16xf32> to vector<16xf32>
        %mul3A_595 = arith.mulf %get3A_594, %get3A_584 : vector<16xf32>
        %add3A_596 = arith.addf %add3A_530, %mul3A_595 : vector<16xf32>
        %mul3A_597 = arith.mulf %mul3A_595, %mul3A_595 : vector<16xf32>
        %add3A_598 = arith.addf %add3A_532, %mul3A_597 : vector<16xf32>
        %add3A_599 = arith.constant 16 : i32
        %add3A_600 = arith.addi %mul3A_509, %add3A_599 : i32
        %get3A_601 = arith.constant 1 : i32
        %get3A_602 = arith.constant 1 : i32
        %get3A_603 = arith.index_cast %get3A_601 : i32 to index
        %get3A_604 = arith.index_cast %get3A_602 : i32 to index
        %get3A_605 = arith.index_cast %div3A_504 : i32 to index
        %get3A_606 = arith.index_cast %add3A_600 : i32 to index
        %get3A_607 = tpu.vector_load %arg8[%get3A_603, %get3A_604, %get3A_605, %get3A_606] {strides = array<i32>} : memref<2x4x8x512xf32, #tpu.memory_space<vmem>>, vector<1x1x1x16xf32>,
        %get3A_608 = vector.shape_cast %get3A_607 : vector<1x1x1x16xf32> to vector<16xf32>
        %mul3A_609 = arith.mulf %get3A_608, %get3A_584 : vector<16xf32>
        %add3A_610 = arith.addf %add3A_544, %mul3A_609 : vector<16xf32>
        %mul3A_611 = arith.mulf %mul3A_609, %mul3A_609 : vector<16xf32>
        %add3A_612 = arith.addf %add3A_546, %mul3A_611 : vector<16xf32>
        %add3A_613 = arith.constant 16 : i32
        %add3A_614 = arith.addi %mul3A_509, %add3A_613 : i32
        %get3A_615 = arith.constant 1 : i32
        %get3A_616 = arith.constant 2 : i32
        %get3A_617 = arith.index_cast %get3A_615 : i32 to index
        %get3A_618 = arith.index_cast %get3A_616 : i32 to index
        %get3A_619 = arith.index_cast %div3A_504 : i32 to index
        %get3A_620 = arith.index_cast %add3A_614 : i32 to index
        %get3A_621 = tpu.vector_load %arg8[%get3A_617, %get3A_618, %get3A_619, %get3A_620] {strides = array<i32>} : memref<2x4x8x512xf32, #tpu.memory_space<vmem>>, vector<1x1x1x16xf32>,
        %get3A_622 = vector.shape_cast %get3A_621 : vector<1x1x1x16xf32> to vector<16xf32>
        %mul3A_623 = arith.mulf %get3A_622, %get3A_584 : vector<16xf32>
        %add3A_624 = arith.addf %add3A_558, %mul3A_623 : vector<16xf32>
        %mul3A_625 = arith.mulf %mul3A_623, %mul3A_623 : vector<16xf32>
        %add3A_626 = arith.addf %add3A_560, %mul3A_625 : vector<16xf32>
        %add3A_627 = arith.constant 16 : i32
        %add3A_628 = arith.addi %mul3A_509, %add3A_627 : i32
        %get3A_629 = arith.constant 1 : i32
        %get3A_630 = arith.constant 3 : i32
        %get3A_631 = arith.index_cast %get3A_629 : i32 to index
        %get3A_632 = arith.index_cast %get3A_630 : i32 to index
        %get3A_633 = arith.index_cast %div3A_504 : i32 to index
        %get3A_634 = arith.index_cast %add3A_628 : i32 to index
        %get3A_635 = tpu.vector_load %arg8[%get3A_631, %get3A_632, %get3A_633, %get3A_634] {strides = array<i32>} : memref<2x4x8x512xf32, #tpu.memory_space<vmem>>, vector<1x1x1x16xf32>,
        %get3A_636 = vector.shape_cast %get3A_635 : vector<1x1x1x16xf32> to vector<16xf32>
        %mul3A_637 = arith.mulf %get3A_636, %get3A_584 : vector<16xf32>
        %add3A_638 = arith.addf %add3A_572, %mul3A_637 : vector<16xf32>
        %mul3A_639 = arith.mulf %mul3A_637, %mul3A_637 : vector<16xf32>
        %add3A_640 = arith.addf %add3A_574, %mul3A_639 : vector<16xf32>
        scf.yield %add3A_596, %add3A_598, %add3A_610, %add3A_612, %add3A_624, %add3A_626, %add3A_638, %add3A_640 : vector<16xf32>, vector<16xf32>, vector<16xf32>, vector<16xf32>, vector<16xf32>, vector<16xf32>, vector<16xf32>, vector<16xf32>
      }
      %scan3A_428 = arith.constant 128 : i32
      %add3A_429 = arith.constant 1 : i32
      %add3A_430 = arith.addi %scan3A_78, %add3A_429 : i32
      %lt3A_431 = arith.constant 10 : i32
      %lt3A_432 = arith.cmpi slt, %add3A_430, %lt3A_431 : i32
      %convert_element_type3A_433 = arith.extui %lt3A_432 : i1 to i32
      %cond3A_434 = arith.constant 0 : i32
      %cond3A_435 = arith.cmpi ne, %convert_element_type3A_433, %cond3A_434 : i32
      scf.if %cond3A_435 {
        %add3A_493 = arith.constant 4 : i32
        %add3A_494 = arith.addi %mul3A_81, %add3A_493 : i32
        %add3A_495 = arith.constant 8 : i32
        %add3A_496 = arith.addi %mul3A_4, %add3A_495 : i32
        %dma_start3A_497 = arith.constant 0 : i32
        %dma_start3A_498 = arith.constant 1 : i32
        %dma_start3A_499 = arith.constant 0 : i32
        %dma_start3A_500 = arith.constant 0 : i32
        %dma_start3A_501 = arith.constant 0 : i32
        %dma_start3A_502 = tpu.memref_slice %arg8[%dma_start3A_498, %dma_start3A_499, %dma_start3A_500, %dma_start3A_501] : memref<2x4x8x512xf32, #tpu.memory_space<vmem>> -> memref<1x4x8x512xf32, #tpu.memory_space<vmem>>
        %dma_start3A_503 = tpu.memref_squeeze %dma_start3A_502 : memref<1x4x8x512xf32, #tpu.memory_space<vmem>> -> memref<4x8x512xf32, #tpu.memory_space<vmem>>
        %dma_start3A_504 = arith.constant 0 : i32
        %dma_start3A_505 = tpu.memref_slice %arg2[%dma_start3A_497, %add3A_494, %add3A_496, %dma_start3A_504] : memref<4x96x512x512xf32, #tpu.memory_space<hbm>> -> memref<1x4x8x512xf32, #tpu.memory_space<hbm>>
        %dma_start3A_506 = tpu.memref_squeeze %dma_start3A_505 : memref<1x4x8x512xf32, #tpu.memory_space<hbm>> -> memref<4x8x512xf32, #tpu.memory_space<hbm>>
        %dma_start3A_507 = arith.constant 0 : i32
        %dma_start3A_508 = arith.constant 0 : i32
        %dma_start3A_509 = arith.constant 0 : i32
        %dma_start3A_510 = tpu.memref_slice %arg8[%dma_start3A_498, %dma_start3A_507, %dma_start3A_508, %dma_start3A_509] : memref<2x4x8x512xf32, #tpu.memory_space<vmem>> -> memref<1x4x8x512xf32, #tpu.memory_space<vmem>>
        %dma_start3A_511 = tpu.memref_squeeze %dma_start3A_510 : memref<1x4x8x512xf32, #tpu.memory_space<vmem>> -> memref<4x8x512xf32, #tpu.memory_space<vmem>>
        %dma_start3A_512 = arith.constant 0 : i32
        %dma_start3A_513 = tpu.memref_slice %arg2[%dma_start3A_497, %add3A_494, %add3A_496, %dma_start3A_512] : memref<4x96x512x512xf32, #tpu.memory_space<hbm>> -> memref<1x4x8x512xf32, #tpu.memory_space<hbm>>
        %dma_start3A_514 = tpu.memref_squeeze %dma_start3A_513 : memref<1x4x8x512xf32, #tpu.memory_space<hbm>> -> memref<4x8x512xf32, #tpu.memory_space<hbm>>
        tpu.enqueue_dma source(%dma_start3A_514 : memref<4x8x512xf32, #tpu.memory_space<hbm>>) target(%dma_start3A_511 : memref<4x8x512xf32, #tpu.memory_space<vmem>>) target_semaphore(%arg13 : memref<!tpu.dma_semaphore, #tpu.memory_space<semaphore_mem>>)
      } else {
      }
      %add3A_436 = arith.constant 0 : i32
      %add3A_437 = arith.addi %mul3A_81, %add3A_436 : i32
      %swap3A_438 = arith.index_cast %add3A_437 : i32 to index
      %swap3A_439 = arith.constant 0 : index
      %swap3A_440 = tpu.vector_load %arg9[%swap3A_438, %swap3A_439] {strides = array<i32>} : memref<40x16xf32, #tpu.memory_space<vmem>>, vector<1x16xf32>,
      %swap3A_441 = vector.shape_cast %swap3A_440 : vector<1x16xf32> to vector<16xf32>
      %swap3A_442 = vector.shape_cast %scan3A_427#0 : vector<16xf32> to vector<1x16xf32>
      tpu.vector_store %arg9[%swap3A_438, %swap3A_439], %swap3A_442 {strides = array<i32>} : memref<40x16xf32, #tpu.memory_space<vmem>>, vector<1x16xf32>,
      %add3A_443 = arith.constant 0 : i32
      %add3A_444 = arith.addi %mul3A_81, %add3A_443 : i32
      %swap3A_445 = arith.index_cast %add3A_444 : i32 to index
      %swap3A_446 = arith.constant 0 : index
      %swap3A_447 = tpu.vector_load %arg10[%swap3A_445, %swap3A_446] {strides = array<i32>} : memref<40x16xf32, #tpu.memory_space<vmem>>, vector<1x16xf32>,
      %swap3A_448 = vector.shape_cast %swap3A_447 : vector<1x16xf32> to vector<16xf32>
      %swap3A_449 = vector.shape_cast %scan3A_427#1 : vector<16xf32> to vector<1x16xf32>
      tpu.vector_store %arg10[%swap3A_445, %swap3A_446], %swap3A_449 {strides = array<i32>} : memref<40x16xf32, #tpu.memory_space<vmem>>, vector<1x16xf32>,
      %add3A_450 = arith.constant 1 : i32
      %add3A_451 = arith.addi %mul3A_81, %add3A_450 : i32
      %swap3A_452 = arith.index_cast %add3A_451 : i32 to index
      %swap3A_453 = arith.constant 0 : index
      %swap3A_454 = tpu.vector_load %arg9[%swap3A_452, %swap3A_453] {strides = array<i32>} : memref<40x16xf32, #tpu.memory_space<vmem>>, vector<1x16xf32>,
      %swap3A_455 = vector.shape_cast %swap3A_454 : vector<1x16xf32> to vector<16xf32>
      %swap3A_456 = vector.shape_cast %scan3A_427#2 : vector<16xf32> to vector<1x16xf32>
      tpu.vector_store %arg9[%swap3A_452, %swap3A_453], %swap3A_456 {strides = array<i32>} : memref<40x16xf32, #tpu.memory_space<vmem>>, vector<1x16xf32>,
      %add3A_457 = arith.constant 1 : i32
      %add3A_458 = arith.addi %mul3A_81, %add3A_457 : i32
      %swap3A_459 = arith.index_cast %add3A_458 : i32 to index
      %swap3A_460 = arith.constant 0 : index
      %swap3A_461 = tpu.vector_load %arg10[%swap3A_459, %swap3A_460] {strides = array<i32>} : memref<40x16xf32, #tpu.memory_space<vmem>>, vector<1x16xf32>,
      %swap3A_462 = vector.shape_cast %swap3A_461 : vector<1x16xf32> to vector<16xf32>
      %swap3A_463 = vector.shape_cast %scan3A_427#3 : vector<16xf32> to vector<1x16xf32>
      tpu.vector_store %arg10[%swap3A_459, %swap3A_460], %swap3A_463 {strides = array<i32>} : memref<40x16xf32, #tpu.memory_space<vmem>>, vector<1x16xf32>,
      %add3A_464 = arith.constant 2 : i32
      %add3A_465 = arith.addi %mul3A_81, %add3A_464 : i32
      %swap3A_466 = arith.index_cast %add3A_465 : i32 to index
      %swap3A_467 = arith.constant 0 : index
      %swap3A_468 = tpu.vector_load %arg9[%swap3A_466, %swap3A_467] {strides = array<i32>} : memref<40x16xf32, #tpu.memory_space<vmem>>, vector<1x16xf32>,
      %swap3A_469 = vector.shape_cast %swap3A_468 : vector<1x16xf32> to vector<16xf32>
      %swap3A_470 = vector.shape_cast %scan3A_427#4 : vector<16xf32> to vector<1x16xf32>
      tpu.vector_store %arg9[%swap3A_466, %swap3A_467], %swap3A_470 {strides = array<i32>} : memref<40x16xf32, #tpu.memory_space<vmem>>, vector<1x16xf32>,
      %add3A_471 = arith.constant 2 : i32
      %add3A_472 = arith.addi %mul3A_81, %add3A_471 : i32
      %swap3A_473 = arith.index_cast %add3A_472 : i32 to index
      %swap3A_474 = arith.constant 0 : index
      %swap3A_475 = tpu.vector_load %arg10[%swap3A_473, %swap3A_474] {strides = array<i32>} : memref<40x16xf32, #tpu.memory_space<vmem>>, vector<1x16xf32>,
      %swap3A_476 = vector.shape_cast %swap3A_475 : vector<1x16xf32> to vector<16xf32>
      %swap3A_477 = vector.shape_cast %scan3A_427#5 : vector<16xf32> to vector<1x16xf32>
      tpu.vector_store %arg10[%swap3A_473, %swap3A_474], %swap3A_477 {strides = array<i32>} : memref<40x16xf32, #tpu.memory_space<vmem>>, vector<1x16xf32>,
      %add3A_478 = arith.constant 3 : i32
      %add3A_479 = arith.addi %mul3A_81, %add3A_478 : i32
      %swap3A_480 = arith.index_cast %add3A_479 : i32 to index
      %swap3A_481 = arith.constant 0 : index
      %swap3A_482 = tpu.vector_load %arg9[%swap3A_480, %swap3A_481] {strides = array<i32>} : memref<40x16xf32, #tpu.memory_space<vmem>>, vector<1x16xf32>,
      %swap3A_483 = vector.shape_cast %swap3A_482 : vector<1x16xf32> to vector<16xf32>
      %swap3A_484 = vector.shape_cast %scan3A_427#6 : vector<16xf32> to vector<1x16xf32>
      tpu.vector_store %arg9[%swap3A_480, %swap3A_481], %swap3A_484 {strides = array<i32>} : memref<40x16xf32, #tpu.memory_space<vmem>>, vector<1x16xf32>,
      %add3A_485 = arith.constant 3 : i32
      %add3A_486 = arith.addi %mul3A_81, %add3A_485 : i32
      %swap3A_487 = arith.index_cast %add3A_486 : i32 to index
      %swap3A_488 = arith.constant 0 : index
      %swap3A_489 = tpu.vector_load %arg10[%swap3A_487, %swap3A_488] {strides = array<i32>} : memref<40x16xf32, #tpu.memory_space<vmem>>, vector<1x16xf32>,
      %swap3A_490 = vector.shape_cast %swap3A_489 : vector<1x16xf32> to vector<16xf32>
      %swap3A_491 = vector.shape_cast %scan3A_427#7 : vector<16xf32> to vector<1x16xf32>
      tpu.vector_store %arg10[%swap3A_487, %swap3A_488], %swap3A_491 {strides = array<i32>} : memref<40x16xf32, #tpu.memory_space<vmem>>, vector<1x16xf32>,
      %scan3A_492 = arith.constant 0 : i32
      scf.yield %scan3A_492 : i32
    }
    %scan3A_77 = arith.constant 10 : i32
    "tpu.region"() ({
      %run_scoped3A_78 = tpu.sem_alloc : memref<!tpu.dma_semaphore, #tpu.memory_space<semaphore_mem>>
      %dma_start3A_79 = arith.constant 0 : i32
      %dma_start3A_80 = arith.constant 0 : i32
      %dma_start3A_81 = tpu.memref_slice %arg4[%add3A, %dma_start3A_79, %dma_start3A_80] : memref<32x40x16xf32, #tpu.memory_space<hbm>> -> memref<1x40x16xf32, #tpu.memory_space<hbm>>
      %dma_start3A_82 = tpu.memref_squeeze %dma_start3A_81 : memref<1x40x16xf32, #tpu.memory_space<hbm>> -> memref<40x16xf32, #tpu.memory_space<hbm>>
      %dma_start3A_83 = arith.constant 0 : i32
      %dma_start3A_84 = arith.constant 0 : i32
      %dma_start3A_85 = tpu.memref_slice %arg4[%add3A, %dma_start3A_83, %dma_start3A_84] : memref<32x40x16xf32, #tpu.memory_space<hbm>> -> memref<1x40x16xf32, #tpu.memory_space<hbm>>
      %dma_start3A_86 = tpu.memref_squeeze %dma_start3A_85 : memref<1x40x16xf32, #tpu.memory_space<hbm>> -> memref<40x16xf32, #tpu.memory_space<hbm>>
      tpu.enqueue_dma source(%arg9 : memref<40x16xf32, #tpu.memory_space<vmem>>) target(%dma_start3A_86 : memref<40x16xf32, #tpu.memory_space<hbm>>) target_semaphore(%run_scoped3A_78 : memref<!tpu.dma_semaphore, #tpu.memory_space<semaphore_mem>>)
      %dma_wait3A = arith.constant 0 : i32
      %dma_wait3A_87 = arith.constant 0 : i32
      %dma_wait3A_88 = tpu.memref_slice %arg4[%add3A, %dma_wait3A, %dma_wait3A_87] : memref<32x40x16xf32, #tpu.memory_space<hbm>> -> memref<1x40x16xf32, #tpu.memory_space<hbm>>
      %dma_wait3A_89 = tpu.memref_squeeze %dma_wait3A_88 : memref<1x40x16xf32, #tpu.memory_space<hbm>> -> memref<40x16xf32, #tpu.memory_space<hbm>>
      %dma_wait3A_90 = arith.constant 0 : i32
      %dma_wait3A_91 = arith.constant 0 : i32
      %dma_wait3A_92 = tpu.memref_slice %arg4[%add3A, %dma_wait3A_90, %dma_wait3A_91] : memref<32x40x16xf32, #tpu.memory_space<hbm>> -> memref<1x40x16xf32, #tpu.memory_space<hbm>>
      %dma_wait3A_93 = tpu.memref_squeeze %dma_wait3A_92 : memref<1x40x16xf32, #tpu.memory_space<hbm>> -> memref<40x16xf32, #tpu.memory_space<hbm>>
      tpu.wait_dma2 semaphore(%run_scoped3A_78 : memref<!tpu.dma_semaphore, #tpu.memory_space<semaphore_mem>>) src(%arg9 : memref<40x16xf32, #tpu.memory_space<vmem>>) dst(%dma_wait3A_93 : memref<40x16xf32, #tpu.memory_space<hbm>>)
      tpu.yield
    }) : () -> ()
    "tpu.region"() ({
      %run_scoped3A_78 = tpu.sem_alloc : memref<!tpu.dma_semaphore, #tpu.memory_space<semaphore_mem>>
      %dma_start3A_79 = arith.constant 0 : i32
      %dma_start3A_80 = arith.constant 0 : i32
      %dma_start3A_81 = tpu.memref_slice %arg5[%add3A, %dma_start3A_79, %dma_start3A_80] : memref<32x40x16xf32, #tpu.memory_space<hbm>> -> memref<1x40x16xf32, #tpu.memory_space<hbm>>
      %dma_start3A_82 = tpu.memref_squeeze %dma_start3A_81 : memref<1x40x16xf32, #tpu.memory_space<hbm>> -> memref<40x16xf32, #tpu.memory_space<hbm>>
      %dma_start3A_83 = arith.constant 0 : i32
      %dma_start3A_84 = arith.constant 0 : i32
      %dma_start3A_85 = tpu.memref_slice %arg5[%add3A, %dma_start3A_83, %dma_start3A_84] : memref<32x40x16xf32, #tpu.memory_space<hbm>> -> memref<1x40x16xf32, #tpu.memory_space<hbm>>
      %dma_start3A_86 = tpu.memref_squeeze %dma_start3A_85 : memref<1x40x16xf32, #tpu.memory_space<hbm>> -> memref<40x16xf32, #tpu.memory_space<hbm>>
      tpu.enqueue_dma source(%arg10 : memref<40x16xf32, #tpu.memory_space<vmem>>) target(%dma_start3A_86 : memref<40x16xf32, #tpu.memory_space<hbm>>) target_semaphore(%run_scoped3A_78 : memref<!tpu.dma_semaphore, #tpu.memory_space<semaphore_mem>>)
      %dma_wait3A = arith.constant 0 : i32
      %dma_wait3A_87 = arith.constant 0 : i32
      %dma_wait3A_88 = tpu.memref_slice %arg5[%add3A, %dma_wait3A, %dma_wait3A_87] : memref<32x40x16xf32, #tpu.memory_space<hbm>> -> memref<1x40x16xf32, #tpu.memory_space<hbm>>
      %dma_wait3A_89 = tpu.memref_squeeze %dma_wait3A_88 : memref<1x40x16xf32, #tpu.memory_space<hbm>> -> memref<40x16xf32, #tpu.memory_space<hbm>>
      %dma_wait3A_90 = arith.constant 0 : i32
      %dma_wait3A_91 = arith.constant 0 : i32
      %dma_wait3A_92 = tpu.memref_slice %arg5[%add3A, %dma_wait3A_90, %dma_wait3A_91] : memref<32x40x16xf32, #tpu.memory_space<hbm>> -> memref<1x40x16xf32, #tpu.memory_space<hbm>>
      %dma_wait3A_93 = tpu.memref_squeeze %dma_wait3A_92 : memref<1x40x16xf32, #tpu.memory_space<hbm>> -> memref<40x16xf32, #tpu.memory_space<hbm>>
      tpu.wait_dma2 semaphore(%run_scoped3A_78 : memref<!tpu.dma_semaphore, #tpu.memory_space<semaphore_mem>>) src(%arg10 : memref<40x16xf32, #tpu.memory_space<vmem>>) dst(%dma_wait3A_93 : memref<40x16xf32, #tpu.memory_space<hbm>>)
      tpu.yield
    }) : () -> ()
    "tpu.region"() ({
      %run_scoped3A_78 = tpu.sem_alloc : memref<!tpu.dma_semaphore, #tpu.memory_space<semaphore_mem>>
      %dma_start3A_79 = arith.constant 0 : i32
      %dma_start3A_80 = tpu.memref_slice %arg6[%add3A, %dma_start3A_79] : memref<32x16xf32, #tpu.memory_space<hbm>> -> memref<1x16xf32, #tpu.memory_space<hbm>>
      %dma_start3A_81 = tpu.memref_squeeze %dma_start3A_80 : memref<1x16xf32, #tpu.memory_space<hbm>> -> memref<16xf32, #tpu.memory_space<hbm>>
      %dma_start3A_82 = arith.constant 0 : i32
      %dma_start3A_83 = tpu.memref_slice %arg6[%add3A, %dma_start3A_82] : memref<32x16xf32, #tpu.memory_space<hbm>> -> memref<1x16xf32, #tpu.memory_space<hbm>>
      %dma_start3A_84 = tpu.memref_squeeze %dma_start3A_83 : memref<1x16xf32, #tpu.memory_space<hbm>> -> memref<16xf32, #tpu.memory_space<hbm>>
      tpu.enqueue_dma source(%arg11 : memref<16xf32, #tpu.memory_space<vmem>>) target(%dma_start3A_84 : memref<16xf32, #tpu.memory_space<hbm>>) target_semaphore(%run_scoped3A_78 : memref<!tpu.dma_semaphore, #tpu.memory_space<semaphore_mem>>)
      %dma_wait3A = arith.constant 0 : i32
      %dma_wait3A_85 = tpu.memref_slice %arg6[%add3A, %dma_wait3A] : memref<32x16xf32, #tpu.memory_space<hbm>> -> memref<1x16xf32, #tpu.memory_space<hbm>>
      %dma_wait3A_86 = tpu.memref_squeeze %dma_wait3A_85 : memref<1x16xf32, #tpu.memory_space<hbm>> -> memref<16xf32, #tpu.memory_space<hbm>>
      %dma_wait3A_87 = arith.constant 0 : i32
      %dma_wait3A_88 = tpu.memref_slice %arg6[%add3A, %dma_wait3A_87] : memref<32x16xf32, #tpu.memory_space<hbm>> -> memref<1x16xf32, #tpu.memory_space<hbm>>
      %dma_wait3A_89 = tpu.memref_squeeze %dma_wait3A_88 : memref<1x16xf32, #tpu.memory_space<hbm>> -> memref<16xf32, #tpu.memory_space<hbm>>
      tpu.wait_dma2 semaphore(%run_scoped3A_78 : memref<!tpu.dma_semaphore, #tpu.memory_space<semaphore_mem>>) src(%arg11 : memref<16xf32, #tpu.memory_space<vmem>>) dst(%dma_wait3A_89 : memref<16xf32, #tpu.memory_space<hbm>>)
      tpu.yield
    }) : () -> ()
    return
  }
}

module attributes {stable_mosaic.version = 14 : i64} {
  func.func @_tc_partials_body(%arg0: i32, %arg1: i32, %arg2: memref<1x8x512x512xf32, #tpu.memory_space<vmem>>, %arg3: memref<1x1x512x512xi32, #tpu.memory_space<vmem>>, %arg4: memref<2x7x8x8x128xf32, #tpu.memory_space<vmem>>) attributes {dimension_semantics = [#tpu.dimension_semantics<arbitrary>, #tpu.dimension_semantics<arbitrary>], iteration_bounds = array<i64: 4, 7>, scalar_prefetch = 0 : i64, scratch_operands = 0 : i64, tpu.core_type = #tpu.core_type<tc>, window_params = [{transform_indices = @transform_0, window_bounds = array<i64: 1, 8, 512, 512>}, {transform_indices = @transform_1, window_bounds = array<i64: 1, 1, 512, 512>}, {pipeline_mode = #tpu.pipeline_mode<synchronous>, transform_indices = @transform_2, window_bounds = array<i64: 2, 7, 8, 8, 128>}]} {
    %eq3A = arith.constant 0 : i32
    %eq3A_0 = arith.cmpi eq, %arg0, %eq3A : i32
    %eq3A_1 = arith.constant 0 : i32
    %eq3A_2 = arith.cmpi eq, %arg1, %eq3A_1 : i32
    %and3A = arith.andi %eq3A_0, %eq3A_2 : i1
    %convert_element_type3A = arith.extui %and3A : i1 to i32
    %cond3A = arith.constant 0 : i32
    %cond3A_3 = arith.cmpi ne, %convert_element_type3A, %cond3A : i32
    scf.if %cond3A_3 {
      %broadcast_in_dim3A = arith.constant 0.000000e+00 : f32
      %broadcast_in_dim3A_61 = vector.broadcast %broadcast_in_dim3A : f32 to vector<2x7x8x8x128xf32>
      %swap3A_62 = arith.constant 0 : index
      %swap3A_63 = arith.constant 0 : index
      %swap3A_64 = arith.constant 0 : index
      %swap3A_65 = arith.constant 0 : index
      %swap3A_66 = arith.constant 0 : index
      %swap3A_67 = vector.load %arg4[%swap3A_62, %swap3A_63, %swap3A_64, %swap3A_65, %swap3A_66] : memref<2x7x8x8x128xf32, #tpu.memory_space<vmem>>, vector<2x7x8x8x128xf32>
      tpu.vector_store %arg4[%swap3A_62, %swap3A_63, %swap3A_64, %swap3A_65, %swap3A_66], %broadcast_in_dim3A_61 {strides = array<i32>} : memref<2x7x8x8x128xf32, #tpu.memory_space<vmem>>, vector<2x7x8x8x128xf32>,
    } else {
    }
    %get3A = arith.constant 0 : index
    %get3A_4 = arith.constant 0 : index
    %get3A_5 = arith.constant 0 : index
    %get3A_6 = arith.constant 0 : index
    %get3A_7 = vector.load %arg2[%get3A, %get3A_4, %get3A_5, %get3A_6] : memref<1x8x512x512xf32, #tpu.memory_space<vmem>>, vector<1x8x512x512xf32>
    %get3A_8 = vector.shape_cast %get3A_7 : vector<1x8x512x512xf32> to vector<8x512x512xf32>
    %get3A_9 = arith.constant 0 : index
    %get3A_10 = arith.constant 0 : index
    %get3A_11 = arith.constant 0 : index
    %get3A_12 = arith.constant 0 : index
    %get3A_13 = vector.load %arg3[%get3A_9, %get3A_10, %get3A_11, %get3A_12] : memref<1x1x512x512xi32, #tpu.memory_space<vmem>>, vector<1x1x512x512xi32>
    %get3A_14 = vector.shape_cast %get3A_13 : vector<1x1x512x512xi32> to vector<1x512x512xi32>
    %get3A_15 = arith.constant dense<0> : vector<1x512x512xi32>
    %get3A_16 = arith.cmpi ne, %get3A_14, %get3A_15 : vector<1x512x512xi32>
    %convert_element_type3A_17 = arith.extui %get3A_16 : vector<1x512x512xi1> to vector<1x512x512xi32>
    %convert_element_type3A_18 = arith.sitofp %convert_element_type3A_17 : vector<1x512x512xi32> to vector<1x512x512xf32>
    %mul3A = vector.broadcast %convert_element_type3A_18 : vector<1x512x512xf32> to vector<8x512x512xf32>
    %mul3A_19 = arith.mulf %get3A_8, %mul3A : vector<8x512x512xf32>
    %reshape3A = vector.shape_cast %mul3A_19 : vector<8x512x512xf32> to vector<8x64x8x512xf32>
    %reduce_sum3A = arith.constant dense<0.000000e+00> : vector<8x8x512xf32>
    %reduce_sum3A_20 = vector.multi_reduction <add>, %reshape3A, %reduce_sum3A [1] : vector<8x64x8x512xf32> to vector<8x8x512xf32>
    %mul3A_21 = arith.mulf %mul3A_19, %mul3A_19 : vector<8x512x512xf32>
    %reshape3A_22 = vector.shape_cast %mul3A_21 : vector<8x512x512xf32> to vector<8x64x8x512xf32>
    %reduce_sum3A_23 = arith.constant dense<0.000000e+00> : vector<8x8x512xf32>
    %reduce_sum3A_24 = vector.multi_reduction <add>, %reshape3A_22, %reduce_sum3A_23 [1] : vector<8x64x8x512xf32> to vector<8x8x512xf32>
    %reshape3A_25 = vector.shape_cast %reduce_sum3A_20 : vector<8x8x512xf32> to vector<8x8x4x128xf32>
    %reduce_sum3A_26 = arith.constant dense<0.000000e+00> : vector<8x8x128xf32>
    %reduce_sum3A_27 = vector.multi_reduction <add>, %reshape3A_25, %reduce_sum3A_26 [2] : vector<8x8x4x128xf32> to vector<8x8x128xf32>
    %reshape3A_28 = vector.shape_cast %reduce_sum3A_24 : vector<8x8x512xf32> to vector<8x8x4x128xf32>
    %reduce_sum3A_29 = arith.constant dense<0.000000e+00> : vector<8x8x128xf32>
    %reduce_sum3A_30 = vector.multi_reduction <add>, %reshape3A_28, %reduce_sum3A_29 [2] : vector<8x8x4x128xf32> to vector<8x8x128xf32>
    %get3A_31 = arith.constant 0 : index
    %get3A_32 = arith.index_cast %arg1 : i32 to index
    %get3A_33 = arith.constant 0 : index
    %get3A_34 = arith.constant 0 : index
    %get3A_35 = arith.constant 0 : index
    %get3A_36 = vector.load %arg4[%get3A_31, %get3A_32, %get3A_33, %get3A_34, %get3A_35] : memref<2x7x8x8x128xf32, #tpu.memory_space<vmem>>, vector<1x1x8x8x128xf32>
    %get3A_37 = vector.shape_cast %get3A_36 : vector<1x1x8x8x128xf32> to vector<8x8x128xf32>
    %add3A = arith.addf %get3A_37, %reduce_sum3A_27 : vector<8x8x128xf32>
    %swap3A = arith.constant 0 : index
    %swap3A_38 = arith.index_cast %arg1 : i32 to index
    %swap3A_39 = arith.constant 0 : index
    %swap3A_40 = arith.constant 0 : index
    %swap3A_41 = arith.constant 0 : index
    %swap3A_42 = vector.load %arg4[%swap3A, %swap3A_38, %swap3A_39, %swap3A_40, %swap3A_41] : memref<2x7x8x8x128xf32, #tpu.memory_space<vmem>>, vector<1x1x8x8x128xf32>
    %swap3A_43 = vector.shape_cast %swap3A_42 : vector<1x1x8x8x128xf32> to vector<8x8x128xf32>
    %swap3A_44 = vector.shape_cast %add3A : vector<8x8x128xf32> to vector<1x1x8x8x128xf32>
    tpu.vector_store %arg4[%swap3A, %swap3A_38, %swap3A_39, %swap3A_40, %swap3A_41], %swap3A_44 {strides = array<i32>} : memref<2x7x8x8x128xf32, #tpu.memory_space<vmem>>, vector<1x1x8x8x128xf32>,
    %get3A_45 = arith.constant 1 : index
    %get3A_46 = arith.index_cast %arg1 : i32 to index
    %get3A_47 = arith.constant 0 : index
    %get3A_48 = arith.constant 0 : index
    %get3A_49 = arith.constant 0 : index
    %get3A_50 = vector.load %arg4[%get3A_45, %get3A_46, %get3A_47, %get3A_48, %get3A_49] : memref<2x7x8x8x128xf32, #tpu.memory_space<vmem>>, vector<1x1x8x8x128xf32>
    %get3A_51 = vector.shape_cast %get3A_50 : vector<1x1x8x8x128xf32> to vector<8x8x128xf32>
    %add3A_52 = arith.addf %get3A_51, %reduce_sum3A_30 : vector<8x8x128xf32>
    %swap3A_53 = arith.constant 1 : index
    %swap3A_54 = arith.index_cast %arg1 : i32 to index
    %swap3A_55 = arith.constant 0 : index
    %swap3A_56 = arith.constant 0 : index
    %swap3A_57 = arith.constant 0 : index
    %swap3A_58 = vector.load %arg4[%swap3A_53, %swap3A_54, %swap3A_55, %swap3A_56, %swap3A_57] : memref<2x7x8x8x128xf32, #tpu.memory_space<vmem>>, vector<1x1x8x8x128xf32>
    %swap3A_59 = vector.shape_cast %swap3A_58 : vector<1x1x8x8x128xf32> to vector<8x8x128xf32>
    %swap3A_60 = vector.shape_cast %add3A_52 : vector<8x8x128xf32> to vector<1x1x8x8x128xf32>
    tpu.vector_store %arg4[%swap3A_53, %swap3A_54, %swap3A_55, %swap3A_56, %swap3A_57], %swap3A_60 {strides = array<i32>} : memref<2x7x8x8x128xf32, #tpu.memory_space<vmem>>, vector<1x1x8x8x128xf32>,
    return
  }
  func.func @transform_0(%arg0: i32, %arg1: i32) -> (i32, i32, i32, i32) {
    %add3A = arith.constant 5 : i32
    %add3A_0 = arith.addi %arg1, %add3A : i32
    %c0_i32 = arith.constant 0 : i32
    %c0_i32_1 = arith.constant 0 : i32
    %c0_i32_2 = arith.constant 0 : i32
    return %arg0, %add3A_0, %c0_i32, %c0_i32_1 : i32, i32, i32, i32
  }
  func.func @transform_1(%arg0: i32, %arg1: i32) -> (i32, i32, i32, i32) {
    %c0_i32 = arith.constant 0 : i32
    %c0_i32_0 = arith.constant 0 : i32
    %c0_i32_1 = arith.constant 0 : i32
    %c0_i32_2 = arith.constant 0 : i32
    return %arg0, %c0_i32, %c0_i32_0, %c0_i32_1 : i32, i32, i32, i32
  }
  func.func @transform_2(%arg0: i32, %arg1: i32) -> (i32, i32, i32, i32, i32) {
    %c0_i32 = arith.constant 0 : i32
    %c0_i32_0 = arith.constant 0 : i32
    %c0_i32_1 = arith.constant 0 : i32
    %c0_i32_2 = arith.constant 0 : i32
    %c0_i32_3 = arith.constant 0 : i32
    %c0_i32_4 = arith.constant 0 : i32
    return %c0_i32, %c0_i32_0, %c0_i32_1, %c0_i32_2, %c0_i32_3 : i32, i32, i32, i32, i32
  }
}

module attributes {stable_mosaic.version = 14 : i64} {
  func.func @_finalize_body(%arg0: memref<32x40x16xf32, #tpu.memory_space<vmem>>, %arg1: memref<32x40x16xf32, #tpu.memory_space<vmem>>, %arg2: memref<32x16xf32, #tpu.memory_space<vmem>>, %arg3: memref<2x7x8x8x128xf32, #tpu.memory_space<vmem>>, %arg4: memref<1x1xf32, #tpu.memory_space<vmem>>) attributes {dimension_semantics = [], scalar_prefetch = 0 : i64, scratch_operands = 0 : i64, tpu.core_type = #tpu.core_type<tc>} {
    %get3A = arith.constant 0 : index
    %get3A_0 = arith.constant 0 : index
    %get3A_1 = vector.load %arg2[%get3A, %get3A_0] : memref<32x16xf32, #tpu.memory_space<vmem>>, vector<32x16xf32>
    %reduce_sum3A = vector.shape_cast %get3A_1 : vector<32x16xf32> to vector<1x32x16xf32>
    %reduce_sum3A_2 = arith.constant dense<0.000000e+00> : vector<1xf32>
    %reduce_sum3A_3 = vector.multi_reduction <add>, %reduce_sum3A, %reduce_sum3A_2 [1, 2] : vector<1x32x16xf32> to vector<1xf32>
    %reduce_sum3A_4 = vector.shape_cast %reduce_sum3A_3 : vector<1xf32> to vector<1x1x1xf32>
    %reduce_sum3A_5 = vector.extract %reduce_sum3A_4[0, 0, 0] : f32 from vector<1x1x1xf32>
    %get3A_6 = arith.constant 0 : index
    %get3A_7 = arith.constant 0 : index
    %get3A_8 = arith.constant 0 : index
    %get3A_9 = vector.load %arg0[%get3A_6, %get3A_7, %get3A_8] : memref<32x40x16xf32, #tpu.memory_space<vmem>>, vector<32x40x16xf32>
    %reduce_sum3A_10 = arith.constant dense<0.000000e+00> : vector<40xf32>
    %reduce_sum3A_11 = vector.multi_reduction <add>, %get3A_9, %reduce_sum3A_10 [0, 2] : vector<32x40x16xf32> to vector<40xf32>
    %get3A_12 = arith.constant 0 : index
    %get3A_13 = arith.constant 0 : index
    %get3A_14 = arith.constant 0 : index
    %get3A_15 = vector.load %arg1[%get3A_12, %get3A_13, %get3A_14] : memref<32x40x16xf32, #tpu.memory_space<vmem>>, vector<32x40x16xf32>
    %reduce_sum3A_16 = arith.constant dense<0.000000e+00> : vector<40xf32>
    %reduce_sum3A_17 = vector.multi_reduction <add>, %get3A_15, %reduce_sum3A_16 [0, 2] : vector<32x40x16xf32> to vector<40xf32>
    %mul3A = arith.mulf %reduce_sum3A_11, %reduce_sum3A_11 : vector<40xf32>
    %div3A = vector.broadcast %reduce_sum3A_5 : f32 to vector<40xf32>
    %div3A_18 = arith.divf %mul3A, %div3A : vector<40xf32>
    %sub3A = arith.subf %reduce_sum3A_17, %div3A_18 : vector<40xf32>
    %sub3A_19 = arith.constant 1.000000e+00 : f32
    %sub3A_20 = arith.subf %reduce_sum3A_5, %sub3A_19 : f32
    %div3A_21 = vector.broadcast %sub3A_20 : f32 to vector<40xf32>
    %div3A_22 = arith.divf %sub3A, %div3A_21 : vector<40xf32>
    %get3A_23 = arith.constant 0 : index
    %get3A_24 = arith.constant 0 : index
    %get3A_25 = arith.constant 0 : index
    %get3A_26 = arith.constant 0 : index
    %get3A_27 = arith.constant 0 : index
    %get3A_28 = vector.load %arg3[%get3A_23, %get3A_24, %get3A_25, %get3A_26, %get3A_27] : memref<2x7x8x8x128xf32, #tpu.memory_space<vmem>>, vector<1x7x8x8x128xf32>
    %get3A_29 = vector.shape_cast %get3A_28 : vector<1x7x8x8x128xf32> to vector<7x8x8x128xf32>
    %reduce_sum3A_30 = arith.constant dense<0.000000e+00> : vector<7x8x8xf32>
    %reduce_sum3A_31 = vector.multi_reduction <add>, %get3A_29, %reduce_sum3A_30 [3] : vector<7x8x8x128xf32> to vector<7x8x8xf32>
    %reduce_sum3A_32 = arith.constant dense<0.000000e+00> : vector<7x8xf32>
    %reduce_sum3A_33 = vector.multi_reduction <add>, %reduce_sum3A_31, %reduce_sum3A_32 [2] : vector<7x8x8xf32> to vector<7x8xf32>
    %get3A_34 = arith.constant 1 : index
    %get3A_35 = arith.constant 0 : index
    %get3A_36 = arith.constant 0 : index
    %get3A_37 = arith.constant 0 : index
    %get3A_38 = arith.constant 0 : index
    %get3A_39 = vector.load %arg3[%get3A_34, %get3A_35, %get3A_36, %get3A_37, %get3A_38] : memref<2x7x8x8x128xf32, #tpu.memory_space<vmem>>, vector<1x7x8x8x128xf32>
    %get3A_40 = vector.shape_cast %get3A_39 : vector<1x7x8x8x128xf32> to vector<7x8x8x128xf32>
    %reduce_sum3A_41 = arith.constant dense<0.000000e+00> : vector<7x8x8xf32>
    %reduce_sum3A_42 = vector.multi_reduction <add>, %get3A_40, %reduce_sum3A_41 [3] : vector<7x8x8x128xf32> to vector<7x8x8xf32>
    %reduce_sum3A_43 = arith.constant dense<0.000000e+00> : vector<7x8xf32>
    %reduce_sum3A_44 = vector.multi_reduction <add>, %reduce_sum3A_42, %reduce_sum3A_43 [2] : vector<7x8x8xf32> to vector<7x8xf32>
    %mul3A_45 = arith.mulf %reduce_sum3A_33, %reduce_sum3A_33 : vector<7x8xf32>
    %div3A_46 = vector.broadcast %reduce_sum3A_5 : f32 to vector<7x8xf32>
    %div3A_47 = arith.divf %mul3A_45, %div3A_46 : vector<7x8xf32>
    %sub3A_48 = arith.subf %reduce_sum3A_44, %div3A_47 : vector<7x8xf32>
    %sub3A_49 = arith.constant 1.000000e+00 : f32
    %sub3A_50 = arith.subf %reduce_sum3A_5, %sub3A_49 : f32
    %div3A_51 = vector.broadcast %sub3A_50 : f32 to vector<7x8xf32>
    %div3A_52 = arith.divf %sub3A_48, %div3A_51 : vector<7x8xf32>
    %sqrt3A = math.sqrt %div3A_22 : vector<40xf32>
    %reduce_sum3A_53 = vector.shape_cast %sqrt3A : vector<40xf32> to vector<1x40xf32>
    %reduce_sum3A_54 = arith.constant dense<0.000000e+00> : vector<1xf32>
    %reduce_sum3A_55 = vector.multi_reduction <add>, %reduce_sum3A_53, %reduce_sum3A_54 [1] : vector<1x40xf32> to vector<1xf32>
    %reduce_sum3A_56 = vector.shape_cast %reduce_sum3A_55 : vector<1xf32> to vector<1x1xf32>
    %reduce_sum3A_57 = vector.extract %reduce_sum3A_56[0, 0] : f32 from vector<1x1xf32>
    %sqrt3A_58 = math.sqrt %div3A_52 : vector<7x8xf32>
    %reduce_sum3A_59 = vector.shape_cast %sqrt3A_58 : vector<7x8xf32> to vector<1x7x8xf32>
    %reduce_sum3A_60 = arith.constant dense<0.000000e+00> : vector<1xf32>
    %reduce_sum3A_61 = vector.multi_reduction <add>, %reduce_sum3A_59, %reduce_sum3A_60 [1, 2] : vector<1x7x8xf32> to vector<1xf32>
    %reduce_sum3A_62 = vector.shape_cast %reduce_sum3A_61 : vector<1xf32> to vector<1x1x1xf32>
    %reduce_sum3A_63 = vector.extract %reduce_sum3A_62[0, 0, 0] : f32 from vector<1x1x1xf32>
    %add3A = arith.addf %reduce_sum3A_57, %reduce_sum3A_63 : f32
    %div3A_64 = arith.constant 9.600000e+01 : f32
    %div3A_65 = arith.divf %add3A, %div3A_64 : f32
    %reshape3A = vector.broadcast %div3A_65 : f32 to vector<1x1xf32>
    %swap3A = arith.constant 0 : index
    %swap3A_66 = arith.constant 0 : index
    %swap3A_67 = vector.load %arg4[%swap3A, %swap3A_66] : memref<1x1xf32, #tpu.memory_space<vmem>>, vector<1x1xf32>
    tpu.vector_store %arg4[%swap3A, %swap3A_66], %reshape3A {strides = array<i32>} : memref<1x1xf32, #tpu.memory_space<vmem>>, vector<1x1xf32>,
    return
  }
}

</mosaic_0001>

<sc_bundles>
// kernel: kernel.5.cloned.1.call-start
scs
__scs_entry_jumppad:
0x0: {  	(pc) =	sbr.rel $0x88, $3  }
0x1: {  	(tag) =	ssettag $0x0;
	lr =	simm.s32 $0x1  }
0x2: {  	[smem:$0x3F9F] =	sst lr;
	_ =	strace $0xD0000000  }
0x3: {  	_ = 	snop  }
0x4: {  	_ = 	snop  }
0x5: {  	_ = 	snop  }
0x6: {  	_ = 	snop  }
0x7: {  	_ = 	snop  }
__scs_overlays_trampoline_lowered:
0x8: {  	[smem:$0x3FAE] =	sst s0  }
0x9: {  	[smem:$0x3FAF] =	sst s1  }
0xa: {  	[smem:$0x3FB0] =	sst s2  }
0xb: {  	[smem:$0x3FB1] =	sst s3  }
0xc: {  	[smem:$0x3FB2] =	sst s4  }
0xd: {  	[smem:$0x3FB3] =	sst s5  }
0xe: {  	[smem:$0x3FB4] =	sst s6  }
0xf: {  	[smem:$0x3FB5] =	sst s7  }
0x10: {  	[smem:$0x3FB6] =	sst s8  }
0x11: {  	[smem:$0x3FB7] =	sst s9;
	s0 =	simm.s32 @!p0 $0x0  }
0x12: {  	s1 =	sld [smem:$0x3F9D];
	s0 =	simm.s32 @p0 $0x1  }
0x13: {  	[smem:$0x3FB8] =	sst s0;
	s0 =	simm.s32 @!p1 $0x0  }
0x14: {  	s2 =	sld [smem:$0x3F9C];
	s0 =	simm.s32 @p1 $0x1  }
0x15: {  	[smem:$0x3FB9] =	sst s0;
	s0 =	simm.s32 @!p2 $0x0  }
0x16: {  	s3 =	sld [smem:$0x3FDB];
	s0 =	simm.s32 @p2 $0x1  }
0x17: {  	s4 =	simm.s32 $0x1BF5;
	[smem:$0x3FBB] =	sst s0  }
0x18: {  	s0 =	sld [smem:$0x3F9E];
	_ =	swait.ge [sflag:s4], $0x0  }
0x19: {  	s7 =	sld [smem:$0x3F9F]  }
0x1a: {  	s8 =	sadd.s32 $0xFFFFE003, lr  }
0x1b: {  	s9 =	sadd.s32 $0xFFFFFEF7, lr;
	s5 =	simm.s32 $0xFFFFFFFF;
	p2 =	slt.u32 s8, $0xFFFFF086  }
0x1c: {  	p1 =	slt.u32 s9, $0xF7A;
	s5 =	simm.s32 @!p2 $0x0  }
0x1d: {  	s5 =	simm.s32 @p1 $0x1;
	p0 =	seq.s32 s7, s2  }
0x1e: {  	s7 =	smul.u32 @!p0 $0xF7A, s2;
	p2 =	seq.s32 @!p0 s5, $0x0  }
0x1f: {  	s9 =	smul.u32 $0xF7A, s1;
	s8 =	simm.s32 @!p0 $0x1BF5;
	p2 =	por !p2, p0  }
0x20: {  	[sflag:s8] =	ssyncset.s32 @!p0 $0xFFFFF086;
	s6 =	sadd.s32 @!p0 s3, s7;
	s7 =	simm.s32 @!p0 $0x108  }
0x21: {  	s3 =	sadd.s32 s3, s9;
	s6 =	sadd.s32 @!p0 $0x88, s6;
	s7 =	simm.s32 @p2 $0x1082  }
0x22: {  	[simem:s7], [sflag:s8] =	dma.local @!p0 [hbm:s6], $0xF7A  }
0x23: {  	s9 =	sor.u32 $0xD0000000, s2;
	s6 =	simm.s32 $0x108;
	_ =	swait.ge @!p0 [sflag:s8], $0x0  }
0x24: {  	s3 =	sadd.s32 $0x88, s3;
	s6 =	simm.s32 @!p1 $0x1082;
	[sflag:s4] =	ssyncset.s32 $0xFFFFF086  }
0x25: {  	[simem:s6], [sflag:s4] =	dma.local [hbm:s3], $0xF7A  }
0x26: {  	[smem:$0x3F9F] =	sst s1;
	(tag) =	ssettag s2;
	_ =	strace s9  }
0x27: {  	s1 =	sld [smem:$0x3FAF]  }
0x28: {  	s2 =	sld [smem:$0x3FB0]  }
0x29: {  	s4 =	sld [smem:$0x3FB2]  }
0x2a: {  	p0 =	seq.s32 s5, $0x0;
	s5 =	sld [smem:$0x3FB3]  }
0x2b: {  	s6 =	sld [smem:$0x3FB4]  }
0x2c: {  	s7 =	sld [smem:$0x3FB5]  }
0x2d: {  	s3 =	simm.s32 $0x108;
	s8 =	sld [smem:$0x3FB6]  }
0x2e: {  	s3 =	simm.s32 @!p0 $0x1082;
	s9 =	sld [smem:$0x3FB7]  }
0x2f: {  	lr =	sadd.s32 s0, s3;
	s0 =	sld [smem:$0x3FAE]  }
0x30: {  	s3 =	sld [smem:$0x3FB1]  }
0x31: {  	[smem:$0x3FBA] =	sst s10  }
0x32: {  	s10 =	sld [smem:$0x3FB8];
	_ =	sdelay $0x3  }
0x33: {  	p0 =	seq.s32 s10, $0x1;
	s10 =	sld [smem:$0x3FBA];
	_ =	sdelay $0x3  }
0x34: {  	[smem:$0x3FBA] =	sst s10  }
0x35: {  	s10 =	sld [smem:$0x3FB9];
	_ =	sdelay $0x3  }
0x36: {  	p1 =	seq.s32 s10, $0x1;
	s10 =	sld [smem:$0x3FBA];
	_ =	sdelay $0x3  }
0x37: {  	[smem:$0x3FBA] =	sst s10  }
0x38: {  	s10 =	sld [smem:$0x3FBB]  }
0x39: {  	_ = 	snop;
	(pc) =	sbr.ind lr, $3  }
0x3a: {  	_ = 	snop  }
0x3b: {  	_ = 	snop  }
0x3c: {  	p2 =	seq.s32 s10, $0x1;
	s10 =	sld [smem:$0x3FBA]  }
0x3d: {  	_ =	shalt  }
0x3e: {  	_ =	shalt  }
0x3f: {  	_ =	shalt  }
0x40: {  	_ =	shalt  }
0x41: {  	_ =	shalt  }
0x42: {  	_ =	shalt  }
0x43: {  	_ =	shalt  }
0x44: {  	_ =	shalt  }
0x45: {  	_ =	shalt  }
0x46: {  	_ =	shalt  }
0x47: {  	_ =	shalt  }
0x48: {  	_ =	shalt  }
0x49: {  	_ =	shalt  }
0x4a: {  	_ =	shalt  }
0x4b: {  	_ =	shalt  }
0x4c: {  	_ =	shalt  }
0x4d: {  	_ =	shalt  }
0x4e: {  	_ =	shalt  }
0x4f: {  	_ =	shalt  }
0x50: {  	_ =	shalt  }
0x51: {  	_ =	shalt  }
0x52: {  	_ =	shalt  }
0x53: {  	_ =	shalt  }
0x54: {  	_ =	shalt  }
0x55: {  	_ =	shalt  }
0x56: {  	_ =	shalt  }
0x57: {  	_ =	shalt  }
0x58: {  	_ =	shalt  }
0x59: {  	_ =	shalt  }
0x5a: {  	_ =	shalt  }
0x5b: {  	_ =	shalt  }
0x5c: {  	_ =	shalt  }
0x5d: {  	_ =	shalt  }
0x5e: {  	_ =	shalt  }
0x5f: {  	_ =	shalt  }
0x60: {  	_ =	shalt  }
0x61: {  	_ =	shalt  }
0x62: {  	_ =	shalt  }
0x63: {  	_ =	shalt  }
0x64: {  	_ =	shalt  }
0x65: {  	_ =	shalt  }
0x66: {  	_ =	shalt  }
0x67: {  	_ =	shalt  }
0x68: {  	_ =	shalt  }
0x69: {  	_ =	shalt  }
0x6a: {  	_ =	shalt  }
0x6b: {  	_ =	shalt  }
0x6c: {  	_ =	shalt  }
0x6d: {  	_ =	shalt  }
0x6e: {  	_ =	shalt  }
0x6f: {  	_ =	shalt  }
0x70: {  	_ =	shalt  }
0x71: {  	_ =	shalt  }
0x72: {  	_ =	shalt  }
0x73: {  	_ =	shalt  }
0x74: {  	_ =	shalt  }
0x75: {  	_ =	shalt  }
0x76: {  	_ =	shalt  }
0x77: {  	_ =	shalt  }
0x78: {  	_ =	shalt  }
0x79: {  	_ =	shalt  }
0x7a: {  	_ =	shalt  }
0x7b: {  	_ =	shalt  }
0x7c: {  	_ =	shalt  }
0x7d: {  	_ =	shalt  }
0x7e: {  	_ =	shalt  }
0x7f: {  	_ =	shalt  }
0x80: {  	_ =	shalt  }
0x81: {  	_ =	shalt  }
0x82: {  	_ =	shalt  }
0x83: {  	_ =	shalt  }
0x84: {  	_ =	shalt  }
0x85: {  	_ =	shalt  }
0x86: {  	_ =	shalt  }
0x87: {  	_ =	shalt  }
.Lfunc_end0:
.L_simem_size_0:
called_computation_lowered:
.L_overlay_start_0:
0x88: {  	s2 =	sld [smem:$0x3FD9]  }
0x89: {  	s3 =	sld [smem:$0x3FFE];
	_ =	sdelay $0x1  }
0x8a: {  	s1 =	srdreg.scid  }
0x8b: {  	s0 =	sand.u32 $0x1, s1  }
0x8c: {  	s17 =	sshll.u32 s0, $0xA;
	s2 =	sadd.s32 s3, s2  }
0x8d: {  	s2 =	sadd.s32 s2, s17  }
0x8e: {  	[smem:$0x3FC6] =	sst s2  }
0x8f: {  	_ = 	snop  }
0x90: {  	s2 =	sld [smem:$0x3FC9];
	(tm) =	ssettm $0x1  }
0x91: {  	s18 =	sld [smem:$0x3FFB];
	_ =	sdelay $0x3  }
0x92: {  	_ =	strace s18  }
0x93: {  	s3 =	sld [smem:$0x3FFC];
	_ =	sdelay $0x3  }
0x94: {  	_ =	strace s3  }
0x95: {  	s3 =	sld [smem:$0x3FFD];
	_ =	sdelay $0x3  }
0x96: {  	_ =	strace s3  }
0x97: {  	_ =	strace $0x8FFFFFFF  }
0x98: {  	s19 =	sld [smem:$0x3FDB];
	_ =	sdelay $0x1  }
0x99: {  	s4 =	simm.s32 $_scs_section_size  }
0x9a: {  	s5 =	simm.s32 $_size__tile_overlayer_lowered;
	s6 =	simm.s32 $_tile_overlayer_lowered  }
0x9b: {  	s22 =	simm.s32 $0x1BFF;
	s21 =	sshll.u32 s6, $0x1;
	s3 =	sadd.s32 s4, s19  }
0x9c: {  	s7 =	simm.s32 $0x0;
	s20 =	sshll.u32 s5, $0x1;
	s5 =	sadd.s32 s21, s3  }
0x9d: {  	[timem:s7], [sflag:s22] =	dma.local [hbm:s5], s20  }
0x9e: {  	_ =	swait.ge [sflag:s22], s20  }
0x9f: {  	s4 =	ssub.s32 $0x0, s20;
	[sflag:s22] =	ssyncset.done $0x0  }
0xa0: {  	[sflag:s22] =	ssyncadd.s32 s4;
	_ =	sdelay $0x1  }
0xa1: {  	s23 =	simm.s32 $0x1B8B  }
0xa2: {  	_ =	swait.ge [sflag:s23], $0x1  }
0xa3: {  	[sflag:s23] =	ssyncset.done $0x0  }
0xa4: {  	s25 =	simm.s32 $0x1B8E;
	s24 =	sld [smem:$0x3FFE];
	[sflag:s23] =	ssyncadd.s32 $0xFFFFFFFF  }
0xa5: {  	s26 =	simm.s32 $execute0_lowered;
	[smem:$0x3FD2] =	sst s25  }
0xa6: {  	s5 =	sshll.u32 s26, $0x1;
	_ =	strace $0x80000046;
	[dreg:$0x1] =	wrdreg $0xFFFFFFFF  }
0xa7: {  	s28 =	simm.s32 $_size_execute0_lowered;
	s3 =	sadd.s32 s3, s5;
	[dreg:$0x0] =	wrdreg $0x0  }
0xa8: {  	s5 =	sshll.u32 s28, $0x1;
	[dreg:$0x2] =	wrdreg s3  }
0xa9: {  	[dreg:$0x3] =	wrdreg s5  }
0xaa: {  	[dreg:$0x4] =	wrdreg $0xC0  }
0xab: {  	_ =	task [dreg:s7], $0x5FFFF  }
0xac: {  	[dreg:$0x1] =	wrdreg $0xFFFFFFFF  }
0xad: {  	[dreg:$0x0] =	wrdreg $0x60  }
0xae: {  	[dreg:$0x2] =	wrdreg s2  }
0xaf: {  	[dreg:$0x3] =	wrdreg s24  }
0xb0: {  	[dreg:$0x4] =	wrdreg $0x9  }
0xb1: {  	_ =	task.clear_ibuf [dreg:s7], $0x5FFFF;
	_ =	strace $0x90000046  }
0xb2: {  	s29 =	simm.s32 $0x9;
	_ =	strace $0x80000048  }
0xb3: {  	_ =	swait.ge [sflag:s29], $0x1  }
0xb4: {  	[sflag:s29] =	ssyncadd.s32 $0xFFFFFFFF  }
0xb5: {  	_ =	strace $0x90000048  }
0xb6: {  	_ =	sfence  }
0xb7: {  	s30 =	sld [smem:$0x0];
	_ =	sdelay $0x2  }
0xb8: {  	s31 =	sshll.u32 s1, $0xD;
	s1 =	sshrl.u32 s1, $0x2  }
0xb9: {  	s3 =	sand.u32 $0x4000, s31;
	s1 =	sadd.s32 s1, s30  }
0xba: {  	s0 =	sor.u32 s3, s0;
	s1 =	sshll.u32 s1, $0x11  }
0xbb: {  	s0 =	sor.u32 s1, s0  }
0xbc: {  	s0 =	sadd.s32 $0x8F2B, s0  }
0xbd: {  	[sflag:s0] =	ssyncadd.remote.s32 $0x1  }
0xbe: {  	_ =	sfence.sel $0xFFFF  }
0xbf: {  	[dreg:$0x0] =	wrdreg $0xFFFFFFFF;
	(pc) =	sbr.abs _section_cstart, $3  }
0xc0: {  	[dreg:$0x1] =	wrdreg $0xFFFFFFFF  }
0xc1: {  	_ =	task.clear_ibuf [dreg:s7], $0x2FFFF;
	_ =	strace $0x9FFFFFFF  }
0xc2: {  	(tm) =	ssettm $0x7FFFFFFF  }
0xc3: {  	_ =	shalt  }
tec
execute0_lowered:
.L_overlay_start_1:
0x0: {  	(tag) =	ssettag $0x1  }
0x1: {  	s2 =	rddreg [dreg:$0x0]  }
0x2: {  	s0 =	rddreg [dreg:$0x1]  }
0x3: {  	s1 =	srdreg.scid;
	s3 =	stileid.u32  }
0x4: {  	s9 =	simm.s32 $0x0;
	s28 =	simm.s32 $0x2;
	s1 =	sand.u32 $0x1, s1  }
0x5: {  	s4 =	sshll.u32 s3, $0x1;
	[smem:$0x7FF] =	sst s9;
	s3 =	simm.s32 $0x0  }
0x6: {  	s4 =	sor.u32 s1, s4;
	_ =	strace $0x80000047;
	s1 =	ssub.s32 $0x2, s1  }
0x7: {  	s5 =	sshll.u32 s4, $0xA;
	s6 =	smul.u32 $0x280, s4;
	s8 =	sshll.u32 s4, $0x4  }
0x8: {  	s19 =	sshrl.u32 s1, $0x1;
	s4 =	sshll.u32 s4, $0xD;
	s7 =	sadd.s32 s5, s0  }
0x9: {  	s1 =	ssub.s32 s1, s19;
	s24 =	sadd.s32 s2, s5;
	s12 =	sor.u32 $0x100000, s4  }
0xa: {  	s13 =	sor.u32 $0x101000, s4;
	s20 =	sadd.s32 $0x21200, s7;
	[dreg:$0x7] =	wrdreg s24  }
0xb: {  	s6 =	sadd.s32 s6, s0;
	s21 =	sadd.s32 $0x29200, s7;
	[dreg:$0x3] =	wrdreg s20  }
0xc: {  	s0 =	sadd.s32 s8, s0;
	s22 =	sadd.s32 $0x31200, s7;
	[dreg:$0x4] =	wrdreg s21  }
0xd: {  	s8 =	sor.u32 $0x1000, s4;
	s23 =	sadd.s32 $0x39200, s7;
	[dreg:$0x5] =	wrdreg s22  }
0xe: {  	s31 =	smax.u32 s1, $0x1;
	s1 =	simm.s32 $0x3;
	[dreg:$0x6] =	wrdreg s23  }
0xf: {  	s24 =	simm.s32 $0x8000;
	s29 =	sadd.s32 $0x41200, s6;
	[dreg:$0xc] =	wrdreg s31  }
0x10: {  	s25 =	sshrl.u32 s8, $0x3;
	s30 =	sadd.s32 $0x46200, s6;
	[dreg:$0x9] =	wrdreg s29  }
0x11: {  	s0 =	sadd.s32 $0x4B200, s0;
	s22 =	simm.s32 $0x1000;
	[dreg:$0xa] =	wrdreg s30  }
0x12: {  	s23 =	simm.s32 $0x40000;
	s26 =	sadd.s32 s2, s25;
	[dreg:$0xb] =	wrdreg s0  }
0x13: {  	s25 =	simm.s32 $0xC000;
	[dreg:$0x8] =	wrdreg s26;
	s26 =	simm.s32 $0x1  }
.LBB2_1:
0x14: {  	[dreg:$0xd] =	wrdreg s3  }
0x15: {  	s0 =	rddreg [dreg:$0x3]  }
0x16: {  	[tilespmem:s9], [sflag:$0x3] =	stream.linear.gather [hbm4b:s0+s9], $0x2000, $0x38;
	[tilespmem:$0x12880] =	vst v63  }
0x17: {  	_ =	swait.ge [sflag:s1], $0x2000  }
0x18: {  	[sflag:s1] =	ssyncset.done $0x0  }
0x19: {  	s11 =	simm.s32 $0x2000;
	s10 =	rddreg [dreg:$0x4];
	[sflag:s1] =	ssyncadd.s32 $0xFFFFE000  }
0x1a: {  	[tilespmem:s11], [sflag:$0x3] =	stream.linear.gather [hbm4b:s10+s9], $0x2000, $0x38;
	[tilespmem:$0x12880] =	vst v63  }
0x1b: {  	_ =	swait.ge [sflag:s1], $0x2000  }
0x1c: {  	[sflag:s1] =	ssyncset.done $0x0  }
0x1d: {  	s15 =	simm.s32 $0x4000;
	s14 =	rddreg [dreg:$0x5];
	[sflag:s1] =	ssyncadd.s32 $0xFFFFE000  }
0x1e: {  	[tilespmem:s15], [sflag:$0x3] =	stream.linear.gather [hbm4b:s14+s9], $0x2000, $0x38;
	[tilespmem:$0x12880] =	vst v63  }
0x1f: {  	_ =	swait.ge [sflag:s1], $0x2000  }
0x20: {  	[sflag:s1] =	ssyncset.done $0x0  }
0x21: {  	s17 =	simm.s32 $0x6000;
	s16 =	rddreg [dreg:$0x6];
	[sflag:s1] =	ssyncadd.s32 $0xFFFFE000  }
0x22: {  	[tilespmem:s17], [sflag:$0x3] =	stream.linear.gather [hbm4b:s16+s9], $0x2000, $0x38;
	[tilespmem:$0x12880] =	vst v63  }
0x23: {  	s20 =	simm.s32 $0x0;
	_ =	swait.ge [sflag:s1], $0x2000  }
0x24: {  	s5 =	sand.u32 $0xC00, s9;
	s6 =	simm.s32 $0x0;
	[sflag:s1] =	ssyncset.done $0x0  }
0x25: {  	s18 =	rddreg [dreg:$0x7];
	[sflag:s1] =	ssyncadd.s32 $0xFFFFE000;
	s1 =	sand.u32 $0x1000, s20  }
0x26: {  	[tilespmem:s24], [sflag:$0x1] =	stream.strided.gather [hbm4b:s18+s22], $0x4000, s23, s22, $0x38;
	[tilespmem:$0x12880] =	vst v63  }
0x27: {  	s6 =	sand.u32 $0x380, s6;
	s1 =	sor.u32 s5, s1  }
0x28: {  	s21 =	sand.u32 $0x70, s9;
	s19 =	rddreg [dreg:$0x8];
	s1 =	sor.u32 s6, s1  }
0x29: {  	[tilespmem:s25], [sflag:$0x2] =	stream.strided.gather [hbm4b:s19+s22], $0x4000, s23, s22, $0x38;
	[tilespmem:$0x12880] =	vst v63  }
0x2a: {  	s5 =	sor.u32 s21, s1  }
0x2b: {  	v0 =	vld [tilespmem:s5+$0x6000]  }
0x2c: {  	s29 =	simm.s32 $0x80;
	s30 =	simm.s32 $0x10;
	v5 =	vld [tilespmem:s5+$0x0]  }
0x2d: {  	s7 =	simm.s32 $0x4;
	s6 =	sand.u32 $0x1000, s30;
	s1 =	sand.u32 $0xC00, s29  }
0x2e: {  	s7 =	sand.u32 $0x380, s7;
	s6 =	sor.u32 s1, s6;
	s1 =	simm.s32 $0x10;
	v3 =	vld [tilespmem:s5+$0x2000]  }
0x2f: {  	v4 =	vld [tilespmem:s5+$0x4000];
	s31 =	sand.u32 $0x70, s1;
	s6 =	sor.u32 s7, s6  }
0x30: {  	v1 =	vimm.f32 $0.0e+00;
	s6 =	sor.u32 s31, s6  }
0x31: {  	v6 =	vimm.f32 $0.0e+00;
	s5 =	simm.s32 $0x2;
	s7 =	simm.s32 $0x100;
	v2 =	vld [tilespmem:s6+$0x6000];
	v0 =	vadd.f32 v0, v1;
	v5 =	vadd.f32 v5, v1  }
.LBB2_2:
0x32: {  	s9 =	sshll.u32 s5, $0x4;
	p0 =	sne.s32 s5, $0x1FF  }
0x33: {  	v7 =	vld [tilespmem:s6+$0x0];
	v1 =	vadd.f32 v3, v1;
	s10 =	smov.u32 s5;
	s5 =	sadd.s32 $0x1, s5;
	s11 =	sand.u32 $0xC00, s7  }
.Ltmp0:
0x34: {  	s9 =	sand.u32 $0x1000, s9;
	s10 =	sshll.u32 s10, $0x2;
	v3 =	vld [tilespmem:s6+$0x2000];
	v6 =	vadd.f32 v4, v6;
	(pc) =	sbr.rel @p0 .LBB2_2-.Ltmp0, $4  }
0x35: {  	s1 =	sadd.s32 $0x10, s1;
	s10 =	sand.u32 $0x380, s10;
	s9 =	sor.u32 s11, s9;
	v4 =	vld [tilespmem:s6+$0x4000]  }
0x36: {  	s6 =	sand.u32 $0x70, s1;
	s9 =	sor.u32 s10, s9  }
0x37: {  	s6 =	sor.u32 s6, s9;
	v0 =	vadd.f32 v2, v0  }
0x38: {  	s7 =	sadd.s32 $0x80, s7;
	v2 =	vld [tilespmem:s6+$0x6000];
	v5 =	vadd.f32 v7, v5  }
0x39: {  	v7 =	vld [tilespmem:s6+$0x0]  }
0x3a: {  	v8 =	vld [tilespmem:s6+$0x2000];
	_ =	sdelay $0x1  }
0x3b: {  	v9 =	vld [tilespmem:s6+$0x4000]  }
0x3c: {  	v1 =	vadd.f32 v3, v1  }
0x3d: {  	v62 =	vadd.f32 v4, v6  }
0x3e: {  	v63 =	vadd.f32 v7, v5;
	v1 =	vadd.f32 v8, v1;
	_ =	sdelay $0x1  }
0x3f: {  	v3 =	vadd.f32 v9, v62;
	v1 =	vadd.f32 v1, v63;
	_ =	sdelay $0x1  }
0x40: {  	v0 =	vadd.f32 v2, v0;
	v1 =	vadd.f32 v3, v1;
	_ =	sdelay $0x1  }
0x41: {  	v0 =	vadd.f32 v0, v1;
	_ =	sdelay $0x1  }
0x42: {  	s1 =	simm.s32 $0x0;
	s19 =	simm.s32 $0x0;
	[tilespmem:$0x12800] =	vst v0  }
.LBB2_4:
0x43: {  	_ =	swait.ge [sflag:s26], $0x4000;
	s5 =	sand.u32 $0xC00, s1;
	s6 =	sand.u32 $0x380, s1  }
0x44: {  	s7 =	sand.u32 $0x60, s1;
	[sflag:s26] =	ssyncset.done $0x0;
	s5 =	sor.u32 s6, s5  }
0x45: {  	[sflag:s26] =	ssyncadd.s32 $0xFFFFC000;
	s6 =	sor.u32 s7, s5  }
0x46: {  	s9 =	sor.u32 $0x9000, s5;
	v1 =	vld [tilespmem:s6+$0x0]  }
0x47: {  	s11 =	sor.u32 $0xA000, s5;
	s10 =	sor.u32 s7, s9;
	v3 =	vld [tilespmem:s6+$0x8000]  }
0x48: {  	s14 =	sor.u32 $0xB000, s5;
	s31 =	sor.u32 s7, s11;
	v0 =	vld [tilespmem:s10+$0x0]  }
0x49: {  	s20 =	sor.u32 s7, s14;
	s7 =	sor.u32 $0x10, s7;
	v2 =	vld [tilespmem:s31+$0x0]  }
0x4a: {  	v5 =	vld [tilespmem:s20+$0x0];
	s5 =	sor.u32 s7, s5  }
0x4b: {  	v7 =	vld [tilespmem:s5+$0x8000]  }
0x4c: {  	s0 =	sor.u32 s7, s11;
	v8 =	vld [tilespmem:s5+$0x0]  }
0x4d: {  	s3 =	sor.u32 s7, s9;
	s9 =	simm.s32 $0x100;
	s10 =	simm.s32 $0x8;
	v6 =	vld [tilespmem:s0+$0x0]  }
0x4e: {  	s5 =	sand.u32 $0xC00, s9;
	s9 =	sand.u32 $0x380, s10  }
0x4f: {  	s11 =	simm.s32 $0x20;
	s5 =	sor.u32 s9, s5;
	v10 =	vmul.f32 v3, v1;
	v9 =	vmul.f32 v0, v1  }
0x50: {  	s14 =	sor.u32 s7, s14;
	s15 =	sand.u32 $0x60, s11;
	s16 =	sor.u32 $0x9000, s5;
	v0 =	vmul.f32 v2, v1;
	v2 =	vld [tilespmem:s3+$0x0];
	v5 =	vmul.f32 v5, v1  }
0x51: {  	v16 =	vimm.f32 $0.0e+00;
	v12 =	vld [tilespmem:s14+$0x0];
	s17 =	sor.u32 s15, s16;
	v13 =	vmul.f32 v10, v10;
	v7 =	vmul.f32 v7, v8  }
0x52: {  	s9 =	sor.u32 s15, s5;
	s18 =	sor.u32 $0xA000, s5;
	v18 =	vld [tilespmem:s17+$0x0];
	v14 =	vadd.f32 v10, v16;
	v10 =	vmul.f32 v6, v8;
	v11 =	vmul.f32 v0, v0  }
0x53: {  	s21 =	sor.u32 $0xB000, s5;
	s29 =	sor.u32 s15, s18;
	v4 =	vadd.f32 v9, v16;
	v3 =	vadd.f32 v0, v16;
	v0 =	vld [tilespmem:s9+$0x0];
	v17 =	vmul.f32 v9, v9  }
0x54: {  	s30 =	sor.u32 s15, s21;
	v19 =	vld [tilespmem:s29+$0x0];
	v21 =	vadd.f32 v5, v16;
	v20 =	vmul.f32 v10, v10;
	v9 =	vadd.f32 v11, v16  }
0x55: {  	s31 =	sor.u32 $0x10, s15;
	v1 =	vld [tilespmem:s30+$0x0];
	v11 =	vadd.f32 v13, v16;
	v13 =	vmul.f32 v2, v8;
	v2 =	vmul.f32 v7, v7  }
0x56: {  	s7 =	sor.u32 s31, s18;
	v22 =	vmul.f32 v5, v5;
	v6 =	vadd.f32 v7, v14;
	v14 =	vld [tilespmem:s9+$0x8000];
	v9 =	vadd.f32 v20, v9  }
0x57: {  	s5 =	sor.u32 s31, s5;
	v7 =	vld [tilespmem:s7+$0x0];
	v20 =	vmul.f32 v12, v8;
	v15 =	vmul.f32 v13, v13;
	v5 =	vadd.f32 v2, v11  }
0x58: {  	s6 =	simm.s32 $0x10;
	s10 =	simm.s32 $0x40;
	v12 =	vmul.f32 v18, v0;
	v11 =	vld [tilespmem:s5+$0x8000];
	v18 =	vadd.f32 v17, v16;
	v17 =	vadd.f32 v22, v16  }
0x59: {  	s9 =	sor.u32 s31, s16;
	s7 =	sor.u32 s31, s21;
	v16 =	vmul.f32 v19, v0;
	v2 =	vld [tilespmem:s5+$0x0];
	s5 =	simm.s32 $0x200;
	v8 =	vadd.f32 v20, v21;
	v19 =	vmul.f32 v20, v20  }
.LBB2_5:
0x5a: {  	s11 =	sand.u32 $0xC00, s5  }
0x5b: {  	s14 =	sand.u32 $0x380, s6;
	v20 =	vld [tilespmem:s9+$0x0];
	v4 =	vadd.f32 v13, v4;
	v3 =	vadd.f32 v10, v3;
	s9 =	smov.u32 s10;
	s20 =	sadd.s32 $0x20, s10  }
0x5c: {  	p0 =	sne.s32 s10, $0xFE0;
	v18 =	vadd.f32 v15, v18;
	s9 =	sand.u32 $0x60, s9;
	s11 =	sor.u32 s14, s11;
	v10 =	vmul.f32 v14, v0;
	v17 =	vadd.f32 v19, v17  }
0x5d: {  	v13 =	vmul.f32 v16, v16;
	s10 =	sor.u32 s9, s11;
	s14 =	sor.u32 $0x9000, s11;
	s21 =	sor.u32 $0xB000, s11;
	v4 =	vadd.f32 v12, v4;
	v3 =	vadd.f32 v16, v3;
	v16 =	vld [tilespmem:s7+$0x0]  }
0x5e: {  	v21 =	vmul.f32 v12, v12;
	s29 =	sor.u32 $0xA000, s11;
	v19 =	vld [tilespmem:s10+$0x0];
	s7 =	sor.u32 s9, s14;
	v6 =	vadd.f32 v10, v6;
	v14 =	vmul.f32 v10, v10  }
0x5f: {  	s31 =	sor.u32 $0x10, s9;
	s30 =	sor.u32 s9, s21;
	v9 =	vadd.f32 v13, v9;
	v12 =	vld [tilespmem:s7+$0x0];
	s7 =	sor.u32 s9, s29;
	v11 =	vmul.f32 v11, v2;
	v10 =	vmul.f32 v7, v2  }
0x60: {  	v24 =	vmul.f32 v1, v0;
	s9 =	sor.u32 s31, s14;
	s14 =	sor.u32 s31, s29;
	v22 =	vld [tilespmem:s7+$0x0];
	s7 =	sor.u32 s31, s21;
	v5 =	vadd.f32 v14, v5;
	v13 =	vmul.f32 v20, v2  }
.Ltmp1:
0x61: {  	v1 =	vld [tilespmem:s30+$0x0];
	v6 =	vadd.f32 v11, v6;
	v11 =	vmul.f32 v11, v11;
	v20 =	vmul.f32 v10, v10;
	(pc) =	sbr.rel @p0 .LBB2_5-.Ltmp1, $4  }
0x62: {  	v8 =	vadd.f32 v24, v8;
	v23 =	vmul.f32 v24, v24;
	v14 =	vld [tilespmem:s10+$0x8000];
	v15 =	vmul.f32 v13, v13  }
0x63: {  	s10 =	sor.u32 s31, s11;
	v7 =	vld [tilespmem:s14+$0x0];
	v5 =	vadd.f32 v11, v5;
	v9 =	vadd.f32 v20, v9;
	v20 =	vmul.f32 v16, v2;
	v0 =	vmovc v19  }
0x64: {  	v18 =	vadd.f32 v21, v18;
	v17 =	vadd.f32 v23, v17;
	v12 =	vmul.f32 v12, v0;
	v11 =	vld [tilespmem:s10+$0x8000]  }
0x65: {  	s5 =	sadd.s32 $0x100, s5;
	s6 =	sadd.s32 $0x8, s6;
	v16 =	vmul.f32 v22, v0;
	v2 =	vld [tilespmem:s10+$0x0];
	v8 =	vadd.f32 v20, v8;
	v19 =	vmul.f32 v20, v20;
	s10 =	smov.u32 s20  }
0x66: {  	s20 =	sshll.u32 s19, $0x14  }
0x67: {  	s5 =	sor.u32 s4, s20  }
0x68: {  	s31 =	sshrl.u32 s5, $0x3  }
0x69: {  	s10 =	simm.s32 $0x0;
	s29 =	sadd.s32 s2, s31  }
0x6a: {  	v20 =	vld [tilespmem:s9+$0x0];
	s6 =	sand.u32 $0xC00, s10;
	s11 =	sand.u32 $0x380, s10;
	s9 =	sadd.s32 $0x300000, s29  }
0x6b: {  	v21 =	vld [tilespmem:s7+$0x0];
	[tilespmem:s24], [sflag:$0x1] =	stream.strided.gather [hbm4b:s9+s22], $0x4000, s23, s22, $0x38  }
0x6c: {  	v3 =	vadd.f32 v10, v3;
	s6 =	sor.u32 s11, s6;
	_ =	swait.ge [sflag:s28], $0x4000  }
0x6d: {  	v4 =	vadd.f32 v13, v4;
	v13 =	vadd.f32 v15, v18;
	v10 =	vmul.f32 v14, v0;
	s5 =	sand.u32 $0x60, s10;
	s7 =	sor.u32 $0xF000, s6;
	[sflag:s28] =	ssyncset.done $0x0  }
0x6e: {  	v14 =	vadd.f32 v19, v17;
	v15 =	vmul.f32 v16, v16;
	v3 =	vadd.f32 v16, v3;
	s10 =	sor.u32 $0x10, s5;
	s14 =	sor.u32 s5, s7;
	[sflag:s28] =	ssyncadd.s32 $0xFFFFC000  }
0x6f: {  	v16 =	vmul.f32 v10, v10;
	s11 =	sor.u32 $0x1000, s6;
	v6 =	vadd.f32 v10, v6;
	v10 =	vmul.f32 v12, v12;
	s7 =	sor.u32 s10, s7;
	v17 =	vld [tilespmem:s14+$0x0]  }
0x70: {  	v4 =	vadd.f32 v12, v4;
	v11 =	vmul.f32 v11, v2;
	s15 =	sor.u32 s10, s11;
	v7 =	vmul.f32 v7, v2;
	v12 =	vld [tilespmem:s7+$0x0]  }
0x71: {  	v0 =	vmul.f32 v1, v0;
	v9 =	vadd.f32 v15, v9;
	s16 =	sor.u32 $0xE000, s6;
	s11 =	sor.u32 s5, s11;
	v1 =	vadd.f32 v16, v5;
	v18 =	vld [tilespmem:s15+$0x0]  }
0x72: {  	s18 =	sor.u32 $0xD000, s6;
	s17 =	sor.u32 s5, s16;
	v15 =	vmul.f32 v11, v11;
	v6 =	vadd.f32 v11, v6;
	v11 =	vmul.f32 v7, v7;
	v16 =	vld [tilespmem:s11+$0x0]  }
0x73: {  	s6 =	sor.u32 $0xC000, s6;
	s0 =	sor.u32 s5, s18;
	v19 =	vld [tilespmem:s17+$0x0]  }
0x74: {  	s5 =	sor.u32 s5, s6;
	v5 =	vmul.f32 v20, v2;
	v20 =	vadd.f32 v11, v9;
	v9 =	vadd.f32 v10, v13;
	v10 =	vld [tilespmem:s0+$0x0]  }
0x75: {  	v8 =	vadd.f32 v0, v8;
	v0 =	vmul.f32 v0, v0;
	s7 =	sor.u32 s10, s16;
	v13 =	vld [tilespmem:s5+$0x0]  }
0x76: {  	v15 =	vadd.f32 v15, v1;
	v1 =	vmul.f32 v21, v2;
	s15 =	sor.u32 s10, s6;
	v2 =	vld [tilespmem:s7+$0x0]  }
0x77: {  	s3 =	simm.s32 $0x8;
	v0 =	vadd.f32 v0, v14;
	v11 =	vmul.f32 v5, v5;
	s14 =	simm.s32 $0x100;
	v14 =	vld [tilespmem:s15+$0x0]  }
0x78: {  	v3 =	vadd.f32 v7, v3;
	v8 =	vadd.f32 v1, v8;
	s9 =	sand.u32 $0xC00, s14;
	s7 =	sand.u32 $0x380, s3  }
0x79: {  	s21 =	simm.s32 $0x20;
	v1 =	vmul.f32 v1, v1;
	v7 =	vadd.f32 v11, v9;
	s6 =	sor.u32 s7, s9;
	v9 =	vmul.f32 v17, v16  }
0x7a: {  	s16 =	sor.u32 s10, s18;
	s9 =	sand.u32 $0x60, s21;
	s17 =	sor.u32 $0xF000, s6;
	v11 =	vmul.f32 v19, v16;
	v22 =	vmul.f32 v12, v18  }
0x7b: {  	s0 =	sor.u32 $0x10, s9;
	s18 =	sor.u32 s9, s17;
	v17 =	vadd.f32 v1, v0;
	v19 =	vld [tilespmem:s16+$0x0];
	v0 =	vmul.f32 v10, v16;
	v10 =	vmul.f32 v13, v16  }
0x7c: {  	v5 =	vadd.f32 v5, v4;
	s3 =	sor.u32 $0x1000, s6;
	s14 =	sor.u32 s0, s17;
	v4 =	vld [tilespmem:s18+$0x0];
	v63 =	vmul.f32 v2, v18;
	v14 =	vmul.f32 v14, v18  }
0x7d: {  	s15 =	sor.u32 s0, s3;
	v1 =	vld [tilespmem:s14+$0x0];
	v2 =	vadd.f32 v11, v3;
	v12 =	vmul.f32 v9, v9;
	v23 =	vmul.f32 v11, v11  }
0x7e: {  	s11 =	sor.u32 s9, s3;
	s16 =	sor.u32 $0xE000, s6;
	v24 =	vadd.f32 v9, v8;
	v3 =	vld [tilespmem:s15+$0x0];
	v5 =	vadd.f32 v0, v5;
	v8 =	vmul.f32 v0, v0  }
0x7f: {  	s17 =	sor.u32 s9, s16;
	v0 =	vld [tilespmem:s11+$0x0];
	v13 =	vadd.f32 v10, v6;
	v6 =	vmul.f32 v10, v10;
	v2 =	vadd.f32 v63, v2  }
0x80: {  	s18 =	sor.u32 $0xC000, s6;
	s6 =	sor.u32 $0xD000, s6;
	s14 =	sor.u32 s0, s16;
	v10 =	vld [tilespmem:s17+$0x0];
	v7 =	vadd.f32 v8, v7;
	v16 =	vadd.f32 v12, v17;
	v12 =	vmul.f32 v63, v63  }
0x81: {  	s10 =	simm.s32 $0x10;
	s5 =	sor.u32 s0, s18;
	s30 =	sor.u32 s9, s6;
	v9 =	vld [tilespmem:s14+$0x0];
	v15 =	vadd.f32 v6, v15;
	v17 =	vadd.f32 v23, v20;
	v11 =	vmul.f32 v19, v18  }
0x82: {  	s9 =	sor.u32 s9, s18;
	s7 =	sor.u32 s0, s6;
	v8 =	vld [tilespmem:s30+$0x0];
	s30 =	simm.s32 $0x200;
	v6 =	vadd.f32 v22, v24;
	v18 =	vmul.f32 v22, v22;
	v19 =	vmul.f32 v14, v14  }
.LBB2_7:
0x83: {  	s6 =	smov.u32 s10  }
0x84: {  	s11 =	sand.u32 $0xC00, s30;
	s14 =	sand.u32 $0x380, s10;
	v20 =	vld [tilespmem:s9+$0x0];
	v13 =	vadd.f32 v14, v13;
	v14 =	vmul.f32 v11, v11;
	v16 =	vadd.f32 v18, v16;
	v18 =	vmovc v3;
	s6 =	sadd.s32 $0x8, s10  }
0x85: {  	p0 =	sne.s32 s10, $0x3F8;
	s21 =	sadd.s32 $0x20, s21;
	s9 =	sor.u32 s14, s11;
	v3 =	vmul.f32 v4, v0;
	v15 =	vadd.f32 v19, v15;
	v17 =	vadd.f32 v12, v17;
	v21 =	vld [tilespmem:s7+$0x0]  }
0x86: {  	v5 =	vadd.f32 v11, v5;
	s7 =	sand.u32 $0x60, s21;
	s10 =	sor.u32 $0xC000, s9;
	s11 =	sor.u32 $0xF000, s9;
	v10 =	vmul.f32 v10, v0;
	v7 =	vadd.f32 v14, v7;
	v12 =	vld [tilespmem:s5+$0x0]  }
0x87: {  	v22 =	vmul.f32 v1, v18;
	s14 =	sor.u32 $0x1000, s9;
	s5 =	sor.u32 s7, s11;
	s15 =	sor.u32 $0x10, s7;
	v9 =	vmul.f32 v9, v18  }
0x88: {  	s16 =	sor.u32 $0xD000, s9;
	v11 =	vmul.f32 v3, v3;
	s11 =	sor.u32 s15, s11;
	v8 =	vmul.f32 v8, v0;
	v2 =	vadd.f32 v10, v2;
	v4 =	vld [tilespmem:s5+$0x0];
	s5 =	sor.u32 s15, s10  }
0x89: {  	s3 =	sor.u32 $0xE000, s9;
	s17 =	sor.u32 s7, s16;
	v6 =	vadd.f32 v3, v6;
	s9 =	sor.u32 s15, s14;
	v19 =	vmul.f32 v10, v10;
	v14 =	vmul.f32 v20, v0;
	v1 =	vld [tilespmem:s11+$0x0]  }
.Ltmp2:
0x8a: {  	s11 =	sor.u32 s7, s14;
	s14 =	sor.u32 s7, s3;
	v5 =	vadd.f32 v8, v5;
	v8 =	vmul.f32 v8, v8;
	v2 =	vadd.f32 v9, v2;
	v3 =	vld [tilespmem:s9+$0x0];
	(pc) =	sbr.rel @p0 .LBB2_7-.Ltmp2, $4  }
0x8b: {  	s3 =	sor.u32 s15, s3;
	s9 =	sor.u32 s7, s10;
	s7 =	sor.u32 s15, s16;
	v13 =	vadd.f32 v14, v13;
	v20 =	vmul.f32 v14, v14;
	v0 =	vld [tilespmem:s11+$0x0];
	v14 =	vmul.f32 v12, v18  }
0x8c: {  	v16 =	vadd.f32 v11, v16;
	v7 =	vadd.f32 v8, v7;
	v12 =	vmul.f32 v9, v9;
	v10 =	vld [tilespmem:s14+$0x0]  }
0x8d: {  	v11 =	vmul.f32 v21, v18;
	v18 =	vmul.f32 v22, v22;
	v15 =	vadd.f32 v20, v15;
	v9 =	vld [tilespmem:s3+$0x0]  }
0x8e: {  	s30 =	sadd.s32 $0x100, s30;
	v6 =	vadd.f32 v22, v6;
	v17 =	vadd.f32 v19, v17;
	s10 =	smov.u32 s6;
	v19 =	vmul.f32 v14, v14;
	v8 =	vld [tilespmem:s17+$0x0]  }
0x8f: {  	s3 =	sor.u32 s8, s20  }
0x90: {  	s30 =	sshrl.u32 s3, $0x3  }
0x91: {  	v20 =	vld [tilespmem:s9+$0x0];
	s21 =	sadd.s32 s2, s30  }
0x92: {  	v21 =	vld [tilespmem:s7+$0x0];
	s17 =	simm.s32 $0x0;
	s16 =	sadd.s32 $0x300000, s21  }
0x93: {  	v22 =	vld [tilespmem:s5+$0x0];
	v13 =	vadd.f32 v14, v13;
	[tilespmem:s25], [sflag:$0x2] =	stream.strided.gather [hbm4b:s16+s22], $0x4000, s23, s22, $0x38  }
0x94: {  	v14 =	vadd.f32 v18, v16;
	v16 =	vmul.f32 v11, v11;
	v5 =	vadd.f32 v11, v5;
	s18 =	sand.u32 $0xC00, s17;
	s6 =	sand.u32 $0x380, s17;
	_ =	swait.ge [sflag:s26], $0x4000  }
0x95: {  	v4 =	vmul.f32 v4, v0;
	v12 =	vadd.f32 v12, v17;
	s3 =	sand.u32 $0x60, s17;
	v10 =	vmul.f32 v10, v0;
	s5 =	sor.u32 s6, s18;
	[sflag:s26] =	ssyncset.done $0x0  }
0x96: {  	v7 =	vadd.f32 v16, v7;
	s7 =	sor.u32 $0x10, s3;
	v9 =	vmul.f32 v9, v3;
	s6 =	sor.u32 s3, s5;
	v8 =	vmul.f32 v8, v0;
	[sflag:s26] =	ssyncadd.s32 $0xFFFFC000  }
0x97: {  	v11 =	vmul.f32 v4, v4;
	s0 =	sor.u32 $0x9000, s5;
	s10 =	sor.u32 s7, s5;
	v2 =	vadd.f32 v10, v2;
	v0 =	vmul.f32 v20, v0;
	v16 =	vld [tilespmem:s6+$0x2000]  }
0x98: {  	v4 =	vadd.f32 v4, v6;
	s11 =	sor.u32 s3, s0;
	v5 =	vadd.f32 v8, v5;
	v6 =	vmul.f32 v8, v8;
	v8 =	vld [tilespmem:s10+$0x2000]  }
0x99: {  	s9 =	sor.u32 s7, s0;
	v17 =	vadd.f32 v9, v2;
	v2 =	vadd.f32 v0, v13;
	v13 =	vld [tilespmem:s11+$0x0]  }
0x9a: {  	v1 =	vmul.f32 v1, v3;
	s14 =	sor.u32 $0x8000, s5;
	v6 =	vadd.f32 v6, v7;
	v7 =	vadd.f32 v11, v14;
	v11 =	vld [tilespmem:s9+$0x0]  }
0x9b: {  	s5 =	sor.u32 $0xB000, s5;
	v10 =	vmul.f32 v10, v10;
	s15 =	sor.u32 s3, s14;
	v18 =	vmul.f32 v22, v3;
	v14 =	vld [tilespmem:s6+$0xA000]  }
0x9c: {  	v15 =	vadd.f32 v19, v15;
	s3 =	sor.u32 s3, s5;
	v3 =	vmul.f32 v21, v3;
	v0 =	vmul.f32 v0, v0;
	v19 =	vld [tilespmem:s15+$0x0]  }
0x9d: {  	v20 =	vadd.f32 v1, v4;
	v9 =	vmul.f32 v9, v9;
	v10 =	vadd.f32 v10, v12;
	v4 =	vld [tilespmem:s3+$0x0]  }
0x9e: {  	s17 =	simm.s32 $0x100;
	s18 =	simm.s32 $0x8;
	v0 =	vadd.f32 v0, v15;
	v15 =	vmul.f32 v1, v1;
	v1 =	vmul.f32 v3, v3  }
0x9f: {  	s16 =	sor.u32 s7, s14;
	s0 =	simm.s32 $0x20;
	s5 =	sor.u32 s7, s5;
	v12 =	vmul.f32 v18, v18;
	v18 =	vadd.f32 v18, v2;
	v2 =	vadd.f32 v3, v5  }
0xa0: {  	s7 =	sand.u32 $0x60, s0;
	s3 =	sand.u32 $0xC00, s17;
	s9 =	sand.u32 $0x380, s18;
	v62 =	vadd.f32 v15, v7;
	v1 =	vadd.f32 v1, v6;
	v6 =	vld [tilespmem:s10+$0xA000];
	v3 =	vmul.f32 v13, v16  }
0xa1: {  	s11 =	sor.u32 $0x10, s7;
	s3 =	sor.u32 s9, s3;
	v7 =	vld [tilespmem:s16+$0x0];
	v63 =	vadd.f32 v12, v0;
	v5 =	vmul.f32 v11, v8;
	v12 =	vmul.f32 v14, v16  }
0xa2: {  	v13 =	vld [tilespmem:s5+$0x0];
	s5 =	sor.u32 s11, s3;
	v15 =	vmul.f32 v19, v16;
	v16 =	vmul.f32 v4, v16  }
0xa3: {  	v10 =	vadd.f32 v9, v10;
	s0 =	sor.u32 s7, s3;
	s14 =	sor.u32 $0xB000, s3;
	v0 =	vld [tilespmem:s5+$0x2000];
	v11 =	vadd.f32 v3, v2;
	v3 =	vmul.f32 v3, v3  }
0xa4: {  	s17 =	sor.u32 $0x9000, s3;
	s16 =	sor.u32 s7, s14;
	v2 =	vld [tilespmem:s0+$0x2000];
	v9 =	vmul.f32 v5, v5;
	v19 =	vmul.f32 v16, v16;
	v14 =	vadd.f32 v15, v18  }
0xa5: {  	s15 =	sor.u32 s7, s17;
	v23 =	vmul.f32 v15, v15;
	v6 =	vmul.f32 v6, v8;
	v3 =	vadd.f32 v3, v1;
	v1 =	vld [tilespmem:s16+$0x0]  }
0xa6: {  	v4 =	vadd.f32 v5, v11;
	v5 =	vadd.f32 v12, v17;
	v17 =	vmul.f32 v12, v12;
	v11 =	vld [tilespmem:s15+$0x0]  }
0xa7: {  	s18 =	sor.u32 s11, s17;
	s3 =	sor.u32 $0x8000, s3;
	v16 =	vadd.f32 v16, v20;
	v12 =	vmul.f32 v7, v8;
	v7 =	vld [tilespmem:s0+$0xA000];
	v18 =	vmul.f32 v6, v6  }
0xa8: {  	s9 =	simm.s32 $0x40;
	s6 =	sor.u32 s7, s3;
	s10 =	sor.u32 s11, s3;
	v13 =	vmul.f32 v13, v8;
	v3 =	vadd.f32 v9, v3;
	v9 =	vld [tilespmem:s18+$0x0];
	v15 =	vadd.f32 v17, v10  }
0xa9: {  	s11 =	sor.u32 s11, s14;
	s7 =	simm.s32 $0x10;
	v8 =	vld [tilespmem:s6+$0x0];
	s6 =	simm.s32 $0x200;
	v10 =	vadd.f32 v19, v62;
	v17 =	vadd.f32 v23, v63;
	v19 =	vmul.f32 v12, v12  }
.LBB2_9:
0xaa: {  	s3 =	sand.u32 $0xC00, s6  }
0xab: {  	s15 =	sand.u32 $0x380, s7;
	v20 =	vld [tilespmem:s5+$0xA000];
	v14 =	vadd.f32 v12, v14;
	v15 =	vadd.f32 v18, v15;
	v12 =	vmul.f32 v13, v13;
	s5 =	smov.u32 s9;
	s14 =	sadd.s32 $0x20, s9  }
0xac: {  	p0 =	sne.s32 s9, $0xFE0;
	s3 =	sor.u32 s15, s3;
	v11 =	vmul.f32 v11, v2;
	v18 =	vld [tilespmem:s10+$0x0];
	v17 =	vadd.f32 v19, v17;
	v16 =	vadd.f32 v13, v16  }
0xad: {  	v5 =	vadd.f32 v6, v5;
	s9 =	sand.u32 $0x60, s5;
	s10 =	sor.u32 $0x8000, s3;
	s15 =	sor.u32 $0xB000, s3;
	v9 =	vmul.f32 v9, v0;
	v13 =	vld [tilespmem:s11+$0x0];
	v10 =	vadd.f32 v12, v10  }
0xae: {  	s16 =	sor.u32 s9, s3;
	s17 =	sor.u32 $0x10, s9;
	s11 =	sor.u32 s9, s15;
	v4 =	vadd.f32 v11, v4;
	v6 =	vmul.f32 v11, v11;
	v7 =	vmul.f32 v7, v2  }
0xaf: {  	s18 =	sor.u32 $0x9000, s3;
	s0 =	sor.u32 s9, s10;
	s5 =	sor.u32 s17, s3;
	v19 =	vld [tilespmem:s16+$0x2000];
	v8 =	vmul.f32 v8, v2;
	v21 =	vmul.f32 v9, v9  }
0xb0: {  	v23 =	vmul.f32 v1, v2;
	s3 =	sor.u32 s9, s18;
	s10 =	sor.u32 s17, s10;
	s9 =	sor.u32 s17, s18;
	v22 =	vld [tilespmem:s5+$0x2000];
	v3 =	vadd.f32 v6, v3;
	v4 =	vadd.f32 v9, v4  }
.Ltmp3:
0xb1: {  	v5 =	vadd.f32 v7, v5;
	v24 =	vmul.f32 v7, v7;
	v1 =	vld [tilespmem:s11+$0x0];
	s11 =	sor.u32 s17, s15;
	v12 =	vmul.f32 v18, v0;
	(pc) =	sbr.rel @p0 .LBB2_9-.Ltmp3, $4  }
0xb2: {  	v6 =	vmul.f32 v20, v0;
	v18 =	vmul.f32 v23, v23;
	v11 =	vld [tilespmem:s3+$0x0];
	v3 =	vadd.f32 v21, v3  }
0xb3: {  	v14 =	vadd.f32 v8, v14;
	v20 =	vmul.f32 v8, v8;
	v15 =	vadd.f32 v24, v15;
	v9 =	vld [tilespmem:s9+$0x0]  }
0xb4: {  	v13 =	vmul.f32 v13, v0;
	v10 =	vadd.f32 v18, v10;
	v18 =	vmul.f32 v6, v6;
	v7 =	vld [tilespmem:s16+$0xA000];
	v2 =	vmovc v19  }
0xb5: {  	s6 =	sadd.s32 $0x100, s6;
	s7 =	sadd.s32 $0x8, s7;
	v16 =	vadd.f32 v23, v16;
	v17 =	vadd.f32 v20, v17;
	s9 =	smov.u32 s14;
	v19 =	vmul.f32 v12, v12;
	v8 =	vld [tilespmem:s0+$0x0];
	v0 =	vmovc v22  }
0xb6: {  	v20 =	vld [tilespmem:s5+$0xA000];
	s0 =	sor.u32 $0x600000, s31;
	s14 =	simm.s32 $0x0  }
0xb7: {  	v21 =	vld [tilespmem:s10+$0x0];
	s0 =	sadd.s32 s2, s0;
	s3 =	sand.u32 $0xC00, s14;
	s15 =	sand.u32 $0x380, s14  }
0xb8: {  	v22 =	vld [tilespmem:s11+$0x0];
	v12 =	vadd.f32 v12, v14;
	v14 =	vadd.f32 v18, v15;
	[tilespmem:s24], [sflag:$0x1] =	stream.strided.gather [hbm4b:s0+s22], $0x4000, s23, s22, $0x38  }
0xb9: {  	v15 =	vmul.f32 v13, v13;
	v5 =	vadd.f32 v6, v5;
	v11 =	vmul.f32 v11, v2;
	s3 =	sor.u32 s15, s3;
	_ =	swait.ge [sflag:s28], $0x4000  }
0xba: {  	v1 =	vmul.f32 v1, v2;
	v17 =	vadd.f32 v19, v17;
	v13 =	vadd.f32 v13, v16;
	s0 =	sand.u32 $0x60, s14;
	s5 =	sor.u32 $0xF000, s3;
	[sflag:s28] =	ssyncset.done $0x0  }
0xbb: {  	v9 =	vmul.f32 v9, v0;
	v4 =	vadd.f32 v11, v4;
	v6 =	vmul.f32 v11, v11;
	s7 =	sor.u32 $0x10, s0;
	s6 =	sor.u32 s0, s5;
	[sflag:s28] =	ssyncadd.s32 $0xFFFFC000  }
0xbc: {  	v10 =	vadd.f32 v15, v10;
	v7 =	vmul.f32 v7, v2;
	s9 =	sor.u32 $0x3000, s3;
	v8 =	vmul.f32 v8, v2;
	s5 =	sor.u32 s7, s5;
	v15 =	vld [tilespmem:s6+$0x0]  }
0xbd: {  	v11 =	vmul.f32 v9, v9;
	s16 =	sor.u32 s7, s9;
	v3 =	vadd.f32 v6, v3;
	v6 =	vadd.f32 v9, v4;
	v2 =	vld [tilespmem:s5+$0x0]  }
0xbe: {  	s17 =	sor.u32 $0xE000, s3;
	s9 =	sor.u32 s0, s9;
	v4 =	vadd.f32 v7, v5;
	v5 =	vmul.f32 v7, v7;
	v7 =	vmul.f32 v21, v0;
	v18 =	vld [tilespmem:s16+$0x0]  }
0xbf: {  	s18 =	sor.u32 s0, s17;
	v9 =	vmul.f32 v1, v1;
	v16 =	vld [tilespmem:s9+$0x0];
	v11 =	vadd.f32 v11, v3;
	v3 =	vmul.f32 v20, v0  }
0xc0: {  	s10 =	sor.u32 $0xD000, s3;
	v12 =	vadd.f32 v8, v12;
	v8 =	vmul.f32 v8, v8;
	s5 =	sor.u32 s7, s17;
	v5 =	vadd.f32 v5, v14;
	v14 =	vld [tilespmem:s18+$0x0]  }
0xc1: {  	s3 =	sor.u32 $0xC000, s3;
	s11 =	sor.u32 s0, s10;
	v1 =	vadd.f32 v1, v13;
	v9 =	vadd.f32 v9, v10;
	v19 =	vld [tilespmem:s5+$0x0];
	v10 =	vmul.f32 v3, v3  }
0xc2: {  	s14 =	simm.s32 $0x8;
	s15 =	simm.s32 $0x100;
	s0 =	sor.u32 s0, s3;
	v0 =	vmul.f32 v22, v0;
	v13 =	vmul.f32 v7, v7;
	v8 =	vadd.f32 v8, v17;
	v17 =	vld [tilespmem:s11+$0x0]  }
0xc3: {  	s6 =	sand.u32 $0xC00, s15;
	s5 =	sand.u32 $0x380, s14;
	v7 =	vadd.f32 v7, v12;
	v20 =	vadd.f32 v10, v5;
	v5 =	vld [tilespmem:s0+$0x0]  }
0xc4: {  	s31 =	simm.s32 $0x20;
	s16 =	sor.u32 s7, s3;
	s3 =	sor.u32 s5, s6;
	v8 =	vadd.f32 v13, v8;
	v10 =	vmul.f32 v0, v0;
	v0 =	vadd.f32 v0, v1  }
0xc5: {  	s17 =	sor.u32 s7, s10;
	s6 =	sand.u32 $0x60, s31;
	s18 =	sor.u32 $0xF000, s3;
	v1 =	vadd.f32 v3, v4;
	v3 =	vmul.f32 v15, v16;
	v12 =	vmul.f32 v14, v16;
	v14 =	vld [tilespmem:s16+$0x0]  }
0xc6: {  	v62 =	vld [tilespmem:s17+$0x0];
	s9 =	sor.u32 $0x10, s6;
	s10 =	sor.u32 $0x3000, s3;
	s5 =	sor.u32 s6, s18;
	v63 =	vmul.f32 v2, v18;
	v15 =	vmul.f32 v19, v18;
	v9 =	vadd.f32 v10, v9  }
0xc7: {  	s14 =	sor.u32 s9, s10;
	v4 =	vld [tilespmem:s5+$0x0];
	v10 =	vmul.f32 v17, v16;
	v17 =	vmul.f32 v3, v3;
	v24 =	vadd.f32 v3, v0  }
0xc8: {  	s5 =	sor.u32 s6, s10;
	v2 =	vld [tilespmem:s14+$0x0];
	v19 =	vmul.f32 v63, v63;
	v13 =	vadd.f32 v12, v1;
	v16 =	vmul.f32 v5, v16  }
0xc9: {  	s15 =	sor.u32 $0xE000, s3;
	s11 =	sor.u32 s9, s18;
	v0 =	vld [tilespmem:s5+$0x0];
	v23 =	vmul.f32 v12, v12;
	v5 =	vadd.f32 v10, v6;
	v6 =	vmul.f32 v10, v10  }
0xca: {  	s16 =	sor.u32 s6, s15;
	v1 =	vld [tilespmem:s11+$0x0];
	v3 =	vadd.f32 v15, v13;
	v14 =	vmul.f32 v14, v18;
	v13 =	vadd.f32 v16, v7  }
0xcb: {  	s17 =	sor.u32 $0xC000, s3;
	s3 =	sor.u32 $0xD000, s3;
	s0 =	sor.u32 s9, s15;
	v10 =	vld [tilespmem:s16+$0x0];
	v12 =	vmul.f32 v16, v16;
	v7 =	vadd.f32 v6, v11;
	v16 =	vadd.f32 v17, v9  }
0xcc: {  	s18 =	sor.u32 s6, s3;
	s10 =	sor.u32 s6, s17;
	s6 =	simm.s32 $0x200;
	v11 =	vmul.f32 v15, v15;
	v9 =	vld [tilespmem:s0+$0x0];
	v17 =	vadd.f32 v23, v20;
	v6 =	vadd.f32 v63, v24  }
0xcd: {  	s5 =	sor.u32 s9, s17;
	s9 =	sor.u32 s9, s3;
	s11 =	simm.s32 $0x10;
	v15 =	vadd.f32 v12, v8;
	v12 =	vmul.f32 v62, v18;
	v8 =	vld [tilespmem:s18+$0x0];
	v18 =	vmul.f32 v14, v14  }
.LBB2_11:
0xce: {  	s7 =	smov.u32 s11  }
0xcf: {  	s0 =	sand.u32 $0xC00, s6;
	s3 =	sand.u32 $0x380, s11;
	v20 =	vld [tilespmem:s10+$0x0];
	v13 =	vadd.f32 v14, v13;
	v14 =	vmul.f32 v12, v12;
	v16 =	vadd.f32 v19, v16;
	v19 =	vmovc v2;
	s7 =	sadd.s32 $0x8, s11  }
0xd0: {  	p0 =	sne.s32 s11, $0x3F8;
	s31 =	sadd.s32 $0x20, s31;
	s0 =	sor.u32 s3, s0;
	v2 =	vmul.f32 v4, v0;
	v15 =	vadd.f32 v18, v15;
	v17 =	vadd.f32 v11, v17;
	v21 =	vld [tilespmem:s9+$0x0]  }
0xd1: {  	v5 =	vadd.f32 v12, v5;
	s3 =	sand.u32 $0x60, s31;
	s9 =	sor.u32 $0xC000, s0;
	s10 =	sor.u32 $0xF000, s0;
	v10 =	vmul.f32 v10, v0;
	v7 =	vadd.f32 v14, v7;
	v11 =	vld [tilespmem:s5+$0x0]  }
0xd2: {  	v22 =	vmul.f32 v1, v19;
	s11 =	sor.u32 $0x3000, s0;
	s14 =	sor.u32 $0x10, s3;
	s5 =	sor.u32 s3, s10;
	v9 =	vmul.f32 v9, v19  }
0xd3: {  	s15 =	sor.u32 $0xD000, s0;
	s10 =	sor.u32 s14, s10;
	v12 =	vmul.f32 v2, v2;
	v8 =	vmul.f32 v8, v0;
	v3 =	vadd.f32 v10, v3;
	v4 =	vld [tilespmem:s5+$0x0];
	s5 =	sor.u32 s14, s9  }
0xd4: {  	s0 =	sor.u32 $0xE000, s0;
	s16 =	sor.u32 s3, s15;
	s17 =	sor.u32 s14, s11;
	v6 =	vadd.f32 v2, v6;
	v18 =	vmul.f32 v10, v10;
	v14 =	vmul.f32 v20, v0;
	v1 =	vld [tilespmem:s10+$0x0]  }
.Ltmp4:
0xd5: {  	s10 =	sor.u32 s3, s11;
	s11 =	sor.u32 s3, s0;
	v5 =	vadd.f32 v8, v5;
	v8 =	vmul.f32 v8, v8;
	v3 =	vadd.f32 v9, v3;
	v2 =	vld [tilespmem:s17+$0x0];
	(pc) =	sbr.rel @p0 .LBB2_11-.Ltmp4, $4  }
0xd6: {  	s0 =	sor.u32 s14, s0;
	v13 =	vadd.f32 v14, v13;
	v20 =	vmul.f32 v14, v14;
	v0 =	vld [tilespmem:s10+$0x0];
	s10 =	sor.u32 s3, s9;
	s9 =	sor.u32 s14, s15;
	v14 =	vmul.f32 v11, v19  }
0xd7: {  	v16 =	vadd.f32 v12, v16;
	v7 =	vadd.f32 v8, v7;
	v11 =	vmul.f32 v9, v9;
	v10 =	vld [tilespmem:s11+$0x0]  }
0xd8: {  	v12 =	vmul.f32 v21, v19;
	v19 =	vmul.f32 v22, v22;
	v15 =	vadd.f32 v20, v15;
	v9 =	vld [tilespmem:s0+$0x0]  }
0xd9: {  	s6 =	sadd.s32 $0x100, s6;
	v6 =	vadd.f32 v22, v6;
	v17 =	vadd.f32 v18, v17;
	s11 =	smov.u32 s7;
	v18 =	vmul.f32 v14, v14;
	v8 =	vld [tilespmem:s16+$0x0]  }
0xda: {  	v20 =	vld [tilespmem:s10+$0x0];
	s0 =	sor.u32 $0x600000, s30;
	s17 =	simm.s32 $0x0  }
0xdb: {  	v21 =	vld [tilespmem:s9+$0x0];
	s0 =	sadd.s32 s2, s0;
	s3 =	sand.u32 $0xC00, s17;
	s18 =	sand.u32 $0x380, s17  }
0xdc: {  	v22 =	vld [tilespmem:s5+$0x0];
	v13 =	vadd.f32 v14, v13;
	v14 =	vadd.f32 v19, v16;
	[tilespmem:s25], [sflag:$0x2] =	stream.strided.gather [hbm4b:s0+s22], $0x4000, s23, s22, $0x38  }
0xdd: {  	v16 =	vmul.f32 v12, v12;
	v5 =	vadd.f32 v12, v5;
	v1 =	vmul.f32 v1, v2;
	s3 =	sor.u32 s18, s3;
	_ =	swait.ge [sflag:s26], $0x4000  }
0xde: {  	v4 =	vmul.f32 v4, v0;
	v15 =	vadd.f32 v18, v15;
	v11 =	vadd.f32 v11, v17;
	s0 =	sand.u32 $0x60, s17;
	s5 =	sor.u32 $0xB000, s3;
	[sflag:s26] =	ssyncset.done $0x0  }
0xdf: {  	v10 =	vmul.f32 v10, v0;
	v7 =	vadd.f32 v16, v7;
	v9 =	vmul.f32 v9, v2;
	s7 =	sor.u32 $0x10, s0;
	s6 =	sor.u32 s0, s5;
	[sflag:s26] =	ssyncadd.s32 $0xFFFFC000  }
0xe0: {  	v12 =	vmul.f32 v4, v4;
	s31 =	sor.u32 $0x4000, s3;
	v4 =	vadd.f32 v4, v6;
	v8 =	vmul.f32 v8, v0;
	s5 =	sor.u32 s7, s5;
	v16 =	vld [tilespmem:s6+$0x0]  }
0xe1: {  	v3 =	vadd.f32 v10, v3;
	v10 =	vmul.f32 v10, v10;
	s10 =	sor.u32 s7, s31;
	v0 =	vmul.f32 v20, v0;
	v6 =	vld [tilespmem:s5+$0x0]  }
0xe2: {  	s11 =	sor.u32 $0xA000, s3;
	s9 =	sor.u32 s0, s31;
	v20 =	vadd.f32 v1, v4;
	v5 =	vadd.f32 v8, v5;
	v8 =	vmul.f32 v8, v8;
	v17 =	vld [tilespmem:s10+$0x0]  }
0xe3: {  	s15 =	sor.u32 $0x9000, s3;
	s14 =	sor.u32 s0, s11;
	v18 =	vmul.f32 v22, v2;
	v3 =	vadd.f32 v9, v3;
	v19 =	vld [tilespmem:s9+$0x0];
	v13 =	vadd.f32 v0, v13  }
0xe4: {  	s16 =	sor.u32 s0, s15;
	v0 =	vmul.f32 v0, v0;
	v7 =	vadd.f32 v8, v7;
	v8 =	vadd.f32 v12, v14;
	v12 =	vld [tilespmem:s14+$0x0]  }
0xe5: {  	s3 =	sor.u32 $0x8000, s3;
	v9 =	vmul.f32 v9, v9;
	s5 =	sor.u32 s7, s11;
	v10 =	vadd.f32 v10, v11;
	v14 =	vmul.f32 v1, v1;
	v1 =	vld [tilespmem:s16+$0x0]  }
0xe6: {  	s17 =	simm.s32 $0x100;
	s18 =	simm.s32 $0x8;
	s0 =	sor.u32 s0, s3;
	v2 =	vmul.f32 v21, v2;
	v11 =	vmul.f32 v18, v18;
	v0 =	vadd.f32 v0, v15;
	v15 =	vld [tilespmem:s5+$0x0]  }
0xe7: {  	s6 =	sand.u32 $0x380, s18;
	v62 =	vadd.f32 v9, v10;
	s5 =	sand.u32 $0xC00, s17;
	v8 =	vadd.f32 v14, v8;
	v14 =	vld [tilespmem:s0+$0x0]  }
0xe8: {  	s31 =	simm.s32 $0x20;
	s3 =	sor.u32 s7, s3;
	v4 =	vmul.f32 v2, v2;
	v13 =	vadd.f32 v18, v13;
	s5 =	sor.u32 s6, s5;
	v18 =	vadd.f32 v11, v0  }
0xe9: {  	s7 =	sor.u32 s7, s15;
	v9 =	vld [tilespmem:s3+$0x0];
	s0 =	sand.u32 $0x60, s31;
	v0 =	vadd.f32 v2, v5;
	v2 =	vmul.f32 v16, v19;
	s9 =	sor.u32 $0xB000, s5;
	v5 =	vmul.f32 v12, v19  }
0xea: {  	v7 =	vadd.f32 v4, v7;
	s6 =	sor.u32 $0x10, s0;
	v6 =	vmul.f32 v6, v17;
	s10 =	sor.u32 s0, s9;
	v12 =	vld [tilespmem:s7+$0x0];
	v10 =	vmul.f32 v1, v19  }
0xeb: {  	s11 =	sor.u32 $0x4000, s5;
	s14 =	sor.u32 s6, s9;
	v4 =	vld [tilespmem:s10+$0x0];
	v11 =	vmul.f32 v15, v17;
	v15 =	vmul.f32 v2, v2;
	v3 =	vadd.f32 v5, v3  }
0xec: {  	s15 =	sor.u32 s6, s11;
	v1 =	vld [tilespmem:s14+$0x0];
	v20 =	vadd.f32 v2, v20;
	v14 =	vmul.f32 v14, v19;
	v63 =	vmul.f32 v5, v5  }
0xed: {  	s16 =	sor.u32 $0xA000, s5;
	s9 =	sor.u32 s0, s11;
	v2 =	vld [tilespmem:s15+$0x0];
	v5 =	vadd.f32 v10, v0;
	v16 =	vmul.f32 v10, v10;
	v3 =	vadd.f32 v11, v3  }
0xee: {  	s30 =	simm.s32 $0x200;
	s17 =	sor.u32 s0, s16;
	v0 =	vld [tilespmem:s9+$0x0];
	v13 =	vadd.f32 v14, v13;
	v19 =	vmul.f32 v14, v14;
	v14 =	vmul.f32 v9, v17  }
0xef: {  	s18 =	sor.u32 $0x8000, s5;
	s3 =	sor.u32 s6, s16;
	s14 =	sor.u32 $0x9000, s5;
	v10 =	vld [tilespmem:s17+$0x0];
	v7 =	vadd.f32 v16, v7;
	v16 =	vadd.f32 v15, v8;
	v11 =	vmul.f32 v11, v11  }
0xf0: {  	s11 =	simm.s32 $0x40;
	s5 =	sor.u32 s6, s18;
	s31 =	sor.u32 s0, s14;
	v9 =	vld [tilespmem:s3+$0x0];
	v12 =	vmul.f32 v12, v17;
	v17 =	vadd.f32 v63, v62;
	v15 =	vadd.f32 v19, v18  }
0xf1: {  	s10 =	sor.u32 s0, s18;
	s9 =	sor.u32 s6, s14;
	s6 =	simm.s32 $0x10;
	v8 =	vld [tilespmem:s31+$0x0];
	v19 =	vmul.f32 v6, v6;
	v18 =	vmul.f32 v14, v14;
	v6 =	vadd.f32 v6, v20  }
.LBB2_13:
0xf2: {  	s0 =	sand.u32 $0xC00, s30  }
0xf3: {  	s3 =	sand.u32 $0x380, s6;
	v20 =	vld [tilespmem:s10+$0x0];
	v13 =	vadd.f32 v14, v13;
	v14 =	vmul.f32 v12, v12;
	v16 =	vadd.f32 v19, v16;
	v19 =	vmovc v2;
	s10 =	smov.u32 s11;
	s7 =	sadd.s32 $0x20, s11  }
0xf4: {  	p0 =	sne.s32 s11, $0xFE0;
	s0 =	sor.u32 s3, s0;
	v2 =	vmul.f32 v4, v0;
	v21 =	vld [tilespmem:s9+$0x0];
	v15 =	vadd.f32 v18, v15;
	v17 =	vadd.f32 v11, v17  }
0xf5: {  	v5 =	vadd.f32 v12, v5;
	s3 =	sand.u32 $0x60, s10;
	s9 =	sor.u32 $0x8000, s0;
	s10 =	sor.u32 $0xB000, s0;
	v10 =	vmul.f32 v10, v0;
	v11 =	vld [tilespmem:s5+$0x0];
	v7 =	vadd.f32 v14, v7  }
0xf6: {  	v22 =	vmul.f32 v1, v19;
	s11 =	sor.u32 $0x4000, s0;
	s14 =	sor.u32 $0x10, s3;
	s5 =	sor.u32 s3, s10;
	v9 =	vmul.f32 v9, v19  }
0xf7: {  	s15 =	sor.u32 $0x9000, s0;
	s10 =	sor.u32 s14, s10;
	v12 =	vmul.f32 v2, v2;
	v4 =	vld [tilespmem:s5+$0x0];
	s5 =	sor.u32 s14, s9;
	v8 =	vmul.f32 v8, v0;
	v3 =	vadd.f32 v10, v3  }
0xf8: {  	s0 =	sor.u32 $0xA000, s0;
	s16 =	sor.u32 s3, s15;
	s17 =	sor.u32 s14, s11;
	v6 =	vadd.f32 v2, v6;
	v18 =	vmul.f32 v10, v10;
	v1 =	vld [tilespmem:s10+$0x0];
	v14 =	vmul.f32 v20, v0  }
.Ltmp5:
0xf9: {  	s10 =	sor.u32 s3, s11;
	s11 =	sor.u32 s3, s0;
	v2 =	vld [tilespmem:s17+$0x0];
	v5 =	vadd.f32 v8, v5;
	v8 =	vmul.f32 v8, v8;
	v3 =	vadd.f32 v9, v3;
	(pc) =	sbr.rel @p0 .LBB2_13-.Ltmp5, $4  }
0xfa: {  	s0 =	sor.u32 s14, s0;
	v0 =	vld [tilespmem:s10+$0x0];
	s10 =	sor.u32 s3, s9;
	s9 =	sor.u32 s14, s15;
	v13 =	vadd.f32 v14, v13;
	v20 =	vmul.f32 v14, v14;
	v14 =	vmul.f32 v11, v19  }
0xfb: {  	v16 =	vadd.f32 v12, v16;
	v11 =	vmul.f32 v9, v9;
	v10 =	vld [tilespmem:s11+$0x0];
	v7 =	vadd.f32 v8, v7  }
0xfc: {  	v12 =	vmul.f32 v21, v19;
	v19 =	vmul.f32 v22, v22;
	v9 =	vld [tilespmem:s0+$0x0];
	v15 =	vadd.f32 v20, v15  }
0xfd: {  	s30 =	sadd.s32 $0x100, s30;
	s6 =	sadd.s32 $0x8, s6;
	v6 =	vadd.f32 v22, v6;
	v17 =	vadd.f32 v18, v17;
	s11 =	smov.u32 s7;
	v18 =	vmul.f32 v14, v14;
	v8 =	vld [tilespmem:s16+$0x0]  }
0xfe: {  	v20 =	vld [tilespmem:s10+$0x0]  }
0xff: {  	v21 =	vld [tilespmem:s9+$0x0];
	s0 =	sadd.s32 $0x900000, s29;
	s18 =	simm.s32 $0x0  }
0x100: {  	v22 =	vld [tilespmem:s5+$0x0];
	[tilespmem:s24], [sflag:$0x1] =	stream.strided.gather [hbm4b:s0+s22], $0x4000, s23, s22, $0x38  }
0x101: {  	v13 =	vadd.f32 v14, v13;
	v14 =	vadd.f32 v19, v16;
	s3 =	sand.u32 $0xC00, s18;
	s30 =	sand.u32 $0x380, s18  }
0x102: {  	v16 =	vmul.f32 v12, v12;
	v5 =	vadd.f32 v12, v5;
	v1 =	vmul.f32 v1, v2;
	_ =	swait.ge [sflag:s28], $0x4000;
	s3 =	sor.u32 s30, s3  }
0x103: {  	v4 =	vmul.f32 v4, v0;
	v15 =	vadd.f32 v18, v15;
	v11 =	vadd.f32 v11, v17;
	s0 =	sand.u32 $0x60, s18;
	[sflag:s28] =	ssyncset.done $0x0;
	s5 =	sor.u32 $0xF000, s3  }
0x104: {  	v10 =	vmul.f32 v10, v0;
	v7 =	vadd.f32 v16, v7;
	s7 =	sor.u32 $0x10, s0;
	v9 =	vmul.f32 v9, v2;
	[sflag:s28] =	ssyncadd.s32 $0xFFFFC000;
	s6 =	sor.u32 s0, s5  }
0x105: {  	v12 =	vmul.f32 v4, v4;
	s31 =	sor.u32 $0x5000, s3;
	v4 =	vadd.f32 v4, v6;
	v8 =	vmul.f32 v8, v0;
	s5 =	sor.u32 s7, s5;
	v16 =	vld [tilespmem:s6+$0x0]  }
0x106: {  	v3 =	vadd.f32 v10, v3;
	v10 =	vmul.f32 v10, v10;
	s10 =	sor.u32 s7, s31;
	v0 =	vmul.f32 v20, v0;
	v6 =	vld [tilespmem:s5+$0x0]  }
0x107: {  	s11 =	sor.u32 $0xE000, s3;
	s9 =	sor.u32 s0, s31;
	v17 =	vld [tilespmem:s10+$0x0];
	v20 =	vadd.f32 v1, v4;
	v5 =	vadd.f32 v8, v5;
	v8 =	vmul.f32 v8, v8  }
0x108: {  	s15 =	sor.u32 $0xD000, s3;
	s14 =	sor.u32 s0, s11;
	v18 =	vmul.f32 v22, v2;
	v19 =	vld [tilespmem:s9+$0x0];
	v3 =	vadd.f32 v9, v3;
	v13 =	vadd.f32 v0, v13  }
0x109: {  	s16 =	sor.u32 s0, s15;
	v0 =	vmul.f32 v0, v0;
	v7 =	vadd.f32 v8, v7;
	v8 =	vadd.f32 v12, v14;
	v12 =	vld [tilespmem:s14+$0x0]  }
0x10a: {  	s3 =	sor.u32 $0xC000, s3;
	s5 =	sor.u32 s7, s11;
	v9 =	vmul.f32 v9, v9;
	v10 =	vadd.f32 v10, v11;
	v14 =	vmul.f32 v1, v1;
	v1 =	vld [tilespmem:s16+$0x0]  }
0x10b: {  	s17 =	simm.s32 $0x8;
	s18 =	simm.s32 $0x100;
	s0 =	sor.u32 s0, s3;
	v2 =	vmul.f32 v21, v2;
	v11 =	vmul.f32 v18, v18;
	v0 =	vadd.f32 v0, v15;
	v15 =	vld [tilespmem:s5+$0x0]  }
0x10c: {  	s6 =	sand.u32 $0xC00, s18;
	v62 =	vadd.f32 v9, v10;
	s5 =	sand.u32 $0x380, s17;
	v8 =	vadd.f32 v14, v8;
	v14 =	vld [tilespmem:s0+$0x0]  }
0x10d: {  	s29 =	simm.s32 $0x20;
	s30 =	sor.u32 s7, s3;
	v4 =	vmul.f32 v2, v2;
	v13 =	vadd.f32 v18, v13;
	s31 =	sor.u32 s5, s6;
	v18 =	vadd.f32 v11, v0  }
0x10e: {  	s9 =	sor.u32 s7, s15;
	v9 =	vld [tilespmem:s30+$0x0];
	s6 =	sand.u32 $0x60, s29;
	v0 =	vadd.f32 v2, v5;
	v2 =	vmul.f32 v16, v19;
	s10 =	sor.u32 $0xF000, s31;
	v5 =	vmul.f32 v12, v19  }
0x10f: {  	v7 =	vadd.f32 v4, v7;
	v6 =	vmul.f32 v6, v17;
	s11 =	sor.u32 s6, s10;
	v12 =	vld [tilespmem:s9+$0x0];
	s9 =	sor.u32 $0x10, s6;
	v10 =	vmul.f32 v1, v19  }
0x110: {  	s14 =	sor.u32 $0x5000, s31;
	v4 =	vld [tilespmem:s11+$0x0];
	v11 =	vmul.f32 v15, v17;
	s15 =	sor.u32 s9, s10;
	v15 =	vmul.f32 v2, v2;
	v3 =	vadd.f32 v5, v3  }
0x111: {  	v20 =	vadd.f32 v2, v20;
	s16 =	sor.u32 s9, s14;
	v1 =	vld [tilespmem:s15+$0x0];
	v14 =	vmul.f32 v14, v19;
	v63 =	vmul.f32 v5, v5  }
0x112: {  	s17 =	sor.u32 $0xE000, s31;
	s5 =	sor.u32 s6, s14;
	v2 =	vld [tilespmem:s16+$0x0];
	v5 =	vadd.f32 v10, v0;
	v16 =	vmul.f32 v10, v10;
	v3 =	vadd.f32 v11, v3  }
0x113: {  	s18 =	sor.u32 s6, s17;
	v0 =	vld [tilespmem:s5+$0x0];
	v13 =	vadd.f32 v14, v13;
	v19 =	vmul.f32 v14, v14;
	v14 =	vmul.f32 v9, v17  }
0x114: {  	s30 =	sor.u32 $0xC000, s31;
	s3 =	sor.u32 $0xD000, s31;
	s0 =	sor.u32 s9, s17;
	v10 =	vld [tilespmem:s18+$0x0];
	v7 =	vadd.f32 v16, v7;
	v16 =	vadd.f32 v15, v8;
	v11 =	vmul.f32 v11, v11  }
0x115: {  	s31 =	sor.u32 s6, s3;
	s11 =	simm.s32 $0x10;
	s10 =	sor.u32 s6, s30;
	v9 =	vld [tilespmem:s0+$0x0];
	v12 =	vmul.f32 v12, v17;
	v17 =	vadd.f32 v63, v62;
	v15 =	vadd.f32 v19, v18  }
0x116: {  	s6 =	simm.s32 $0x200;
	s5 =	sor.u32 s9, s30;
	s9 =	sor.u32 s9, s3;
	v8 =	vld [tilespmem:s31+$0x0];
	v19 =	vmul.f32 v6, v6;
	v18 =	vmul.f32 v14, v14;
	v6 =	vadd.f32 v6, v20  }
.LBB2_15:
0x117: {  	s7 =	smov.u32 s11  }
0x118: {  	s0 =	sand.u32 $0xC00, s6;
	s3 =	sand.u32 $0x380, s11;
	v20 =	vld [tilespmem:s10+$0x0];
	v13 =	vadd.f32 v14, v13;
	v14 =	vmul.f32 v12, v12;
	v16 =	vadd.f32 v19, v16;
	v19 =	vmovc v2;
	s7 =	sadd.s32 $0x8, s11  }
0x119: {  	p0 =	sne.s32 s11, $0x3F8;
	s29 =	sadd.s32 $0x20, s29;
	s0 =	sor.u32 s3, s0;
	v2 =	vmul.f32 v4, v0;
	v15 =	vadd.f32 v18, v15;
	v17 =	vadd.f32 v11, v17;
	v21 =	vld [tilespmem:s9+$0x0]  }
0x11a: {  	v5 =	vadd.f32 v12, v5;
	s3 =	sand.u32 $0x60, s29;
	s9 =	sor.u32 $0xC000, s0;
	s10 =	sor.u32 $0xF000, s0;
	v10 =	vmul.f32 v10, v0;
	v7 =	vadd.f32 v14, v7;
	v11 =	vld [tilespmem:s5+$0x0]  }
0x11b: {  	v22 =	vmul.f32 v1, v19;
	s11 =	sor.u32 $0x5000, s0;
	s14 =	sor.u32 $0x10, s3;
	s5 =	sor.u32 s3, s10;
	v9 =	vmul.f32 v9, v19  }
0x11c: {  	s15 =	sor.u32 $0xD000, s0;
	s10 =	sor.u32 s14, s10;
	v12 =	vmul.f32 v2, v2;
	v8 =	vmul.f32 v8, v0;
	v3 =	vadd.f32 v10, v3;
	v4 =	vld [tilespmem:s5+$0x0];
	s5 =	sor.u32 s14, s9  }
0x11d: {  	s0 =	sor.u32 $0xE000, s0;
	s16 =	sor.u32 s3, s15;
	s17 =	sor.u32 s14, s11;
	v6 =	vadd.f32 v2, v6;
	v18 =	vmul.f32 v10, v10;
	v14 =	vmul.f32 v20, v0;
	v1 =	vld [tilespmem:s10+$0x0]  }
.Ltmp6:
0x11e: {  	s10 =	sor.u32 s3, s11;
	s11 =	sor.u32 s3, s0;
	v5 =	vadd.f32 v8, v5;
	v8 =	vmul.f32 v8, v8;
	v3 =	vadd.f32 v9, v3;
	v2 =	vld [tilespmem:s17+$0x0];
	(pc) =	sbr.rel @p0 .LBB2_15-.Ltmp6, $4  }
0x11f: {  	s0 =	sor.u32 s14, s0;
	v13 =	vadd.f32 v14, v13;
	v20 =	vmul.f32 v14, v14;
	v0 =	vld [tilespmem:s10+$0x0];
	s10 =	sor.u32 s3, s9;
	s9 =	sor.u32 s14, s15;
	v14 =	vmul.f32 v11, v19  }
0x120: {  	v16 =	vadd.f32 v12, v16;
	v7 =	vadd.f32 v8, v7;
	v11 =	vmul.f32 v9, v9;
	v10 =	vld [tilespmem:s11+$0x0]  }
0x121: {  	v12 =	vmul.f32 v21, v19;
	v19 =	vmul.f32 v22, v22;
	v15 =	vadd.f32 v20, v15;
	v9 =	vld [tilespmem:s0+$0x0]  }
0x122: {  	s6 =	sadd.s32 $0x100, s6;
	v6 =	vadd.f32 v22, v6;
	v17 =	vadd.f32 v18, v17;
	s11 =	smov.u32 s7;
	v18 =	vmul.f32 v14, v14;
	v8 =	vld [tilespmem:s16+$0x0]  }
0x123: {  	v20 =	vld [tilespmem:s10+$0x0]  }
0x124: {  	v21 =	vld [tilespmem:s9+$0x0];
	s0 =	sadd.s32 $0x900000, s21;
	s10 =	simm.s32 $0x0  }
0x125: {  	v22 =	vld [tilespmem:s5+$0x0];
	[tilespmem:s25], [sflag:$0x2] =	stream.strided.gather [hbm4b:s0+s22], $0x4000, s23, s22, $0x38  }
0x126: {  	v13 =	vadd.f32 v14, v13;
	v14 =	vadd.f32 v19, v16;
	s3 =	sand.u32 $0xC00, s10;
	s11 =	sand.u32 $0x380, s10  }
0x127: {  	v16 =	vmul.f32 v12, v12;
	v5 =	vadd.f32 v12, v5;
	v1 =	vmul.f32 v1, v2;
	_ =	swait.ge [sflag:s26], $0x4000;
	s3 =	sor.u32 s11, s3  }
0x128: {  	v4 =	vmul.f32 v4, v0;
	v15 =	vadd.f32 v18, v15;
	v11 =	vadd.f32 v11, v17;
	s0 =	sand.u32 $0x60, s10;
	[sflag:s26] =	ssyncset.done $0x0;
	s5 =	sor.u32 $0xB000, s3  }
0x129: {  	v10 =	vmul.f32 v10, v0;
	v7 =	vadd.f32 v16, v7;
	s7 =	sor.u32 $0x10, s0;
	v9 =	vmul.f32 v9, v2;
	[sflag:s26] =	ssyncadd.s32 $0xFFFFC000;
	s6 =	sor.u32 s0, s5  }
0x12a: {  	v12 =	vmul.f32 v4, v4;
	s14 =	sor.u32 $0x6000, s3;
	v4 =	vadd.f32 v4, v6;
	v8 =	vmul.f32 v8, v0;
	s5 =	sor.u32 s7, s5;
	v16 =	vld [tilespmem:s6+$0x0]  }
0x12b: {  	v3 =	vadd.f32 v10, v3;
	v10 =	vmul.f32 v10, v10;
	s15 =	sor.u32 s7, s14;
	v0 =	vmul.f32 v20, v0;
	v6 =	vld [tilespmem:s5+$0x0]  }
0x12c: {  	s16 =	sor.u32 $0xA000, s3;
	s9 =	sor.u32 s0, s14;
	v17 =	vld [tilespmem:s15+$0x0];
	v20 =	vadd.f32 v1, v4;
	v5 =	vadd.f32 v8, v5;
	v8 =	vmul.f32 v8, v8  }
0x12d: {  	s18 =	sor.u32 $0x9000, s3;
	s17 =	sor.u32 s0, s16;
	v18 =	vmul.f32 v22, v2;
	v19 =	vld [tilespmem:s9+$0x0];
	v3 =	vadd.f32 v9, v3;
	v13 =	vadd.f32 v0, v13  }
0x12e: {  	s21 =	sor.u32 s0, s18;
	v0 =	vmul.f32 v0, v0;
	v7 =	vadd.f32 v8, v7;
	v8 =	vadd.f32 v12, v14;
	v12 =	vld [tilespmem:s17+$0x0]  }
0x12f: {  	s3 =	sor.u32 $0x8000, s3;
	s5 =	sor.u32 s7, s16;
	v9 =	vmul.f32 v9, v9;
	v10 =	vadd.f32 v10, v11;
	v14 =	vmul.f32 v1, v1;
	v1 =	vld [tilespmem:s21+$0x0]  }
0x130: {  	s29 =	simm.s32 $0x100;
	s30 =	simm.s32 $0x8;
	s0 =	sor.u32 s0, s3;
	v2 =	vmul.f32 v21, v2;
	v11 =	vmul.f32 v18, v18;
	v0 =	vadd.f32 v0, v15;
	v15 =	vld [tilespmem:s5+$0x0]  }
0x131: {  	s6 =	sand.u32 $0x380, s30;
	v62 =	vadd.f32 v9, v10;
	s5 =	sand.u32 $0xC00, s29;
	v8 =	vadd.f32 v14, v8;
	v14 =	vld [tilespmem:s0+$0x0]  }
0x132: {  	s31 =	simm.s32 $0x20;
	s3 =	sor.u32 s7, s3;
	v4 =	vmul.f32 v2, v2;
	v13 =	vadd.f32 v18, v13;
	s5 =	sor.u32 s6, s5;
	v18 =	vadd.f32 v11, v0  }
0x133: {  	s10 =	sor.u32 s7, s18;
	v9 =	vld [tilespmem:s3+$0x0];
	s0 =	sand.u32 $0x60, s31;
	v0 =	vadd.f32 v2, v5;
	v2 =	vmul.f32 v16, v19;
	s11 =	sor.u32 $0xB000, s5;
	v5 =	vmul.f32 v12, v19  }
0x134: {  	v7 =	vadd.f32 v4, v7;
	v6 =	vmul.f32 v6, v17;
	s15 =	sor.u32 $0x10, s0;
	s14 =	sor.u32 s0, s11;
	v12 =	vld [tilespmem:s10+$0x0];
	v10 =	vmul.f32 v1, v19  }
0x135: {  	s16 =	sor.u32 $0x6000, s5;
	s17 =	sor.u32 s15, s11;
	v4 =	vld [tilespmem:s14+$0x0];
	v11 =	vmul.f32 v15, v17;
	v15 =	vmul.f32 v2, v2;
	v3 =	vadd.f32 v5, v3  }
0x136: {  	s18 =	sor.u32 s15, s16;
	v1 =	vld [tilespmem:s17+$0x0];
	v20 =	vadd.f32 v2, v20;
	v14 =	vmul.f32 v14, v19;
	v63 =	vmul.f32 v5, v5  }
0x137: {  	s21 =	sor.u32 $0xA000, s5;
	s9 =	sor.u32 s0, s16;
	v2 =	vld [tilespmem:s18+$0x0];
	v5 =	vadd.f32 v10, v0;
	v16 =	vmul.f32 v10, v10;
	v3 =	vadd.f32 v11, v3  }
0x138: {  	s6 =	simm.s32 $0x10;
	s29 =	sor.u32 s0, s21;
	v0 =	vld [tilespmem:s9+$0x0];
	v13 =	vadd.f32 v14, v13;
	v19 =	vmul.f32 v14, v14;
	v14 =	vmul.f32 v9, v17  }
0x139: {  	s30 =	sor.u32 $0x8000, s5;
	s5 =	sor.u32 $0x9000, s5;
	s3 =	sor.u32 s15, s21;
	v10 =	vld [tilespmem:s29+$0x0];
	v7 =	vadd.f32 v16, v7;
	v16 =	vadd.f32 v15, v8;
	v11 =	vmul.f32 v11, v11  }
0x13a: {  	s11 =	simm.s32 $0x40;
	s21 =	sor.u32 s15, s30;
	s31 =	sor.u32 s0, s5;
	v9 =	vld [tilespmem:s3+$0x0];
	v12 =	vmul.f32 v12, v17;
	v17 =	vadd.f32 v63, v62;
	v15 =	vadd.f32 v19, v18  }
0x13b: {  	s10 =	sor.u32 s0, s30;
	s9 =	sor.u32 s15, s5;
	s5 =	simm.s32 $0x200;
	v8 =	vld [tilespmem:s31+$0x0];
	v19 =	vmul.f32 v6, v6;
	v18 =	vmul.f32 v14, v14;
	v6 =	vadd.f32 v6, v20  }
.LBB2_17:
0x13c: {  	s0 =	sand.u32 $0xC00, s5  }
0x13d: {  	s3 =	sand.u32 $0x380, s6;
	v20 =	vld [tilespmem:s10+$0x0];
	v13 =	vadd.f32 v14, v13;
	v14 =	vmul.f32 v12, v12;
	v16 =	vadd.f32 v19, v16;
	v19 =	vmovc v2;
	s10 =	smov.u32 s11;
	s7 =	sadd.s32 $0x20, s11  }
0x13e: {  	p0 =	sne.s32 s11, $0xFE0;
	s0 =	sor.u32 s3, s0;
	v2 =	vmul.f32 v4, v0;
	v21 =	vld [tilespmem:s9+$0x0];
	v15 =	vadd.f32 v18, v15;
	v17 =	vadd.f32 v11, v17  }
0x13f: {  	v5 =	vadd.f32 v12, v5;
	s3 =	sand.u32 $0x60, s10;
	s9 =	sor.u32 $0x8000, s0;
	s10 =	sor.u32 $0xB000, s0;
	v10 =	vmul.f32 v10, v0;
	v11 =	vld [tilespmem:s21+$0x0];
	v7 =	vadd.f32 v14, v7  }
0x140: {  	v22 =	vmul.f32 v1, v19;
	s11 =	sor.u32 $0x6000, s0;
	s15 =	sor.u32 $0x10, s3;
	s14 =	sor.u32 s3, s10;
	v9 =	vmul.f32 v9, v19  }
0x141: {  	s16 =	sor.u32 $0x9000, s0;
	s21 =	sor.u32 s15, s9;
	s10 =	sor.u32 s15, s10;
	v12 =	vmul.f32 v2, v2;
	v4 =	vld [tilespmem:s14+$0x0];
	v8 =	vmul.f32 v8, v0;
	v3 =	vadd.f32 v10, v3  }
0x142: {  	s0 =	sor.u32 $0xA000, s0;
	s17 =	sor.u32 s15, s11;
	v6 =	vadd.f32 v2, v6;
	s14 =	sor.u32 s3, s16;
	v18 =	vmul.f32 v10, v10;
	v1 =	vld [tilespmem:s10+$0x0];
	v14 =	vmul.f32 v20, v0  }
.Ltmp7:
0x143: {  	s10 =	sor.u32 s3, s11;
	s11 =	sor.u32 s3, s0;
	v2 =	vld [tilespmem:s17+$0x0];
	v5 =	vadd.f32 v8, v5;
	v8 =	vmul.f32 v8, v8;
	v3 =	vadd.f32 v9, v3;
	(pc) =	sbr.rel @p0 .LBB2_17-.Ltmp7, $4  }
0x144: {  	s0 =	sor.u32 s15, s0;
	v0 =	vld [tilespmem:s10+$0x0];
	s10 =	sor.u32 s3, s9;
	s9 =	sor.u32 s15, s16;
	v13 =	vadd.f32 v14, v13;
	v20 =	vmul.f32 v14, v14;
	v14 =	vmul.f32 v11, v19  }
0x145: {  	v16 =	vadd.f32 v12, v16;
	v11 =	vmul.f32 v9, v9;
	v10 =	vld [tilespmem:s11+$0x0];
	v7 =	vadd.f32 v8, v7  }
0x146: {  	v12 =	vmul.f32 v21, v19;
	v19 =	vmul.f32 v22, v22;
	v9 =	vld [tilespmem:s0+$0x0];
	v15 =	vadd.f32 v20, v15  }
0x147: {  	s5 =	sadd.s32 $0x100, s5;
	s6 =	sadd.s32 $0x8, s6;
	v6 =	vadd.f32 v22, v6;
	v17 =	vadd.f32 v18, v17;
	s11 =	smov.u32 s7;
	v18 =	vmul.f32 v14, v14;
	v8 =	vld [tilespmem:s14+$0x0]  }
0x148: {  	p0 =	seq.s32 s19, $0x9  }
0x149: {  	s7 =	simm.s32 $0x0;
	s0 =	sadd.s32 @!p0 s12, s20;
	s3 =	simm.s32 @!p0 $0x1000  }
0x14a: {  	v20 =	vld [tilespmem:s10+$0x0];
	s5 =	simm.s32 @!p0 $0x40000;
	s6 =	simm.s32 @!p0 $0x8000;
	s0 =	sshrl.u32 @!p0 s0, $0x3  }
0x14b: {  	v21 =	vld [tilespmem:s9+$0x0];
	s9 =	sand.u32 $0xC00, s7;
	s10 =	sand.u32 $0x380, s7;
	s0 =	sadd.s32 @!p0 s2, s0  }
0x14c: {  	v22 =	vld [tilespmem:s21+$0x0];
	v13 =	vadd.f32 v14, v13;
	v14 =	vadd.f32 v19, v16;
	[tilespmem:s6], [sflag:$0x1] =	stream.strided.gather @!p0 [hbm4b:s0+s3], $0x4000, s5, s3, $0x38  }
0x14d: {  	v16 =	vmul.f32 v12, v12;
	v5 =	vadd.f32 v12, v5;
	v1 =	vmul.f32 v1, v2;
	s3 =	sor.u32 s10, s9;
	_ =	swait.ge [sflag:s28], $0x4000  }
0x14e: {  	v4 =	vmul.f32 v4, v0;
	v15 =	vadd.f32 v18, v15;
	v11 =	vadd.f32 v11, v17;
	s0 =	sand.u32 $0x60, s7;
	s5 =	sor.u32 $0xF000, s3;
	[sflag:s28] =	ssyncset.done $0x0  }
0x14f: {  	v10 =	vmul.f32 v10, v0;
	v7 =	vadd.f32 v16, v7;
	v9 =	vmul.f32 v9, v2;
	s7 =	sor.u32 $0x10, s0;
	s11 =	sor.u32 s0, s5;
	[sflag:s28] =	ssyncadd.s32 $0xFFFFC000  }
0x150: {  	v12 =	vmul.f32 v4, v4;
	v4 =	vadd.f32 v4, v6;
	v8 =	vmul.f32 v8, v0;
	s14 =	sor.u32 $0x7000, s3;
	s5 =	sor.u32 s7, s5;
	v16 =	vld [tilespmem:s11+$0x0]  }
0x151: {  	v3 =	vadd.f32 v10, v3;
	v10 =	vmul.f32 v10, v10;
	v0 =	vmul.f32 v20, v0;
	s15 =	sor.u32 s7, s14;
	v6 =	vld [tilespmem:s5+$0x0]  }
0x152: {  	s16 =	sor.u32 $0xE000, s3;
	v18 =	vmul.f32 v22, v2;
	v5 =	vadd.f32 v8, v5;
	v8 =	vmul.f32 v8, v8;
	s9 =	sor.u32 s0, s14;
	v17 =	vld [tilespmem:s15+$0x0]  }
0x153: {  	s18 =	sor.u32 $0xD000, s3;
	v2 =	vmul.f32 v21, v2;
	v4 =	vadd.f32 v1, v4;
	s17 =	sor.u32 s0, s16;
	v13 =	vadd.f32 v0, v13;
	v19 =	vld [tilespmem:s9+$0x0]  }
0x154: {  	s21 =	sor.u32 s0, s18;
	v0 =	vmul.f32 v0, v0;
	v7 =	vadd.f32 v8, v7;
	v8 =	vadd.f32 v12, v14;
	v12 =	vld [tilespmem:s17+$0x0]  }
0x155: {  	s3 =	sor.u32 $0xC000, s3;
	v3 =	vadd.f32 v9, v3;
	v9 =	vmul.f32 v9, v9;
	s5 =	sor.u32 s7, s16;
	v14 =	vmul.f32 v1, v1;
	v1 =	vld [tilespmem:s21+$0x0]  }
0x156: {  	s30 =	simm.s32 $0x8;
	s31 =	simm.s32 $0x100;
	v10 =	vadd.f32 v10, v11;
	s0 =	sor.u32 s0, s3;
	v11 =	vmul.f32 v18, v18;
	v0 =	vadd.f32 v0, v15;
	v15 =	vld [tilespmem:s5+$0x0]  }
0x157: {  	s6 =	sand.u32 $0xC00, s31;
	s3 =	sor.u32 s7, s3;
	v13 =	vadd.f32 v18, v13;
	s5 =	sand.u32 $0x380, s30;
	v18 =	vadd.f32 v14, v8;
	v8 =	vld [tilespmem:s0+$0x0]  }
0x158: {  	s29 =	simm.s32 $0x20;
	v20 =	vadd.f32 v9, v10;
	v10 =	vld [tilespmem:s3+$0x0];
	v14 =	vmul.f32 v2, v2;
	s11 =	sor.u32 s5, s6;
	v11 =	vadd.f32 v11, v0  }
0x159: {  	s10 =	sand.u32 $0x60, s29;
	s9 =	sor.u32 s7, s18;
	v0 =	vadd.f32 v2, v5;
	s6 =	sor.u32 $0xF000, s11;
	v5 =	vmul.f32 v16, v19;
	v9 =	vmul.f32 v12, v19  }
0x15a: {  	v62 =	vld [tilespmem:s9+$0x0];
	s5 =	sor.u32 $0x10, s10;
	v7 =	vadd.f32 v14, v7;
	s14 =	sor.u32 s10, s6;
	v63 =	vmul.f32 v6, v17;
	v14 =	vmul.f32 v1, v19  }
0x15b: {  	s15 =	sor.u32 $0x7000, s11;
	s16 =	sor.u32 s5, s6;
	v2 =	vld [tilespmem:s14+$0x0];
	v12 =	vmul.f32 v15, v17;
	v3 =	vadd.f32 v9, v3;
	v15 =	vmul.f32 v5, v5  }
0x15c: {  	s3 =	sor.u32 $0xD000, s11;
	s17 =	sor.u32 s5, s15;
	v1 =	vld [tilespmem:s16+$0x0];
	v8 =	vmul.f32 v8, v19;
	v23 =	vmul.f32 v9, v9;
	v5 =	vadd.f32 v5, v4  }
0x15d: {  	v6 =	vld [tilespmem:s17+$0x0];
	s14 =	sor.u32 s10, s3;
	v4 =	vadd.f32 v14, v0;
	v9 =	vmul.f32 v14, v14;
	v14 =	vmul.f32 v10, v17  }
0x15e: {  	s21 =	sshll.u32 s19, $0x9;
	s18 =	sor.u32 $0xE000, s11;
	s9 =	sor.u32 s10, s15;
	v10 =	vld [tilespmem:s14+$0x0];
	v0 =	vadd.f32 v12, v3;
	v13 =	vadd.f32 v8, v13;
	v19 =	vmul.f32 v8, v8  }
0x15f: {  	s19 =	sadd.s32 $0x1, s19;
	s31 =	sor.u32 $0xC000, s11;
	s30 =	sor.u32 s10, s18;
	v3 =	vld [tilespmem:s9+$0x0];
	v7 =	vadd.f32 v9, v7;
	v16 =	vadd.f32 v15, v18;
	v12 =	vmul.f32 v12, v12  }
0x160: {  	s11 =	simm.s32 $0x10;
	s0 =	sor.u32 s5, s18;
	s6 =	sor.u32 s5, s31;
	v8 =	vld [tilespmem:s30+$0x0];
	v18 =	vmul.f32 v14, v14;
	v5 =	vadd.f32 v63, v5;
	v15 =	vadd.f32 v19, v11  }
0x161: {  	s10 =	sor.u32 s10, s31;
	v9 =	vld [tilespmem:s0+$0x0];
	s9 =	sor.u32 s5, s3;
	s5 =	simm.s32 $0x200;
	v11 =	vmul.f32 v62, v17;
	v19 =	vmul.f32 v63, v63;
	v17 =	vadd.f32 v23, v20  }
.LBB2_19:
0x162: {  	s7 =	smov.u32 s11  }
0x163: {  	s0 =	sand.u32 $0xC00, s5;
	s3 =	sand.u32 $0x380, s11;
	v20 =	vld [tilespmem:s10+$0x0];
	v13 =	vadd.f32 v14, v13;
	v14 =	vmul.f32 v11, v11;
	v16 =	vadd.f32 v19, v16;
	v19 =	vmovc v6;
	s7 =	sadd.s32 $0x8, s11  }
0x164: {  	p1 =	sne.s32 s11, $0x3F8;
	s29 =	sadd.s32 $0x20, s29;
	s0 =	sor.u32 s3, s0;
	v6 =	vmul.f32 v2, v3;
	v15 =	vadd.f32 v18, v15;
	v17 =	vadd.f32 v12, v17;
	v21 =	vld [tilespmem:s9+$0x0]  }
0x165: {  	v4 =	vadd.f32 v11, v4;
	s3 =	sand.u32 $0x60, s29;
	s9 =	sor.u32 $0xC000, s0;
	s10 =	sor.u32 $0xF000, s0;
	v8 =	vmul.f32 v8, v3;
	v7 =	vadd.f32 v14, v7;
	v12 =	vld [tilespmem:s6+$0x0]  }
0x166: {  	v22 =	vmul.f32 v1, v19;
	s11 =	sor.u32 $0x7000, s0;
	s14 =	sor.u32 $0x10, s3;
	s6 =	sor.u32 s3, s10;
	v9 =	vmul.f32 v9, v19  }
0x167: {  	s15 =	sor.u32 $0xD000, s0;
	s10 =	sor.u32 s14, s10;
	v11 =	vmul.f32 v6, v6;
	v10 =	vmul.f32 v10, v3;
	v0 =	vadd.f32 v8, v0;
	v2 =	vld [tilespmem:s6+$0x0];
	s6 =	sor.u32 s14, s9  }
0x168: {  	s0 =	sor.u32 $0xE000, s0;
	s16 =	sor.u32 s3, s15;
	s17 =	sor.u32 s14, s11;
	v5 =	vadd.f32 v6, v5;
	v18 =	vmul.f32 v8, v8;
	v14 =	vmul.f32 v20, v3;
	v1 =	vld [tilespmem:s10+$0x0]  }
.Ltmp8:
0x169: {  	s10 =	sor.u32 s3, s11;
	s11 =	sor.u32 s3, s0;
	v4 =	vadd.f32 v10, v4;
	v10 =	vmul.f32 v10, v10;
	v0 =	vadd.f32 v9, v0;
	v6 =	vld [tilespmem:s17+$0x0];
	(pc) =	sbr.rel @p1 .LBB2_19-.Ltmp8, $4  }
0x16a: {  	s0 =	sor.u32 s14, s0;
	v13 =	vadd.f32 v14, v13;
	v20 =	vmul.f32 v14, v14;
	v3 =	vld [tilespmem:s10+$0x0];
	s10 =	sor.u32 s3, s9;
	s9 =	sor.u32 s14, s15;
	v14 =	vmul.f32 v12, v19  }
0x16b: {  	v16 =	vadd.f32 v11, v16;
	v7 =	vadd.f32 v10, v7;
	v12 =	vmul.f32 v9, v9;
	v8 =	vld [tilespmem:s11+$0x0]  }
0x16c: {  	v11 =	vmul.f32 v21, v19;
	v19 =	vmul.f32 v22, v22;
	v15 =	vadd.f32 v20, v15;
	v9 =	vld [tilespmem:s0+$0x0]  }
0x16d: {  	s5 =	sadd.s32 $0x100, s5;
	v5 =	vadd.f32 v22, v5;
	v17 =	vadd.f32 v18, v17;
	s11 =	smov.u32 s7;
	v18 =	vmul.f32 v14, v14;
	v10 =	vld [tilespmem:s16+$0x0]  }
0x16e: {  	v20 =	vld [tilespmem:s10+$0x0];
	v13 =	vadd.f32 v14, v13  }
0x16f: {  	v21 =	vld [tilespmem:s6+$0x0];
	v45 =	vadd.f32 v19, v16;
	v46 =	vmul.f32 v11, v11;
	v1 =	vmul.f32 v1, v6  }
0x170: {  	v47 =	vld [tilespmem:s9+$0x0];
	v4 =	vadd.f32 v11, v4;
	v2 =	vmul.f32 v2, v3;
	v15 =	vadd.f32 v18, v15  }
0x171: {  	v12 =	vadd.f32 v12, v17;
	v8 =	vmul.f32 v8, v3;
	v62 =	vmul.f32 v1, v1  }
0x172: {  	v7 =	vadd.f32 v46, v7;
	v9 =	vmul.f32 v9, v6;
	v58 =	vmul.f32 v2, v2  }
0x173: {  	s0 =	sadd.s32 @!p0 s13, s20;
	v2 =	vadd.f32 v2, v5;
	v49 =	vmul.f32 v10, v3;
	v55 =	vmul.f32 v8, v8  }
0x174: {  	s3 =	simm.s32 @!p0 $0x1000;
	s0 =	sshrl.u32 @!p0 s0, $0x3;
	v0 =	vadd.f32 v8, v0;
	v48 =	vmul.f32 v20, v3;
	v51 =	vmul.f32 v21, v6  }
0x175: {  	s5 =	simm.s32 @!p0 $0x40000;
	s6 =	simm.s32 @!p0 $0xC000;
	s0 =	sadd.s32 @!p0 s2, s0;
	v53 =	vmul.f32 v47, v6;
	v61 =	vadd.f32 v58, v45;
	v1 =	vadd.f32 v1, v2  }
0x176: {  	[tilespmem:s6], [sflag:$0x2] =	stream.strided.gather @!p0 [hbm4b:s0+s3], $0x4000, s5, s3, $0x38;
	v59 =	vmul.f32 v9, v9;
	v3 =	vadd.f32 v49, v4;
	v0 =	vadd.f32 v9, v0;
	[tilespmem:$0x12880] =	vst v63  }
0x177: {  	v52 =	vmul.f32 v49, v49;
	v60 =	vadd.f32 v55, v12;
	v63 =	vadd.f32 v62, v61;
	[tilespmem:s21+$0x10180] =	vst v1  }
0x178: {  	v50 =	vmul.f32 v48, v48;
	v13 =	vadd.f32 v48, v13;
	v3 =	vadd.f32 v53, v3;
	[tilespmem:s21+$0x10100] =	vst v0  }
0x179: {  	p0 =	sne.s32 s19, $0xA;
	v57 =	vmul.f32 v53, v53;
	v7 =	vadd.f32 v52, v7;
	v4 =	vadd.f32 v59, v60;
	[tilespmem:s21+$0x11580] =	vst v63  }
.Ltmp9:
0x17a: {  	v54 =	vmul.f32 v51, v51;
	v10 =	vadd.f32 v50, v15;
	v56 =	vadd.f32 v51, v13;
	[tilespmem:s21+$0x10080] =	vst v3;
	(pc) =	sbr.rel @p0 .LBB2_4-.Ltmp9, $4  }
0x17b: {  	v7 =	vadd.f32 v57, v7;
	[tilespmem:s21+$0x11500] =	vst v4  }
0x17c: {  	v10 =	vadd.f32 v54, v10;
	[tilespmem:s21+$0x10000] =	vst v56  }
0x17d: {  	[tilespmem:s21+$0x11480] =	vst v7  }
0x17e: {  	[tilespmem:s21+$0x11400] =	vst v10  }
0x17f: {  	s9 =	simm.s32 $0x0;
	s0 =	rddreg [dreg:$0x9];
	s1 =	simm.s32 $0x10000  }
0x180: {  	[hbm4b:s0+s9] =	stream.linear.scatter [tilespmem:s1], [sflag:$0x3], $0x1400, $0x38;
	[tilespmem:$0x12880] =	vst v63  }
0x181: {  	s1 =	simm.s32 $0x3  }
0x182: {  	_ =	swait.ge [sflag:s1], $0x1400  }
0x183: {  	[sflag:s1] =	ssyncset.done $0x0  }
0x184: {  	s3 =	simm.s32 $0x11400;
	s20 =	rddreg [dreg:$0xa];
	[sflag:s1] =	ssyncadd.s32 $0xFFFFEC00  }
0x185: {  	[hbm4b:s20+s9] =	stream.linear.scatter [tilespmem:s3], [sflag:$0x3], $0x1400, $0x38;
	[tilespmem:$0x12880] =	vst v63  }
0x186: {  	_ =	swait.ge [sflag:s1], $0x1400  }
0x187: {  	[sflag:s1] =	ssyncset.done $0x0  }
0x188: {  	s29 =	simm.s32 $0x12800;
	s21 =	rddreg [dreg:$0xb];
	[sflag:s1] =	ssyncadd.s32 $0xFFFFEC00  }
0x189: {  	[hbm4b:s21+s9] =	stream.linear.scatter [tilespmem:s29], [sflag:$0x3], $0x80, $0x38;
	[tilespmem:$0x12880] =	vst v63  }
0x18a: {  	_ =	swait.ge [sflag:s1], $0x80  }
0x18b: {  	s30 =	rddreg [dreg:$0xd]  }
0x18c: {  	s31 =	rddreg [dreg:$0xc];
	s3 =	sadd.s32 $0x1, s30  }
0x18d: {  	p0 =	sne.s32 s3, s31  }
.Ltmp10:
0x18e: {  	_ = 	snop;
	(pc) =	sbr.rel @p0 .LBB2_1-.Ltmp10, $3  }
0x18f: {  	_ =	sdelay $0x1  }
0x190: {  	[sflag:s1] =	ssyncset.done $0x0  }
0x191: {  	[sflag:s1] =	ssyncadd.s32 $0xFFFFFF80  }
0x192: {  	_ =	sfence.sel $0x180000  }
0x193: {  	[bflag:$0x0] =	sbarrier.arrive $0xFFFF  }
0x194: {  	_ =	strace $0x90000047  }
0x195: {  	s0 =	stileid.u32;
	[bflag:$0x2] =	sbarrier.arrive $0xFFFF  }
0x196: {  	p0 =	sne.s32 s0, $0x0;
	s0 =	rddreg [dreg:$0x2]  }
0x197: {  	s0 =	sadd.s32 @!p0 $0x100000, s0  }
0x198: {  	[sflag:s0] =	ssyncadd.tile.s32 @!p0 $0x1;
	_ =	shalt  }
.Lfunc_end2:
_tile_overlayer_lowered:
.L_overlay_start_2:
0x199: {  	(tag) =	ssettag $0x2  }
0x19a: {  	s0 =	rddreg [dreg:$0x0];
	s2 =	stileid.u32  }
0x19b: {  	s1 =	rddreg [dreg:$0x1];
	p0 =	sne.s32 s2, $0x0  }
0x19c: {  	s3 =	rddreg [dreg:$0x2];
	[bflag:$0x3] =	sbarrier.arrive $0xFFFF;
	s2 =	simm.s32 @!p0 $0x1C03  }
0x19d: {  	[timem:s3], [sflag:s2] =	dma.local @!p0 [hbm:s0], s1  }
0x19e: {  	s0 =	simm.s32 @!p0 $0x3  }
0x19f: {  	_ =	swait.ge @!p0 [sflag:s0], s1  }
0x1a0: {  	s1 =	ssub.s32 @!p0 $0x0, s1;
	[sflag:s0] =	ssyncset.done @!p0 $0x0  }
0x1a1: {  	[sflag:s0] =	ssyncadd.s32 @!p0 s1  }
0x1a2: {  	[bflag:$0x3] =	sbarrier.arrive $0xFFFF  }
0x1a3: {  	_ =	shalt  }

</sc_bundles>
